<compile_context>
chip_gen: v7x
topology: tpu7x:2x2x1
jax: 0.10.2.dev20260603
libtpu: 0.0.44.dev20260713+nightly
codegen_flags: <defaults>
</compile_context>

<pallas_src>
import functools

import jax
import jax.numpy as jnp
from jax import lax
from jax.experimental import pallas as pl
from jax.experimental.pallas import tpu as pltpu
from jax.experimental.pallas import tpu_sc as plsc

_B, _D, _H, _W = 8, 256, 32, 32
_K = 8192
_M = _B * _H * _W
_T = 512
_GRID = _M // _T
_L = 16


def _argmin_body(x_ref, cb_ref, w_ref, idx_ref, imp_ref, csq_ref):
    @pl.when(pl.program_id(0) == 0)
    def _init():
        imp = lax.dot_general(
            cb_ref[...], w_ref[...], (((1,), (1,)), ((), ())),
            preferred_element_type=jnp.float32)
        imp_ref[...] = imp
        csq_ref[...] = jnp.transpose(
            jnp.sum(imp * imp, axis=1, keepdims=True), (1, 0))

    x = x_ref[...]
    imp = imp_ref[...]
    scores2 = lax.dot_general(
        x + x, imp, (((1,), (1,)), ((), ())),
        preferred_element_type=jnp.float32)
    xsq = jnp.sum(x * x, axis=1, keepdims=True)
    d2 = (xsq + csq_ref[0:1, :]) - scores2
    idx_ref[...] = jnp.argmin(d2, axis=1).astype(jnp.int32)[:, None]


def _distance_argmin(xr2, frozen_codebook, W):
    return pl.pallas_call(
        _argmin_body,
        grid=(_GRID,),
        in_specs=[
            pl.BlockSpec((_T, _D), lambda i: (i, 0)),
            pl.BlockSpec((_K, _D), lambda i: (0, 0)),
            pl.BlockSpec((_D, _D), lambda i: (0, 0)),
        ],
        out_specs=[
            pl.BlockSpec((_T, 1), lambda i: (i, 0)),
            pl.BlockSpec((_K, _D), lambda i: (0, 0)),
        ],
        out_shape=[
            jax.ShapeDtypeStruct((_M, 1), jnp.int32),
            jax.ShapeDtypeStruct((_K, _D), jnp.float32),
        ],
        scratch_shapes=[pltpu.VMEM((1, _K), jnp.float32)],
    )(xr2, frozen_codebook, W)


def _sc_gather_loss(table, idx, xr2):
    info = plsc.get_sparse_core_info()
    nc, ns = info.num_cores, info.num_subcores
    nw = nc * ns
    bpw = _M // nw
    half = bpw // 2
    mesh = plsc.VectorSubcoreMesh(core_axis_name="c", subcore_axis_name="s")

    @functools.partial(
        pl.kernel, mesh=mesh,
        out_type=[
            jax.ShapeDtypeStruct((_M, _D), jnp.float32),
            jax.ShapeDtypeStruct((nw, _L), jnp.float32),
        ],
        scratch_types=[
            pltpu.VMEM((bpw,), jnp.int32),
            pltpu.VMEM((half, _D), jnp.float32),
            pltpu.VMEM((half, _D), jnp.float32),
            pltpu.VMEM((half, _D), jnp.float32),
            pltpu.VMEM((_L,), jnp.float32),
            pltpu.SemaphoreType.DMA,
            pltpu.SemaphoreType.DMA,
            pltpu.SemaphoreType.DMA,
        ],
    )
    def gk(table_hbm, idx_hbm, x_hbm, out_hbm, loss_hbm,
           idx_v, rows_a, rows_b, xv, acc_v, sem_a, sem_b, semx):
        wid = lax.axis_index("s") * nc + lax.axis_index("c")
        base = wid * bpw
        pltpu.sync_copy(idx_hbm.at[pl.ds(base, bpw)], idx_v)
        ca = pltpu.async_copy(table_hbm.at[idx_v.at[pl.ds(0, half)]],
                              rows_a, sem_a)
        cb = pltpu.async_copy(table_hbm.at[idx_v.at[pl.ds(half, half)]],
                              rows_b, sem_b)

        def loss_chunk(rows_v, row0, acc):
            cx = pltpu.async_copy(x_hbm.at[pl.ds(row0, half)], xv, semx)
            cx.wait()

            def rowbody(r, a):
                for ci in range(_D // _L):
                    dlt = (rows_v[r, pl.ds(ci * _L, _L)]
                           - xv[r, pl.ds(ci * _L, _L)])
                    a = a + dlt * dlt
                return a

            return lax.fori_loop(0, half, rowbody, acc, unroll=4)

        ca.wait()
        co_a = pltpu.async_copy(rows_a, out_hbm.at[pl.ds(base, half)], sem_a)
        acc = loss_chunk(rows_a, base, jnp.zeros((_L,), jnp.float32))
        cb.wait()
        co_b = pltpu.async_copy(rows_b, out_hbm.at[pl.ds(base + half, half)],
                                sem_b)
        acc = loss_chunk(rows_b, base + half, acc)
        acc_v[...] = acc
        co_a.wait()
        co_b.wait()
        pltpu.sync_copy(acc_v, loss_hbm.at[wid])

    return gk(table, idx, xr2)


def kernel(x, W, frozen_codebook):
    b, d, h, w = x.shape
    xr = jnp.transpose(x, (0, 2, 3, 1)).reshape(b, h * w, d)
    xr2 = xr.reshape(_M, _D)

    idx2d, implicit = _distance_argmin(xr2, frozen_codebook, W)
    indices = idx2d[:, 0]

    quantized, loss_parts = _sc_gather_loss(implicit, indices, xr2)

    commit_loss = 1.25 * (jnp.sum(loss_parts) / (_M * _D))
    q_ste = (quantized - xr2) + xr2
    q_out = jnp.transpose(q_ste.reshape(b, h, w, d), (0, 3, 1, 2))
    idx_out = indices.reshape(b, h, w)
    return q_out, idx_out, commit_loss

# --- scband reference (transcript-rebuilt; emitter-appended) ---
"""Pipeline reference for scband-sim-vq-48378511622626 (READ-ONLY COPY).

The authoritative reference and input builder live on the scoring server;
editing this copy changes nothing except your own understanding.
"""

import jax, jax.numpy as jnp
import numpy as np

B, D, H, W_SP = 8, 256, 32, 32
K = 8192
COMMIT_W = 0.25

def setup_inputs(seed: int = 0) -> dict:
    key = jax.random.key(seed)
    k1, k2, k3 = jax.random.split(key, 3)
    x = jax.random.normal(k1, (B, D, H, W_SP), dtype=jnp.float32)
    # frozen (non-trainable) codebook, init as randn * dim**-0.5 like the torch module
    frozen_codebook = jax.random.normal(k2, (K, D), dtype=jnp.float32) * (D ** -0.5)
    # code_transform: nn.Linear(D, D, bias=False) weight, shape [out, in]
    W = jax.random.normal(k3, (D, D), dtype=jnp.float32) * (D ** -0.5)
    return {"x": x, "W": W, "frozen_codebook": frozen_codebook}

def reference(x, W, frozen_codebook):
    b, d, h, w = x.shape
    # channel_first: b d h w -> b (h w) d
    xr = jnp.transpose(x, (0, 2, 3, 1)).reshape(b, h * w, d)
    # implicit codebook = Linear(frozen_codebook) with no bias
    implicit = frozen_codebook @ W.T  # [K, D]
    # distances computed under no_grad in torch -> stop_gradient here
    xq = jax.lax.stop_gradient(xr)
    impq = jax.lax.stop_gradient(implicit)
    x_sq = jnp.sum(xq * xq, axis=-1, keepdims=True)            # [b, n, 1]
    c_sq = jnp.sum(impq * impq, axis=-1)                        # [K]
    d2 = x_sq + c_sq[None, None, :] - 2.0 * jnp.einsum('bnd,cd->bnc', xq, impq)
    indices = jnp.argmin(d2, axis=-1)                           # [b, n] (same argmin as cdist)
    # gather: get_at('[c] d, b n -> b n d', implicit, indices)
    quantized = jnp.take(implicit, indices, axis=0)             # [b, n, d]
    commit_loss = (jnp.mean((jax.lax.stop_gradient(xr) - quantized) ** 2)
                   + COMMIT_W * jnp.mean((xr - jax.lax.stop_gradient(quantized)) ** 2))
    # straight-through estimator
    quantized = jax.lax.stop_gradient(quantized - xr) + xr
    quantized = quantized.reshape(b, h, w, d)
    indices = indices.reshape(b, h, w)
    quantized = jnp.transpose(quantized, (0, 3, 1, 2))          # b d h w
    return quantized, indices, commit_loss

if __name__ == "__main__":
    import jax
    _d = setup_inputs()
    print(jax.jit(kernel)(*tuple(_d.values())))

</pallas_src>

<mosaic_0001>
#map = affine_map<(d0, d1) -> (0, 0)>
#map1 = affine_map<(d0, d1) -> (0)>
module attributes {stable_mosaic.version = 14 : i64} {
  func.func @gk(%arg0: i32, %arg1: i32, %arg2: memref<8192x256xf32, #tpu.memory_space<hbm>>, %arg3: memref<8192xi32, #tpu.memory_space<hbm>>, %arg4: memref<8192x256xf32, #tpu.memory_space<hbm>>, %arg5: memref<8192x256xf32, #tpu.memory_space<hbm>>, %arg6: memref<32x16xf32, #tpu.memory_space<hbm>>, %arg7: memref<256xi32, #tpu.memory_space<vmem>>, %arg8: memref<128x256xf32, #tpu.memory_space<vmem>>, %arg9: memref<128x256xf32, #tpu.memory_space<vmem>>, %arg10: memref<128x256xf32, #tpu.memory_space<vmem>>, %arg11: memref<16xf32, #tpu.memory_space<vmem>>, %arg12: memref<!tpu.dma_semaphore, #tpu.memory_space<semaphore_mem>>, %arg13: memref<!tpu.dma_semaphore, #tpu.memory_space<semaphore_mem>>, %arg14: memref<!tpu.dma_semaphore, #tpu.memory_space<semaphore_mem>>) attributes {dimension_semantics = [#tpu.dimension_semantics<core_parallel>, #tpu.dimension_semantics<subcore_parallel>], iteration_bounds = array<i64: 2, 16>, scalar_prefetch = 0 : i64, scratch_operands = 8 : i64, tpu.core_type = #tpu.core_type<sc_vector_subcore>, window_params = [{transform_indices = #map}, {transform_indices = #map1}, {transform_indices = #map}, {transform_indices = #map}, {transform_indices = #map}]} {
    %mul3A = arith.constant 2 : i32
    %mul3A_0 = arith.muli %arg1, %mul3A : i32
    %add3A = arith.addi %mul3A_0, %arg0 : i32
    %mul3A_1 = arith.constant 256 : i32
    %mul3A_2 = arith.muli %add3A, %mul3A_1 : i32
    "tpu.region"() ({
      %run_scoped3A = tpu.sem_alloc : memref<!tpu.dma_semaphore, #tpu.memory_space<semaphore_mem>>
      %dma_start3A_72 = tpu.memref_slice %arg3[%mul3A_2] : memref<8192xi32, #tpu.memory_space<hbm>> -> memref<256xi32, #tpu.memory_space<hbm>>
      %dma_start3A_73 = tpu.memref_slice %arg3[%mul3A_2] : memref<8192xi32, #tpu.memory_space<hbm>> -> memref<256xi32, #tpu.memory_space<hbm>>
      tpu.enqueue_dma source(%dma_start3A_73 : memref<256xi32, #tpu.memory_space<hbm>>) target(%arg7 : memref<256xi32, #tpu.memory_space<vmem>>) target_semaphore(%run_scoped3A : memref<!tpu.dma_semaphore, #tpu.memory_space<semaphore_mem>>)
      %dma_wait3A_74 = tpu.memref_slice %arg3[%mul3A_2] : memref<8192xi32, #tpu.memory_space<hbm>> -> memref<256xi32, #tpu.memory_space<hbm>>
      %dma_wait3A_75 = tpu.memref_slice %arg3[%mul3A_2] : memref<8192xi32, #tpu.memory_space<hbm>> -> memref<256xi32, #tpu.memory_space<hbm>>
      tpu.wait_dma2 semaphore(%run_scoped3A : memref<!tpu.dma_semaphore, #tpu.memory_space<semaphore_mem>>) src(%dma_wait3A_75 : memref<256xi32, #tpu.memory_space<hbm>>) dst(%arg7 : memref<256xi32, #tpu.memory_space<vmem>>)
      tpu.yield
    }) : () -> ()
    %dma_start3A = arith.constant 0 : i32
    %dma_start3A_3 = tpu.memref_slice %arg7[%dma_start3A] : memref<256xi32, #tpu.memory_space<vmem>> -> memref<128xi32, #tpu.memory_space<vmem>>
    %dma_start3A_4 = arith.constant 0 : i32
    %dma_start3A_5 = arith.constant 0 : i32
    %dma_start3A_6 = tpu.memref_slice %arg2[%dma_start3A_4, %dma_start3A_5] : memref<8192x256xf32, #tpu.memory_space<hbm>> -> memref<8192x256xf32, #tpu.memory_space<hbm>>
    tpu.enqueue_indirect_dma source(%dma_start3A_6 : memref<8192x256xf32, #tpu.memory_space<hbm>>) target(%arg8 : memref<128x256xf32, #tpu.memory_space<vmem>>) offsets(%dma_start3A_3 : memref<128xi32, #tpu.memory_space<vmem>>) semaphore(%arg12 : memref<!tpu.dma_semaphore, #tpu.memory_space<semaphore_mem>>)
    %dma_start3A_7 = arith.constant 128 : i32
    %dma_start3A_8 = tpu.memref_slice %arg7[%dma_start3A_7] : memref<256xi32, #tpu.memory_space<vmem>> -> memref<128xi32, #tpu.memory_space<vmem>>
    %dma_start3A_9 = arith.constant 0 : i32
    %dma_start3A_10 = arith.constant 0 : i32
    %dma_start3A_11 = tpu.memref_slice %arg2[%dma_start3A_9, %dma_start3A_10] : memref<8192x256xf32, #tpu.memory_space<hbm>> -> memref<8192x256xf32, #tpu.memory_space<hbm>>
    tpu.enqueue_indirect_dma source(%dma_start3A_11 : memref<8192x256xf32, #tpu.memory_space<hbm>>) target(%arg9 : memref<128x256xf32, #tpu.memory_space<vmem>>) offsets(%dma_start3A_8 : memref<128xi32, #tpu.memory_space<vmem>>) semaphore(%arg13 : memref<!tpu.dma_semaphore, #tpu.memory_space<semaphore_mem>>)
    %dma_wait3A = arith.constant 0 : i32
    %dma_wait3A_12 = tpu.memref_slice %arg7[%dma_wait3A] : memref<256xi32, #tpu.memory_space<vmem>> -> memref<128xi32, #tpu.memory_space<vmem>>
    %dma_wait3A_13 = arith.constant 0 : i32
    %dma_wait3A_14 = arith.constant 0 : i32
    %dma_wait3A_15 = tpu.memref_slice %arg2[%dma_wait3A_13, %dma_wait3A_14] : memref<8192x256xf32, #tpu.memory_space<hbm>> -> memref<8192x256xf32, #tpu.memory_space<hbm>>
    tpu.wait_indirect_dma semaphore(%arg12 : memref<!tpu.dma_semaphore, #tpu.memory_space<semaphore_mem>>) src(%dma_wait3A_15 : memref<8192x256xf32, #tpu.memory_space<hbm>>) dst(%arg8 : memref<128x256xf32, #tpu.memory_space<vmem>>)
    %dma_start3A_16 = arith.constant 0 : i32
    %dma_start3A_17 = tpu.memref_slice %arg5[%mul3A_2, %dma_start3A_16] : memref<8192x256xf32, #tpu.memory_space<hbm>> -> memref<128x256xf32, #tpu.memory_space<hbm>>
    %dma_start3A_18 = arith.constant 0 : i32
    %dma_start3A_19 = tpu.memref_slice %arg5[%mul3A_2, %dma_start3A_18] : memref<8192x256xf32, #tpu.memory_space<hbm>> -> memref<128x256xf32, #tpu.memory_space<hbm>>
    tpu.enqueue_dma source(%arg8 : memref<128x256xf32, #tpu.memory_space<vmem>>) target(%dma_start3A_19 : memref<128x256xf32, #tpu.memory_space<hbm>>) target_semaphore(%arg12 : memref<!tpu.dma_semaphore, #tpu.memory_space<semaphore_mem>>)
    %broadcast_in_dim3A = arith.constant 0.000000e+00 : f32
    %broadcast_in_dim3A_20 = vector.broadcast %broadcast_in_dim3A : f32 to vector<16xf32>
    %dma_start3A_21 = arith.constant 0 : i32
    %dma_start3A_22 = tpu.memref_slice %arg4[%mul3A_2, %dma_start3A_21] : memref<8192x256xf32, #tpu.memory_space<hbm>> -> memref<128x256xf32, #tpu.memory_space<hbm>>
    %dma_start3A_23 = arith.constant 0 : i32
    %dma_start3A_24 = tpu.memref_slice %arg4[%mul3A_2, %dma_start3A_23] : memref<8192x256xf32, #tpu.memory_space<hbm>> -> memref<128x256xf32, #tpu.memory_space<hbm>>
    tpu.enqueue_dma source(%dma_start3A_24 : memref<128x256xf32, #tpu.memory_space<hbm>>) target(%arg10 : memref<128x256xf32, #tpu.memory_space<vmem>>) target_semaphore(%arg14 : memref<!tpu.dma_semaphore, #tpu.memory_space<semaphore_mem>>)
    %dma_wait3A_25 = arith.constant 0 : i32
    %dma_wait3A_26 = tpu.memref_slice %arg4[%mul3A_2, %dma_wait3A_25] : memref<8192x256xf32, #tpu.memory_space<hbm>> -> memref<128x256xf32, #tpu.memory_space<hbm>>
    %dma_wait3A_27 = arith.constant 0 : i32
    %dma_wait3A_28 = tpu.memref_slice %arg4[%mul3A_2, %dma_wait3A_27] : memref<8192x256xf32, #tpu.memory_space<hbm>> -> memref<128x256xf32, #tpu.memory_space<hbm>>
    tpu.wait_dma2 semaphore(%arg14 : memref<!tpu.dma_semaphore, #tpu.memory_space<semaphore_mem>>) src(%dma_wait3A_28 : memref<128x256xf32, #tpu.memory_space<hbm>>) dst(%arg10 : memref<128x256xf32, #tpu.memory_space<vmem>>)
    %scan3A = arith.constant 0 : i32
    %scan3A_29 = arith.constant 128 : i32
    %scan3A_30 = arith.addi %scan3A, %scan3A_29 : i32
    %scan3A_31 = arith.constant 4 : i32
    %scan3A_32 = scf.for %scan3A_72 = %scan3A to %scan3A_30 step %scan3A_31 iter_args(%scan3A_73 = %broadcast_in_dim3A_20) -> (vector<16xf32>)  : i32 {
      %get3A = arith.index_cast %scan3A_72 : i32 to index
      %get3A_74 = arith.constant 0 : index
      %get3A_75 = tpu.vector_load %arg8[%get3A, %get3A_74] {strides = array<i32>} : memref<128x256xf32, #tpu.memory_space<vmem>>, vector<1x16xf32>,
      %get3A_76 = vector.shape_cast %get3A_75 : vector<1x16xf32> to vector<16xf32>
      %get3A_77 = arith.index_cast %scan3A_72 : i32 to index
      %get3A_78 = arith.constant 0 : index
      %get3A_79 = tpu.vector_load %arg10[%get3A_77, %get3A_78] {strides = array<i32>} : memref<128x256xf32, #tpu.memory_space<vmem>>, vector<1x16xf32>,
      %get3A_80 = vector.shape_cast %get3A_79 : vector<1x16xf32> to vector<16xf32>
      %sub3A = arith.subf %get3A_76, %get3A_80 : vector<16xf32>
      %mul3A_81 = arith.mulf %sub3A, %sub3A : vector<16xf32>
      %add3A_82 = arith.addf %scan3A_73, %mul3A_81 : vector<16xf32>
      %get3A_83 = arith.index_cast %scan3A_72 : i32 to index
      %get3A_84 = arith.constant 16 : index
      %get3A_85 = tpu.vector_load %arg8[%get3A_83, %get3A_84] {strides = array<i32>} : memref<128x256xf32, #tpu.memory_space<vmem>>, vector<1x16xf32>,
      %get3A_86 = vector.shape_cast %get3A_85 : vector<1x16xf32> to vector<16xf32>
      %get3A_87 = arith.index_cast %scan3A_72 : i32 to index
      %get3A_88 = arith.constant 16 : index
      %get3A_89 = tpu.vector_load %arg10[%get3A_87, %get3A_88] {strides = array<i32>} : memref<128x256xf32, #tpu.memory_space<vmem>>, vector<1x16xf32>,
      %get3A_90 = vector.shape_cast %get3A_89 : vector<1x16xf32> to vector<16xf32>
      %sub3A_91 = arith.subf %get3A_86, %get3A_90 : vector<16xf32>
      %mul3A_92 = arith.mulf %sub3A_91, %sub3A_91 : vector<16xf32>
      %add3A_93 = arith.addf %add3A_82, %mul3A_92 : vector<16xf32>
      %get3A_94 = arith.index_cast %scan3A_72 : i32 to index
      %get3A_95 = arith.constant 32 : index
      %get3A_96 = tpu.vector_load %arg8[%get3A_94, %get3A_95] {strides = array<i32>} : memref<128x256xf32, #tpu.memory_space<vmem>>, vector<1x16xf32>,
      %get3A_97 = vector.shape_cast %get3A_96 : vector<1x16xf32> to vector<16xf32>
      %get3A_98 = arith.index_cast %scan3A_72 : i32 to index
      %get3A_99 = arith.constant 32 : index
      %get3A_100 = tpu.vector_load %arg10[%get3A_98, %get3A_99] {strides = array<i32>} : memref<128x256xf32, #tpu.memory_space<vmem>>, vector<1x16xf32>,
      %get3A_101 = vector.shape_cast %get3A_100 : vector<1x16xf32> to vector<16xf32>
      %sub3A_102 = arith.subf %get3A_97, %get3A_101 : vector<16xf32>
      %mul3A_103 = arith.mulf %sub3A_102, %sub3A_102 : vector<16xf32>
      %add3A_104 = arith.addf %add3A_93, %mul3A_103 : vector<16xf32>
      %get3A_105 = arith.index_cast %scan3A_72 : i32 to index
      %get3A_106 = arith.constant 48 : index
      %get3A_107 = tpu.vector_load %arg8[%get3A_105, %get3A_106] {strides = array<i32>} : memref<128x256xf32, #tpu.memory_space<vmem>>, vector<1x16xf32>,
      %get3A_108 = vector.shape_cast %get3A_107 : vector<1x16xf32> to vector<16xf32>
      %get3A_109 = arith.index_cast %scan3A_72 : i32 to index
      %get3A_110 = arith.constant 48 : index
      %get3A_111 = tpu.vector_load %arg10[%get3A_109, %get3A_110] {strides = array<i32>} : memref<128x256xf32, #tpu.memory_space<vmem>>, vector<1x16xf32>,
      %get3A_112 = vector.shape_cast %get3A_111 : vector<1x16xf32> to vector<16xf32>
      %sub3A_113 = arith.subf %get3A_108, %get3A_112 : vector<16xf32>
      %mul3A_114 = arith.mulf %sub3A_113, %sub3A_113 : vector<16xf32>
      %add3A_115 = arith.addf %add3A_104, %mul3A_114 : vector<16xf32>
      %get3A_116 = arith.index_cast %scan3A_72 : i32 to index
      %get3A_117 = arith.constant 64 : index
      %get3A_118 = tpu.vector_load %arg8[%get3A_116, %get3A_117] {strides = array<i32>} : memref<128x256xf32, #tpu.memory_space<vmem>>, vector<1x16xf32>,
      %get3A_119 = vector.shape_cast %get3A_118 : vector<1x16xf32> to vector<16xf32>
      %get3A_120 = arith.index_cast %scan3A_72 : i32 to index
      %get3A_121 = arith.constant 64 : index
      %get3A_122 = tpu.vector_load %arg10[%get3A_120, %get3A_121] {strides = array<i32>} : memref<128x256xf32, #tpu.memory_space<vmem>>, vector<1x16xf32>,
      %get3A_123 = vector.shape_cast %get3A_122 : vector<1x16xf32> to vector<16xf32>
      %sub3A_124 = arith.subf %get3A_119, %get3A_123 : vector<16xf32>
      %mul3A_125 = arith.mulf %sub3A_124, %sub3A_124 : vector<16xf32>
      %add3A_126 = arith.addf %add3A_115, %mul3A_125 : vector<16xf32>
      %get3A_127 = arith.index_cast %scan3A_72 : i32 to index
      %get3A_128 = arith.constant 80 : index
      %get3A_129 = tpu.vector_load %arg8[%get3A_127, %get3A_128] {strides = array<i32>} : memref<128x256xf32, #tpu.memory_space<vmem>>, vector<1x16xf32>,
      %get3A_130 = vector.shape_cast %get3A_129 : vector<1x16xf32> to vector<16xf32>
      %get3A_131 = arith.index_cast %scan3A_72 : i32 to index
      %get3A_132 = arith.constant 80 : index
      %get3A_133 = tpu.vector_load %arg10[%get3A_131, %get3A_132] {strides = array<i32>} : memref<128x256xf32, #tpu.memory_space<vmem>>, vector<1x16xf32>,
      %get3A_134 = vector.shape_cast %get3A_133 : vector<1x16xf32> to vector<16xf32>
      %sub3A_135 = arith.subf %get3A_130, %get3A_134 : vector<16xf32>
      %mul3A_136 = arith.mulf %sub3A_135, %sub3A_135 : vector<16xf32>
      %add3A_137 = arith.addf %add3A_126, %mul3A_136 : vector<16xf32>
      %get3A_138 = arith.index_cast %scan3A_72 : i32 to index
      %get3A_139 = arith.constant 96 : index
      %get3A_140 = tpu.vector_load %arg8[%get3A_138, %get3A_139] {strides = array<i32>} : memref<128x256xf32, #tpu.memory_space<vmem>>, vector<1x16xf32>,
      %get3A_141 = vector.shape_cast %get3A_140 : vector<1x16xf32> to vector<16xf32>
      %get3A_142 = arith.index_cast %scan3A_72 : i32 to index
      %get3A_143 = arith.constant 96 : index
      %get3A_144 = tpu.vector_load %arg10[%get3A_142, %get3A_143] {strides = array<i32>} : memref<128x256xf32, #tpu.memory_space<vmem>>, vector<1x16xf32>,
      %get3A_145 = vector.shape_cast %get3A_144 : vector<1x16xf32> to vector<16xf32>
      %sub3A_146 = arith.subf %get3A_141, %get3A_145 : vector<16xf32>
      %mul3A_147 = arith.mulf %sub3A_146, %sub3A_146 : vector<16xf32>
      %add3A_148 = arith.addf %add3A_137, %mul3A_147 : vector<16xf32>
      %get3A_149 = arith.index_cast %scan3A_72 : i32 to index
      %get3A_150 = arith.constant 112 : index
      %get3A_151 = tpu.vector_load %arg8[%get3A_149, %get3A_150] {strides = array<i32>} : memref<128x256xf32, #tpu.memory_space<vmem>>, vector<1x16xf32>,
      %get3A_152 = vector.shape_cast %get3A_151 : vector<1x16xf32> to vector<16xf32>
      %get3A_153 = arith.index_cast %scan3A_72 : i32 to index
      %get3A_154 = arith.constant 112 : index
      %get3A_155 = tpu.vector_load %arg10[%get3A_153, %get3A_154] {strides = array<i32>} : memref<128x256xf32, #tpu.memory_space<vmem>>, vector<1x16xf32>,
      %get3A_156 = vector.shape_cast %get3A_155 : vector<1x16xf32> to vector<16xf32>
      %sub3A_157 = arith.subf %get3A_152, %get3A_156 : vector<16xf32>
      %mul3A_158 = arith.mulf %sub3A_157, %sub3A_157 : vector<16xf32>
      %add3A_159 = arith.addf %add3A_148, %mul3A_158 : vector<16xf32>
      %get3A_160 = arith.index_cast %scan3A_72 : i32 to index
      %get3A_161 = arith.constant 128 : index
      %get3A_162 = tpu.vector_load %arg8[%get3A_160, %get3A_161] {strides = array<i32>} : memref<128x256xf32, #tpu.memory_space<vmem>>, vector<1x16xf32>,
      %get3A_163 = vector.shape_cast %get3A_162 : vector<1x16xf32> to vector<16xf32>
      %get3A_164 = arith.index_cast %scan3A_72 : i32 to index
      %get3A_165 = arith.constant 128 : index
      %get3A_166 = tpu.vector_load %arg10[%get3A_164, %get3A_165] {strides = array<i32>} : memref<128x256xf32, #tpu.memory_space<vmem>>, vector<1x16xf32>,
      %get3A_167 = vector.shape_cast %get3A_166 : vector<1x16xf32> to vector<16xf32>
      %sub3A_168 = arith.subf %get3A_163, %get3A_167 : vector<16xf32>
      %mul3A_169 = arith.mulf %sub3A_168, %sub3A_168 : vector<16xf32>
      %add3A_170 = arith.addf %add3A_159, %mul3A_169 : vector<16xf32>
      %get3A_171 = arith.index_cast %scan3A_72 : i32 to index
      %get3A_172 = arith.constant 144 : index
      %get3A_173 = tpu.vector_load %arg8[%get3A_171, %get3A_172] {strides = array<i32>} : memref<128x256xf32, #tpu.memory_space<vmem>>, vector<1x16xf32>,
      %get3A_174 = vector.shape_cast %get3A_173 : vector<1x16xf32> to vector<16xf32>
      %get3A_175 = arith.index_cast %scan3A_72 : i32 to index
      %get3A_176 = arith.constant 144 : index
      %get3A_177 = tpu.vector_load %arg10[%get3A_175, %get3A_176] {strides = array<i32>} : memref<128x256xf32, #tpu.memory_space<vmem>>, vector<1x16xf32>,
      %get3A_178 = vector.shape_cast %get3A_177 : vector<1x16xf32> to vector<16xf32>
      %sub3A_179 = arith.subf %get3A_174, %get3A_178 : vector<16xf32>
      %mul3A_180 = arith.mulf %sub3A_179, %sub3A_179 : vector<16xf32>
      %add3A_181 = arith.addf %add3A_170, %mul3A_180 : vector<16xf32>
      %get3A_182 = arith.index_cast %scan3A_72 : i32 to index
      %get3A_183 = arith.constant 160 : index
      %get3A_184 = tpu.vector_load %arg8[%get3A_182, %get3A_183] {strides = array<i32>} : memref<128x256xf32, #tpu.memory_space<vmem>>, vector<1x16xf32>,
      %get3A_185 = vector.shape_cast %get3A_184 : vector<1x16xf32> to vector<16xf32>
      %get3A_186 = arith.index_cast %scan3A_72 : i32 to index
      %get3A_187 = arith.constant 160 : index
      %get3A_188 = tpu.vector_load %arg10[%get3A_186, %get3A_187] {strides = array<i32>} : memref<128x256xf32, #tpu.memory_space<vmem>>, vector<1x16xf32>,
      %get3A_189 = vector.shape_cast %get3A_188 : vector<1x16xf32> to vector<16xf32>
      %sub3A_190 = arith.subf %get3A_185, %get3A_189 : vector<16xf32>
      %mul3A_191 = arith.mulf %sub3A_190, %sub3A_190 : vector<16xf32>
      %add3A_192 = arith.addf %add3A_181, %mul3A_191 : vector<16xf32>
      %get3A_193 = arith.index_cast %scan3A_72 : i32 to index
      %get3A_194 = arith.constant 176 : index
      %get3A_195 = tpu.vector_load %arg8[%get3A_193, %get3A_194] {strides = array<i32>} : memref<128x256xf32, #tpu.memory_space<vmem>>, vector<1x16xf32>,
      %get3A_196 = vector.shape_cast %get3A_195 : vector<1x16xf32> to vector<16xf32>
      %get3A_197 = arith.index_cast %scan3A_72 : i32 to index
      %get3A_198 = arith.constant 176 : index
      %get3A_199 = tpu.vector_load %arg10[%get3A_197, %get3A_198] {strides = array<i32>} : memref<128x256xf32, #tpu.memory_space<vmem>>, vector<1x16xf32>,
      %get3A_200 = vector.shape_cast %get3A_199 : vector<1x16xf32> to vector<16xf32>
      %sub3A_201 = arith.subf %get3A_196, %get3A_200 : vector<16xf32>
      %mul3A_202 = arith.mulf %sub3A_201, %sub3A_201 : vector<16xf32>
      %add3A_203 = arith.addf %add3A_192, %mul3A_202 : vector<16xf32>
      %get3A_204 = arith.index_cast %scan3A_72 : i32 to index
      %get3A_205 = arith.constant 192 : index
      %get3A_206 = tpu.vector_load %arg8[%get3A_204, %get3A_205] {strides = array<i32>} : memref<128x256xf32, #tpu.memory_space<vmem>>, vector<1x16xf32>,
      %get3A_207 = vector.shape_cast %get3A_206 : vector<1x16xf32> to vector<16xf32>
      %get3A_208 = arith.index_cast %scan3A_72 : i32 to index
      %get3A_209 = arith.constant 192 : index
      %get3A_210 = tpu.vector_load %arg10[%get3A_208, %get3A_209] {strides = array<i32>} : memref<128x256xf32, #tpu.memory_space<vmem>>, vector<1x16xf32>,
      %get3A_211 = vector.shape_cast %get3A_210 : vector<1x16xf32> to vector<16xf32>
      %sub3A_212 = arith.subf %get3A_207, %get3A_211 : vector<16xf32>
      %mul3A_213 = arith.mulf %sub3A_212, %sub3A_212 : vector<16xf32>
      %add3A_214 = arith.addf %add3A_203, %mul3A_213 : vector<16xf32>
      %get3A_215 = arith.index_cast %scan3A_72 : i32 to index
      %get3A_216 = arith.constant 208 : index
      %get3A_217 = tpu.vector_load %arg8[%get3A_215, %get3A_216] {strides = array<i32>} : memref<128x256xf32, #tpu.memory_space<vmem>>, vector<1x16xf32>,
      %get3A_218 = vector.shape_cast %get3A_217 : vector<1x16xf32> to vector<16xf32>
      %get3A_219 = arith.index_cast %scan3A_72 : i32 to index
      %get3A_220 = arith.constant 208 : index
      %get3A_221 = tpu.vector_load %arg10[%get3A_219, %get3A_220] {strides = array<i32>} : memref<128x256xf32, #tpu.memory_space<vmem>>, vector<1x16xf32>,
      %get3A_222 = vector.shape_cast %get3A_221 : vector<1x16xf32> to vector<16xf32>
      %sub3A_223 = arith.subf %get3A_218, %get3A_222 : vector<16xf32>
      %mul3A_224 = arith.mulf %sub3A_223, %sub3A_223 : vector<16xf32>
      %add3A_225 = arith.addf %add3A_214, %mul3A_224 : vector<16xf32>
      %get3A_226 = arith.index_cast %scan3A_72 : i32 to index
      %get3A_227 = arith.constant 224 : index
      %get3A_228 = tpu.vector_load %arg8[%get3A_226, %get3A_227] {strides = array<i32>} : memref<128x256xf32, #tpu.memory_space<vmem>>, vector<1x16xf32>,
      %get3A_229 = vector.shape_cast %get3A_228 : vector<1x16xf32> to vector<16xf32>
      %get3A_230 = arith.index_cast %scan3A_72 : i32 to index
      %get3A_231 = arith.constant 224 : index
      %get3A_232 = tpu.vector_load %arg10[%get3A_230, %get3A_231] {strides = array<i32>} : memref<128x256xf32, #tpu.memory_space<vmem>>, vector<1x16xf32>,
      %get3A_233 = vector.shape_cast %get3A_232 : vector<1x16xf32> to vector<16xf32>
      %sub3A_234 = arith.subf %get3A_229, %get3A_233 : vector<16xf32>
      %mul3A_235 = arith.mulf %sub3A_234, %sub3A_234 : vector<16xf32>
      %add3A_236 = arith.addf %add3A_225, %mul3A_235 : vector<16xf32>
      %get3A_237 = arith.index_cast %scan3A_72 : i32 to index
      %get3A_238 = arith.constant 240 : index
      %get3A_239 = tpu.vector_load %arg8[%get3A_237, %get3A_238] {strides = array<i32>} : memref<128x256xf32, #tpu.memory_space<vmem>>, vector<1x16xf32>,
      %get3A_240 = vector.shape_cast %get3A_239 : vector<1x16xf32> to vector<16xf32>
      %get3A_241 = arith.index_cast %scan3A_72 : i32 to index
      %get3A_242 = arith.constant 240 : index
      %get3A_243 = tpu.vector_load %arg10[%get3A_241, %get3A_242] {strides = array<i32>} : memref<128x256xf32, #tpu.memory_space<vmem>>, vector<1x16xf32>,
      %get3A_244 = vector.shape_cast %get3A_243 : vector<1x16xf32> to vector<16xf32>
      %sub3A_245 = arith.subf %get3A_240, %get3A_244 : vector<16xf32>
      %mul3A_246 = arith.mulf %sub3A_245, %sub3A_245 : vector<16xf32>
      %add3A_247 = arith.addf %add3A_236, %mul3A_246 : vector<16xf32>
      %scan3A_248 = arith.constant 1 : i32
      %scan3A_249 = arith.addi %scan3A_72, %scan3A_248 : i32
      %get3A_250 = arith.index_cast %scan3A_249 : i32 to index
      %get3A_251 = arith.constant 0 : index
      %get3A_252 = tpu.vector_load %arg8[%get3A_250, %get3A_251] {strides = array<i32>} : memref<128x256xf32, #tpu.memory_space<vmem>>, vector<1x16xf32>,
      %get3A_253 = vector.shape_cast %get3A_252 : vector<1x16xf32> to vector<16xf32>
      %get3A_254 = arith.index_cast %scan3A_249 : i32 to index
      %get3A_255 = arith.constant 0 : index
      %get3A_256 = tpu.vector_load %arg10[%get3A_254, %get3A_255] {strides = array<i32>} : memref<128x256xf32, #tpu.memory_space<vmem>>, vector<1x16xf32>,
      %get3A_257 = vector.shape_cast %get3A_256 : vector<1x16xf32> to vector<16xf32>
      %sub3A_258 = arith.subf %get3A_253, %get3A_257 : vector<16xf32>
      %mul3A_259 = arith.mulf %sub3A_258, %sub3A_258 : vector<16xf32>
      %add3A_260 = arith.addf %add3A_247, %mul3A_259 : vector<16xf32>
      %get3A_261 = arith.index_cast %scan3A_249 : i32 to index
      %get3A_262 = arith.constant 16 : index
      %get3A_263 = tpu.vector_load %arg8[%get3A_261, %get3A_262] {strides = array<i32>} : memref<128x256xf32, #tpu.memory_space<vmem>>, vector<1x16xf32>,
      %get3A_264 = vector.shape_cast %get3A_263 : vector<1x16xf32> to vector<16xf32>
      %get3A_265 = arith.index_cast %scan3A_249 : i32 to index
      %get3A_266 = arith.constant 16 : index
      %get3A_267 = tpu.vector_load %arg10[%get3A_265, %get3A_266] {strides = array<i32>} : memref<128x256xf32, #tpu.memory_space<vmem>>, vector<1x16xf32>,
      %get3A_268 = vector.shape_cast %get3A_267 : vector<1x16xf32> to vector<16xf32>
      %sub3A_269 = arith.subf %get3A_264, %get3A_268 : vector<16xf32>
      %mul3A_270 = arith.mulf %sub3A_269, %sub3A_269 : vector<16xf32>
      %add3A_271 = arith.addf %add3A_260, %mul3A_270 : vector<16xf32>
      %get3A_272 = arith.index_cast %scan3A_249 : i32 to index
      %get3A_273 = arith.constant 32 : index
      %get3A_274 = tpu.vector_load %arg8[%get3A_272, %get3A_273] {strides = array<i32>} : memref<128x256xf32, #tpu.memory_space<vmem>>, vector<1x16xf32>,
      %get3A_275 = vector.shape_cast %get3A_274 : vector<1x16xf32> to vector<16xf32>
      %get3A_276 = arith.index_cast %scan3A_249 : i32 to index
      %get3A_277 = arith.constant 32 : index
      %get3A_278 = tpu.vector_load %arg10[%get3A_276, %get3A_277] {strides = array<i32>} : memref<128x256xf32, #tpu.memory_space<vmem>>, vector<1x16xf32>,
      %get3A_279 = vector.shape_cast %get3A_278 : vector<1x16xf32> to vector<16xf32>
      %sub3A_280 = arith.subf %get3A_275, %get3A_279 : vector<16xf32>
      %mul3A_281 = arith.mulf %sub3A_280, %sub3A_280 : vector<16xf32>
      %add3A_282 = arith.addf %add3A_271, %mul3A_281 : vector<16xf32>
      %get3A_283 = arith.index_cast %scan3A_249 : i32 to index
      %get3A_284 = arith.constant 48 : index
      %get3A_285 = tpu.vector_load %arg8[%get3A_283, %get3A_284] {strides = array<i32>} : memref<128x256xf32, #tpu.memory_space<vmem>>, vector<1x16xf32>,
      %get3A_286 = vector.shape_cast %get3A_285 : vector<1x16xf32> to vector<16xf32>
      %get3A_287 = arith.index_cast %scan3A_249 : i32 to index
      %get3A_288 = arith.constant 48 : index
      %get3A_289 = tpu.vector_load %arg10[%get3A_287, %get3A_288] {strides = array<i32>} : memref<128x256xf32, #tpu.memory_space<vmem>>, vector<1x16xf32>,
      %get3A_290 = vector.shape_cast %get3A_289 : vector<1x16xf32> to vector<16xf32>
      %sub3A_291 = arith.subf %get3A_286, %get3A_290 : vector<16xf32>
      %mul3A_292 = arith.mulf %sub3A_291, %sub3A_291 : vector<16xf32>
      %add3A_293 = arith.addf %add3A_282, %mul3A_292 : vector<16xf32>
      %get3A_294 = arith.index_cast %scan3A_249 : i32 to index
      %get3A_295 = arith.constant 64 : index
      %get3A_296 = tpu.vector_load %arg8[%get3A_294, %get3A_295] {strides = array<i32>} : memref<128x256xf32, #tpu.memory_space<vmem>>, vector<1x16xf32>,
      %get3A_297 = vector.shape_cast %get3A_296 : vector<1x16xf32> to vector<16xf32>
      %get3A_298 = arith.index_cast %scan3A_249 : i32 to index
      %get3A_299 = arith.constant 64 : index
      %get3A_300 = tpu.vector_load %arg10[%get3A_298, %get3A_299] {strides = array<i32>} : memref<128x256xf32, #tpu.memory_space<vmem>>, vector<1x16xf32>,
      %get3A_301 = vector.shape_cast %get3A_300 : vector<1x16xf32> to vector<16xf32>
      %sub3A_302 = arith.subf %get3A_297, %get3A_301 : vector<16xf32>
      %mul3A_303 = arith.mulf %sub3A_302, %sub3A_302 : vector<16xf32>
      %add3A_304 = arith.addf %add3A_293, %mul3A_303 : vector<16xf32>
      %get3A_305 = arith.index_cast %scan3A_249 : i32 to index
      %get3A_306 = arith.constant 80 : index
      %get3A_307 = tpu.vector_load %arg8[%get3A_305, %get3A_306] {strides = array<i32>} : memref<128x256xf32, #tpu.memory_space<vmem>>, vector<1x16xf32>,
      %get3A_308 = vector.shape_cast %get3A_307 : vector<1x16xf32> to vector<16xf32>
      %get3A_309 = arith.index_cast %scan3A_249 : i32 to index
      %get3A_310 = arith.constant 80 : index
      %get3A_311 = tpu.vector_load %arg10[%get3A_309, %get3A_310] {strides = array<i32>} : memref<128x256xf32, #tpu.memory_space<vmem>>, vector<1x16xf32>,
      %get3A_312 = vector.shape_cast %get3A_311 : vector<1x16xf32> to vector<16xf32>
      %sub3A_313 = arith.subf %get3A_308, %get3A_312 : vector<16xf32>
      %mul3A_314 = arith.mulf %sub3A_313, %sub3A_313 : vector<16xf32>
      %add3A_315 = arith.addf %add3A_304, %mul3A_314 : vector<16xf32>
      %get3A_316 = arith.index_cast %scan3A_249 : i32 to index
      %get3A_317 = arith.constant 96 : index
      %get3A_318 = tpu.vector_load %arg8[%get3A_316, %get3A_317] {strides = array<i32>} : memref<128x256xf32, #tpu.memory_space<vmem>>, vector<1x16xf32>,
      %get3A_319 = vector.shape_cast %get3A_318 : vector<1x16xf32> to vector<16xf32>
      %get3A_320 = arith.index_cast %scan3A_249 : i32 to index
      %get3A_321 = arith.constant 96 : index
      %get3A_322 = tpu.vector_load %arg10[%get3A_320, %get3A_321] {strides = array<i32>} : memref<128x256xf32, #tpu.memory_space<vmem>>, vector<1x16xf32>,
      %get3A_323 = vector.shape_cast %get3A_322 : vector<1x16xf32> to vector<16xf32>
      %sub3A_324 = arith.subf %get3A_319, %get3A_323 : vector<16xf32>
      %mul3A_325 = arith.mulf %sub3A_324, %sub3A_324 : vector<16xf32>
      %add3A_326 = arith.addf %add3A_315, %mul3A_325 : vector<16xf32>
      %get3A_327 = arith.index_cast %scan3A_249 : i32 to index
      %get3A_328 = arith.constant 112 : index
      %get3A_329 = tpu.vector_load %arg8[%get3A_327, %get3A_328] {strides = array<i32>} : memref<128x256xf32, #tpu.memory_space<vmem>>, vector<1x16xf32>,
      %get3A_330 = vector.shape_cast %get3A_329 : vector<1x16xf32> to vector<16xf32>
      %get3A_331 = arith.index_cast %scan3A_249 : i32 to index
      %get3A_332 = arith.constant 112 : index
      %get3A_333 = tpu.vector_load %arg10[%get3A_331, %get3A_332] {strides = array<i32>} : memref<128x256xf32, #tpu.memory_space<vmem>>, vector<1x16xf32>,
      %get3A_334 = vector.shape_cast %get3A_333 : vector<1x16xf32> to vector<16xf32>
      %sub3A_335 = arith.subf %get3A_330, %get3A_334 : vector<16xf32>
      %mul3A_336 = arith.mulf %sub3A_335, %sub3A_335 : vector<16xf32>
      %add3A_337 = arith.addf %add3A_326, %mul3A_336 : vector<16xf32>
      %get3A_338 = arith.index_cast %scan3A_249 : i32 to index
      %get3A_339 = arith.constant 128 : index
      %get3A_340 = tpu.vector_load %arg8[%get3A_338, %get3A_339] {strides = array<i32>} : memref<128x256xf32, #tpu.memory_space<vmem>>, vector<1x16xf32>,
      %get3A_341 = vector.shape_cast %get3A_340 : vector<1x16xf32> to vector<16xf32>
      %get3A_342 = arith.index_cast %scan3A_249 : i32 to index
      %get3A_343 = arith.constant 128 : index
      %get3A_344 = tpu.vector_load %arg10[%get3A_342, %get3A_343] {strides = array<i32>} : memref<128x256xf32, #tpu.memory_space<vmem>>, vector<1x16xf32>,
      %get3A_345 = vector.shape_cast %get3A_344 : vector<1x16xf32> to vector<16xf32>
      %sub3A_346 = arith.subf %get3A_341, %get3A_345 : vector<16xf32>
      %mul3A_347 = arith.mulf %sub3A_346, %sub3A_346 : vector<16xf32>
      %add3A_348 = arith.addf %add3A_337, %mul3A_347 : vector<16xf32>
      %get3A_349 = arith.index_cast %scan3A_249 : i32 to index
      %get3A_350 = arith.constant 144 : index
      %get3A_351 = tpu.vector_load %arg8[%get3A_349, %get3A_350] {strides = array<i32>} : memref<128x256xf32, #tpu.memory_space<vmem>>, vector<1x16xf32>,
      %get3A_352 = vector.shape_cast %get3A_351 : vector<1x16xf32> to vector<16xf32>
      %get3A_353 = arith.index_cast %scan3A_249 : i32 to index
      %get3A_354 = arith.constant 144 : index
      %get3A_355 = tpu.vector_load %arg10[%get3A_353, %get3A_354] {strides = array<i32>} : memref<128x256xf32, #tpu.memory_space<vmem>>, vector<1x16xf32>,
      %get3A_356 = vector.shape_cast %get3A_355 : vector<1x16xf32> to vector<16xf32>
      %sub3A_357 = arith.subf %get3A_352, %get3A_356 : vector<16xf32>
      %mul3A_358 = arith.mulf %sub3A_357, %sub3A_357 : vector<16xf32>
      %add3A_359 = arith.addf %add3A_348, %mul3A_358 : vector<16xf32>
      %get3A_360 = arith.index_cast %scan3A_249 : i32 to index
      %get3A_361 = arith.constant 160 : index
      %get3A_362 = tpu.vector_load %arg8[%get3A_360, %get3A_361] {strides = array<i32>} : memref<128x256xf32, #tpu.memory_space<vmem>>, vector<1x16xf32>,
      %get3A_363 = vector.shape_cast %get3A_362 : vector<1x16xf32> to vector<16xf32>
      %get3A_364 = arith.index_cast %scan3A_249 : i32 to index
      %get3A_365 = arith.constant 160 : index
      %get3A_366 = tpu.vector_load %arg10[%get3A_364, %get3A_365] {strides = array<i32>} : memref<128x256xf32, #tpu.memory_space<vmem>>, vector<1x16xf32>,
      %get3A_367 = vector.shape_cast %get3A_366 : vector<1x16xf32> to vector<16xf32>
      %sub3A_368 = arith.subf %get3A_363, %get3A_367 : vector<16xf32>
      %mul3A_369 = arith.mulf %sub3A_368, %sub3A_368 : vector<16xf32>
      %add3A_370 = arith.addf %add3A_359, %mul3A_369 : vector<16xf32>
      %get3A_371 = arith.index_cast %scan3A_249 : i32 to index
      %get3A_372 = arith.constant 176 : index
      %get3A_373 = tpu.vector_load %arg8[%get3A_371, %get3A_372] {strides = array<i32>} : memref<128x256xf32, #tpu.memory_space<vmem>>, vector<1x16xf32>,
      %get3A_374 = vector.shape_cast %get3A_373 : vector<1x16xf32> to vector<16xf32>
      %get3A_375 = arith.index_cast %scan3A_249 : i32 to index
      %get3A_376 = arith.constant 176 : index
      %get3A_377 = tpu.vector_load %arg10[%get3A_375, %get3A_376] {strides = array<i32>} : memref<128x256xf32, #tpu.memory_space<vmem>>, vector<1x16xf32>,
      %get3A_378 = vector.shape_cast %get3A_377 : vector<1x16xf32> to vector<16xf32>
      %sub3A_379 = arith.subf %get3A_374, %get3A_378 : vector<16xf32>
      %mul3A_380 = arith.mulf %sub3A_379, %sub3A_379 : vector<16xf32>
      %add3A_381 = arith.addf %add3A_370, %mul3A_380 : vector<16xf32>
      %get3A_382 = arith.index_cast %scan3A_249 : i32 to index
      %get3A_383 = arith.constant 192 : index
      %get3A_384 = tpu.vector_load %arg8[%get3A_382, %get3A_383] {strides = array<i32>} : memref<128x256xf32, #tpu.memory_space<vmem>>, vector<1x16xf32>,
      %get3A_385 = vector.shape_cast %get3A_384 : vector<1x16xf32> to vector<16xf32>
      %get3A_386 = arith.index_cast %scan3A_249 : i32 to index
      %get3A_387 = arith.constant 192 : index
      %get3A_388 = tpu.vector_load %arg10[%get3A_386, %get3A_387] {strides = array<i32>} : memref<128x256xf32, #tpu.memory_space<vmem>>, vector<1x16xf32>,
      %get3A_389 = vector.shape_cast %get3A_388 : vector<1x16xf32> to vector<16xf32>
      %sub3A_390 = arith.subf %get3A_385, %get3A_389 : vector<16xf32>
      %mul3A_391 = arith.mulf %sub3A_390, %sub3A_390 : vector<16xf32>
      %add3A_392 = arith.addf %add3A_381, %mul3A_391 : vector<16xf32>
      %get3A_393 = arith.index_cast %scan3A_249 : i32 to index
      %get3A_394 = arith.constant 208 : index
      %get3A_395 = tpu.vector_load %arg8[%get3A_393, %get3A_394] {strides = array<i32>} : memref<128x256xf32, #tpu.memory_space<vmem>>, vector<1x16xf32>,
      %get3A_396 = vector.shape_cast %get3A_395 : vector<1x16xf32> to vector<16xf32>
      %get3A_397 = arith.index_cast %scan3A_249 : i32 to index
      %get3A_398 = arith.constant 208 : index
      %get3A_399 = tpu.vector_load %arg10[%get3A_397, %get3A_398] {strides = array<i32>} : memref<128x256xf32, #tpu.memory_space<vmem>>, vector<1x16xf32>,
      %get3A_400 = vector.shape_cast %get3A_399 : vector<1x16xf32> to vector<16xf32>
      %sub3A_401 = arith.subf %get3A_396, %get3A_400 : vector<16xf32>
      %mul3A_402 = arith.mulf %sub3A_401, %sub3A_401 : vector<16xf32>
      %add3A_403 = arith.addf %add3A_392, %mul3A_402 : vector<16xf32>
      %get3A_404 = arith.index_cast %scan3A_249 : i32 to index
      %get3A_405 = arith.constant 224 : index
      %get3A_406 = tpu.vector_load %arg8[%get3A_404, %get3A_405] {strides = array<i32>} : memref<128x256xf32, #tpu.memory_space<vmem>>, vector<1x16xf32>,
      %get3A_407 = vector.shape_cast %get3A_406 : vector<1x16xf32> to vector<16xf32>
      %get3A_408 = arith.index_cast %scan3A_249 : i32 to index
      %get3A_409 = arith.constant 224 : index
      %get3A_410 = tpu.vector_load %arg10[%get3A_408, %get3A_409] {strides = array<i32>} : memref<128x256xf32, #tpu.memory_space<vmem>>, vector<1x16xf32>,
      %get3A_411 = vector.shape_cast %get3A_410 : vector<1x16xf32> to vector<16xf32>
      %sub3A_412 = arith.subf %get3A_407, %get3A_411 : vector<16xf32>
      %mul3A_413 = arith.mulf %sub3A_412, %sub3A_412 : vector<16xf32>
      %add3A_414 = arith.addf %add3A_403, %mul3A_413 : vector<16xf32>
      %get3A_415 = arith.index_cast %scan3A_249 : i32 to index
      %get3A_416 = arith.constant 240 : index
      %get3A_417 = tpu.vector_load %arg8[%get3A_415, %get3A_416] {strides = array<i32>} : memref<128x256xf32, #tpu.memory_space<vmem>>, vector<1x16xf32>,
      %get3A_418 = vector.shape_cast %get3A_417 : vector<1x16xf32> to vector<16xf32>
      %get3A_419 = arith.index_cast %scan3A_249 : i32 to index
      %get3A_420 = arith.constant 240 : index
      %get3A_421 = tpu.vector_load %arg10[%get3A_419, %get3A_420] {strides = array<i32>} : memref<128x256xf32, #tpu.memory_space<vmem>>, vector<1x16xf32>,
      %get3A_422 = vector.shape_cast %get3A_421 : vector<1x16xf32> to vector<16xf32>
      %sub3A_423 = arith.subf %get3A_418, %get3A_422 : vector<16xf32>
      %mul3A_424 = arith.mulf %sub3A_423, %sub3A_423 : vector<16xf32>
      %add3A_425 = arith.addf %add3A_414, %mul3A_424 : vector<16xf32>
      %scan3A_426 = arith.constant 2 : i32
      %scan3A_427 = arith.addi %scan3A_72, %scan3A_426 : i32
      %get3A_428 = arith.index_cast %scan3A_427 : i32 to index
      %get3A_429 = arith.constant 0 : index
      %get3A_430 = tpu.vector_load %arg8[%get3A_428, %get3A_429] {strides = array<i32>} : memref<128x256xf32, #tpu.memory_space<vmem>>, vector<1x16xf32>,
      %get3A_431 = vector.shape_cast %get3A_430 : vector<1x16xf32> to vector<16xf32>
      %get3A_432 = arith.index_cast %scan3A_427 : i32 to index
      %get3A_433 = arith.constant 0 : index
      %get3A_434 = tpu.vector_load %arg10[%get3A_432, %get3A_433] {strides = array<i32>} : memref<128x256xf32, #tpu.memory_space<vmem>>, vector<1x16xf32>,
      %get3A_435 = vector.shape_cast %get3A_434 : vector<1x16xf32> to vector<16xf32>
      %sub3A_436 = arith.subf %get3A_431, %get3A_435 : vector<16xf32>
      %mul3A_437 = arith.mulf %sub3A_436, %sub3A_436 : vector<16xf32>
      %add3A_438 = arith.addf %add3A_425, %mul3A_437 : vector<16xf32>
      %get3A_439 = arith.index_cast %scan3A_427 : i32 to index
      %get3A_440 = arith.constant 16 : index
      %get3A_441 = tpu.vector_load %arg8[%get3A_439, %get3A_440] {strides = array<i32>} : memref<128x256xf32, #tpu.memory_space<vmem>>, vector<1x16xf32>,
      %get3A_442 = vector.shape_cast %get3A_441 : vector<1x16xf32> to vector<16xf32>
      %get3A_443 = arith.index_cast %scan3A_427 : i32 to index
      %get3A_444 = arith.constant 16 : index
      %get3A_445 = tpu.vector_load %arg10[%get3A_443, %get3A_444] {strides = array<i32>} : memref<128x256xf32, #tpu.memory_space<vmem>>, vector<1x16xf32>,
      %get3A_446 = vector.shape_cast %get3A_445 : vector<1x16xf32> to vector<16xf32>
      %sub3A_447 = arith.subf %get3A_442, %get3A_446 : vector<16xf32>
      %mul3A_448 = arith.mulf %sub3A_447, %sub3A_447 : vector<16xf32>
      %add3A_449 = arith.addf %add3A_438, %mul3A_448 : vector<16xf32>
      %get3A_450 = arith.index_cast %scan3A_427 : i32 to index
      %get3A_451 = arith.constant 32 : index
      %get3A_452 = tpu.vector_load %arg8[%get3A_450, %get3A_451] {strides = array<i32>} : memref<128x256xf32, #tpu.memory_space<vmem>>, vector<1x16xf32>,
      %get3A_453 = vector.shape_cast %get3A_452 : vector<1x16xf32> to vector<16xf32>
      %get3A_454 = arith.index_cast %scan3A_427 : i32 to index
      %get3A_455 = arith.constant 32 : index
      %get3A_456 = tpu.vector_load %arg10[%get3A_454, %get3A_455] {strides = array<i32>} : memref<128x256xf32, #tpu.memory_space<vmem>>, vector<1x16xf32>,
      %get3A_457 = vector.shape_cast %get3A_456 : vector<1x16xf32> to vector<16xf32>
      %sub3A_458 = arith.subf %get3A_453, %get3A_457 : vector<16xf32>
      %mul3A_459 = arith.mulf %sub3A_458, %sub3A_458 : vector<16xf32>
      %add3A_460 = arith.addf %add3A_449, %mul3A_459 : vector<16xf32>
      %get3A_461 = arith.index_cast %scan3A_427 : i32 to index
      %get3A_462 = arith.constant 48 : index
      %get3A_463 = tpu.vector_load %arg8[%get3A_461, %get3A_462] {strides = array<i32>} : memref<128x256xf32, #tpu.memory_space<vmem>>, vector<1x16xf32>,
      %get3A_464 = vector.shape_cast %get3A_463 : vector<1x16xf32> to vector<16xf32>
      %get3A_465 = arith.index_cast %scan3A_427 : i32 to index
      %get3A_466 = arith.constant 48 : index
      %get3A_467 = tpu.vector_load %arg10[%get3A_465, %get3A_466] {strides = array<i32>} : memref<128x256xf32, #tpu.memory_space<vmem>>, vector<1x16xf32>,
      %get3A_468 = vector.shape_cast %get3A_467 : vector<1x16xf32> to vector<16xf32>
      %sub3A_469 = arith.subf %get3A_464, %get3A_468 : vector<16xf32>
      %mul3A_470 = arith.mulf %sub3A_469, %sub3A_469 : vector<16xf32>
      %add3A_471 = arith.addf %add3A_460, %mul3A_470 : vector<16xf32>
      %get3A_472 = arith.index_cast %scan3A_427 : i32 to index
      %get3A_473 = arith.constant 64 : index
      %get3A_474 = tpu.vector_load %arg8[%get3A_472, %get3A_473] {strides = array<i32>} : memref<128x256xf32, #tpu.memory_space<vmem>>, vector<1x16xf32>,
      %get3A_475 = vector.shape_cast %get3A_474 : vector<1x16xf32> to vector<16xf32>
      %get3A_476 = arith.index_cast %scan3A_427 : i32 to index
      %get3A_477 = arith.constant 64 : index
      %get3A_478 = tpu.vector_load %arg10[%get3A_476, %get3A_477] {strides = array<i32>} : memref<128x256xf32, #tpu.memory_space<vmem>>, vector<1x16xf32>,
      %get3A_479 = vector.shape_cast %get3A_478 : vector<1x16xf32> to vector<16xf32>
      %sub3A_480 = arith.subf %get3A_475, %get3A_479 : vector<16xf32>
      %mul3A_481 = arith.mulf %sub3A_480, %sub3A_480 : vector<16xf32>
      %add3A_482 = arith.addf %add3A_471, %mul3A_481 : vector<16xf32>
      %get3A_483 = arith.index_cast %scan3A_427 : i32 to index
      %get3A_484 = arith.constant 80 : index
      %get3A_485 = tpu.vector_load %arg8[%get3A_483, %get3A_484] {strides = array<i32>} : memref<128x256xf32, #tpu.memory_space<vmem>>, vector<1x16xf32>,
      %get3A_486 = vector.shape_cast %get3A_485 : vector<1x16xf32> to vector<16xf32>
      %get3A_487 = arith.index_cast %scan3A_427 : i32 to index
      %get3A_488 = arith.constant 80 : index
      %get3A_489 = tpu.vector_load %arg10[%get3A_487, %get3A_488] {strides = array<i32>} : memref<128x256xf32, #tpu.memory_space<vmem>>, vector<1x16xf32>,
      %get3A_490 = vector.shape_cast %get3A_489 : vector<1x16xf32> to vector<16xf32>
      %sub3A_491 = arith.subf %get3A_486, %get3A_490 : vector<16xf32>
      %mul3A_492 = arith.mulf %sub3A_491, %sub3A_491 : vector<16xf32>
      %add3A_493 = arith.addf %add3A_482, %mul3A_492 : vector<16xf32>
      %get3A_494 = arith.index_cast %scan3A_427 : i32 to index
      %get3A_495 = arith.constant 96 : index
      %get3A_496 = tpu.vector_load %arg8[%get3A_494, %get3A_495] {strides = array<i32>} : memref<128x256xf32, #tpu.memory_space<vmem>>, vector<1x16xf32>,
      %get3A_497 = vector.shape_cast %get3A_496 : vector<1x16xf32> to vector<16xf32>
      %get3A_498 = arith.index_cast %scan3A_427 : i32 to index
      %get3A_499 = arith.constant 96 : index
      %get3A_500 = tpu.vector_load %arg10[%get3A_498, %get3A_499] {strides = array<i32>} : memref<128x256xf32, #tpu.memory_space<vmem>>, vector<1x16xf32>,
      %get3A_501 = vector.shape_cast %get3A_500 : vector<1x16xf32> to vector<16xf32>
      %sub3A_502 = arith.subf %get3A_497, %get3A_501 : vector<16xf32>
      %mul3A_503 = arith.mulf %sub3A_502, %sub3A_502 : vector<16xf32>
      %add3A_504 = arith.addf %add3A_493, %mul3A_503 : vector<16xf32>
      %get3A_505 = arith.index_cast %scan3A_427 : i32 to index
      %get3A_506 = arith.constant 112 : index
      %get3A_507 = tpu.vector_load %arg8[%get3A_505, %get3A_506] {strides = array<i32>} : memref<128x256xf32, #tpu.memory_space<vmem>>, vector<1x16xf32>,
      %get3A_508 = vector.shape_cast %get3A_507 : vector<1x16xf32> to vector<16xf32>
      %get3A_509 = arith.index_cast %scan3A_427 : i32 to index
      %get3A_510 = arith.constant 112 : index
      %get3A_511 = tpu.vector_load %arg10[%get3A_509, %get3A_510] {strides = array<i32>} : memref<128x256xf32, #tpu.memory_space<vmem>>, vector<1x16xf32>,
      %get3A_512 = vector.shape_cast %get3A_511 : vector<1x16xf32> to vector<16xf32>
      %sub3A_513 = arith.subf %get3A_508, %get3A_512 : vector<16xf32>
      %mul3A_514 = arith.mulf %sub3A_513, %sub3A_513 : vector<16xf32>
      %add3A_515 = arith.addf %add3A_504, %mul3A_514 : vector<16xf32>
      %get3A_516 = arith.index_cast %scan3A_427 : i32 to index
      %get3A_517 = arith.constant 128 : index
      %get3A_518 = tpu.vector_load %arg8[%get3A_516, %get3A_517] {strides = array<i32>} : memref<128x256xf32, #tpu.memory_space<vmem>>, vector<1x16xf32>,
      %get3A_519 = vector.shape_cast %get3A_518 : vector<1x16xf32> to vector<16xf32>
      %get3A_520 = arith.index_cast %scan3A_427 : i32 to index
      %get3A_521 = arith.constant 128 : index
      %get3A_522 = tpu.vector_load %arg10[%get3A_520, %get3A_521] {strides = array<i32>} : memref<128x256xf32, #tpu.memory_space<vmem>>, vector<1x16xf32>,
      %get3A_523 = vector.shape_cast %get3A_522 : vector<1x16xf32> to vector<16xf32>
      %sub3A_524 = arith.subf %get3A_519, %get3A_523 : vector<16xf32>
      %mul3A_525 = arith.mulf %sub3A_524, %sub3A_524 : vector<16xf32>
      %add3A_526 = arith.addf %add3A_515, %mul3A_525 : vector<16xf32>
      %get3A_527 = arith.index_cast %scan3A_427 : i32 to index
      %get3A_528 = arith.constant 144 : index
      %get3A_529 = tpu.vector_load %arg8[%get3A_527, %get3A_528] {strides = array<i32>} : memref<128x256xf32, #tpu.memory_space<vmem>>, vector<1x16xf32>,
      %get3A_530 = vector.shape_cast %get3A_529 : vector<1x16xf32> to vector<16xf32>
      %get3A_531 = arith.index_cast %scan3A_427 : i32 to index
      %get3A_532 = arith.constant 144 : index
      %get3A_533 = tpu.vector_load %arg10[%get3A_531, %get3A_532] {strides = array<i32>} : memref<128x256xf32, #tpu.memory_space<vmem>>, vector<1x16xf32>,
      %get3A_534 = vector.shape_cast %get3A_533 : vector<1x16xf32> to vector<16xf32>
      %sub3A_535 = arith.subf %get3A_530, %get3A_534 : vector<16xf32>
      %mul3A_536 = arith.mulf %sub3A_535, %sub3A_535 : vector<16xf32>
      %add3A_537 = arith.addf %add3A_526, %mul3A_536 : vector<16xf32>
      %get3A_538 = arith.index_cast %scan3A_427 : i32 to index
      %get3A_539 = arith.constant 160 : index
      %get3A_540 = tpu.vector_load %arg8[%get3A_538, %get3A_539] {strides = array<i32>} : memref<128x256xf32, #tpu.memory_space<vmem>>, vector<1x16xf32>,
      %get3A_541 = vector.shape_cast %get3A_540 : vector<1x16xf32> to vector<16xf32>
      %get3A_542 = arith.index_cast %scan3A_427 : i32 to index
      %get3A_543 = arith.constant 160 : index
      %get3A_544 = tpu.vector_load %arg10[%get3A_542, %get3A_543] {strides = array<i32>} : memref<128x256xf32, #tpu.memory_space<vmem>>, vector<1x16xf32>,
      %get3A_545 = vector.shape_cast %get3A_544 : vector<1x16xf32> to vector<16xf32>
      %sub3A_546 = arith.subf %get3A_541, %get3A_545 : vector<16xf32>
      %mul3A_547 = arith.mulf %sub3A_546, %sub3A_546 : vector<16xf32>
      %add3A_548 = arith.addf %add3A_537, %mul3A_547 : vector<16xf32>
      %get3A_549 = arith.index_cast %scan3A_427 : i32 to index
      %get3A_550 = arith.constant 176 : index
      %get3A_551 = tpu.vector_load %arg8[%get3A_549, %get3A_550] {strides = array<i32>} : memref<128x256xf32, #tpu.memory_space<vmem>>, vector<1x16xf32>,
      %get3A_552 = vector.shape_cast %get3A_551 : vector<1x16xf32> to vector<16xf32>
      %get3A_553 = arith.index_cast %scan3A_427 : i32 to index
      %get3A_554 = arith.constant 176 : index
      %get3A_555 = tpu.vector_load %arg10[%get3A_553, %get3A_554] {strides = array<i32>} : memref<128x256xf32, #tpu.memory_space<vmem>>, vector<1x16xf32>,
      %get3A_556 = vector.shape_cast %get3A_555 : vector<1x16xf32> to vector<16xf32>
      %sub3A_557 = arith.subf %get3A_552, %get3A_556 : vector<16xf32>
      %mul3A_558 = arith.mulf %sub3A_557, %sub3A_557 : vector<16xf32>
      %add3A_559 = arith.addf %add3A_548, %mul3A_558 : vector<16xf32>
      %get3A_560 = arith.index_cast %scan3A_427 : i32 to index
      %get3A_561 = arith.constant 192 : index
      %get3A_562 = tpu.vector_load %arg8[%get3A_560, %get3A_561] {strides = array<i32>} : memref<128x256xf32, #tpu.memory_space<vmem>>, vector<1x16xf32>,
      %get3A_563 = vector.shape_cast %get3A_562 : vector<1x16xf32> to vector<16xf32>
      %get3A_564 = arith.index_cast %scan3A_427 : i32 to index
      %get3A_565 = arith.constant 192 : index
      %get3A_566 = tpu.vector_load %arg10[%get3A_564, %get3A_565] {strides = array<i32>} : memref<128x256xf32, #tpu.memory_space<vmem>>, vector<1x16xf32>,
      %get3A_567 = vector.shape_cast %get3A_566 : vector<1x16xf32> to vector<16xf32>
      %sub3A_568 = arith.subf %get3A_563, %get3A_567 : vector<16xf32>
      %mul3A_569 = arith.mulf %sub3A_568, %sub3A_568 : vector<16xf32>
      %add3A_570 = arith.addf %add3A_559, %mul3A_569 : vector<16xf32>
      %get3A_571 = arith.index_cast %scan3A_427 : i32 to index
      %get3A_572 = arith.constant 208 : index
      %get3A_573 = tpu.vector_load %arg8[%get3A_571, %get3A_572] {strides = array<i32>} : memref<128x256xf32, #tpu.memory_space<vmem>>, vector<1x16xf32>,
      %get3A_574 = vector.shape_cast %get3A_573 : vector<1x16xf32> to vector<16xf32>
      %get3A_575 = arith.index_cast %scan3A_427 : i32 to index
      %get3A_576 = arith.constant 208 : index
      %get3A_577 = tpu.vector_load %arg10[%get3A_575, %get3A_576] {strides = array<i32>} : memref<128x256xf32, #tpu.memory_space<vmem>>, vector<1x16xf32>,
      %get3A_578 = vector.shape_cast %get3A_577 : vector<1x16xf32> to vector<16xf32>
      %sub3A_579 = arith.subf %get3A_574, %get3A_578 : vector<16xf32>
      %mul3A_580 = arith.mulf %sub3A_579, %sub3A_579 : vector<16xf32>
      %add3A_581 = arith.addf %add3A_570, %mul3A_580 : vector<16xf32>
      %get3A_582 = arith.index_cast %scan3A_427 : i32 to index
      %get3A_583 = arith.constant 224 : index
      %get3A_584 = tpu.vector_load %arg8[%get3A_582, %get3A_583] {strides = array<i32>} : memref<128x256xf32, #tpu.memory_space<vmem>>, vector<1x16xf32>,
      %get3A_585 = vector.shape_cast %get3A_584 : vector<1x16xf32> to vector<16xf32>
      %get3A_586 = arith.index_cast %scan3A_427 : i32 to index
      %get3A_587 = arith.constant 224 : index
      %get3A_588 = tpu.vector_load %arg10[%get3A_586, %get3A_587] {strides = array<i32>} : memref<128x256xf32, #tpu.memory_space<vmem>>, vector<1x16xf32>,
      %get3A_589 = vector.shape_cast %get3A_588 : vector<1x16xf32> to vector<16xf32>
      %sub3A_590 = arith.subf %get3A_585, %get3A_589 : vector<16xf32>
      %mul3A_591 = arith.mulf %sub3A_590, %sub3A_590 : vector<16xf32>
      %add3A_592 = arith.addf %add3A_581, %mul3A_591 : vector<16xf32>
      %get3A_593 = arith.index_cast %scan3A_427 : i32 to index
      %get3A_594 = arith.constant 240 : index
      %get3A_595 = tpu.vector_load %arg8[%get3A_593, %get3A_594] {strides = array<i32>} : memref<128x256xf32, #tpu.memory_space<vmem>>, vector<1x16xf32>,
      %get3A_596 = vector.shape_cast %get3A_595 : vector<1x16xf32> to vector<16xf32>
      %get3A_597 = arith.index_cast %scan3A_427 : i32 to index
      %get3A_598 = arith.constant 240 : index
      %get3A_599 = tpu.vector_load %arg10[%get3A_597, %get3A_598] {strides = array<i32>} : memref<128x256xf32, #tpu.memory_space<vmem>>, vector<1x16xf32>,
      %get3A_600 = vector.shape_cast %get3A_599 : vector<1x16xf32> to vector<16xf32>
      %sub3A_601 = arith.subf %get3A_596, %get3A_600 : vector<16xf32>
      %mul3A_602 = arith.mulf %sub3A_601, %sub3A_601 : vector<16xf32>
      %add3A_603 = arith.addf %add3A_592, %mul3A_602 : vector<16xf32>
      %scan3A_604 = arith.constant 3 : i32
      %scan3A_605 = arith.addi %scan3A_72, %scan3A_604 : i32
      %get3A_606 = arith.index_cast %scan3A_605 : i32 to index
      %get3A_607 = arith.constant 0 : index
      %get3A_608 = tpu.vector_load %arg8[%get3A_606, %get3A_607] {strides = array<i32>} : memref<128x256xf32, #tpu.memory_space<vmem>>, vector<1x16xf32>,
      %get3A_609 = vector.shape_cast %get3A_608 : vector<1x16xf32> to vector<16xf32>
      %get3A_610 = arith.index_cast %scan3A_605 : i32 to index
      %get3A_611 = arith.constant 0 : index
      %get3A_612 = tpu.vector_load %arg10[%get3A_610, %get3A_611] {strides = array<i32>} : memref<128x256xf32, #tpu.memory_space<vmem>>, vector<1x16xf32>,
      %get3A_613 = vector.shape_cast %get3A_612 : vector<1x16xf32> to vector<16xf32>
      %sub3A_614 = arith.subf %get3A_609, %get3A_613 : vector<16xf32>
      %mul3A_615 = arith.mulf %sub3A_614, %sub3A_614 : vector<16xf32>
      %add3A_616 = arith.addf %add3A_603, %mul3A_615 : vector<16xf32>
      %get3A_617 = arith.index_cast %scan3A_605 : i32 to index
      %get3A_618 = arith.constant 16 : index
      %get3A_619 = tpu.vector_load %arg8[%get3A_617, %get3A_618] {strides = array<i32>} : memref<128x256xf32, #tpu.memory_space<vmem>>, vector<1x16xf32>,
      %get3A_620 = vector.shape_cast %get3A_619 : vector<1x16xf32> to vector<16xf32>
      %get3A_621 = arith.index_cast %scan3A_605 : i32 to index
      %get3A_622 = arith.constant 16 : index
      %get3A_623 = tpu.vector_load %arg10[%get3A_621, %get3A_622] {strides = array<i32>} : memref<128x256xf32, #tpu.memory_space<vmem>>, vector<1x16xf32>,
      %get3A_624 = vector.shape_cast %get3A_623 : vector<1x16xf32> to vector<16xf32>
      %sub3A_625 = arith.subf %get3A_620, %get3A_624 : vector<16xf32>
      %mul3A_626 = arith.mulf %sub3A_625, %sub3A_625 : vector<16xf32>
      %add3A_627 = arith.addf %add3A_616, %mul3A_626 : vector<16xf32>
      %get3A_628 = arith.index_cast %scan3A_605 : i32 to index
      %get3A_629 = arith.constant 32 : index
      %get3A_630 = tpu.vector_load %arg8[%get3A_628, %get3A_629] {strides = array<i32>} : memref<128x256xf32, #tpu.memory_space<vmem>>, vector<1x16xf32>,
      %get3A_631 = vector.shape_cast %get3A_630 : vector<1x16xf32> to vector<16xf32>
      %get3A_632 = arith.index_cast %scan3A_605 : i32 to index
      %get3A_633 = arith.constant 32 : index
      %get3A_634 = tpu.vector_load %arg10[%get3A_632, %get3A_633] {strides = array<i32>} : memref<128x256xf32, #tpu.memory_space<vmem>>, vector<1x16xf32>,
      %get3A_635 = vector.shape_cast %get3A_634 : vector<1x16xf32> to vector<16xf32>
      %sub3A_636 = arith.subf %get3A_631, %get3A_635 : vector<16xf32>
      %mul3A_637 = arith.mulf %sub3A_636, %sub3A_636 : vector<16xf32>
      %add3A_638 = arith.addf %add3A_627, %mul3A_637 : vector<16xf32>
      %get3A_639 = arith.index_cast %scan3A_605 : i32 to index
      %get3A_640 = arith.constant 48 : index
      %get3A_641 = tpu.vector_load %arg8[%get3A_639, %get3A_640] {strides = array<i32>} : memref<128x256xf32, #tpu.memory_space<vmem>>, vector<1x16xf32>,
      %get3A_642 = vector.shape_cast %get3A_641 : vector<1x16xf32> to vector<16xf32>
      %get3A_643 = arith.index_cast %scan3A_605 : i32 to index
      %get3A_644 = arith.constant 48 : index
      %get3A_645 = tpu.vector_load %arg10[%get3A_643, %get3A_644] {strides = array<i32>} : memref<128x256xf32, #tpu.memory_space<vmem>>, vector<1x16xf32>,
      %get3A_646 = vector.shape_cast %get3A_645 : vector<1x16xf32> to vector<16xf32>
      %sub3A_647 = arith.subf %get3A_642, %get3A_646 : vector<16xf32>
      %mul3A_648 = arith.mulf %sub3A_647, %sub3A_647 : vector<16xf32>
      %add3A_649 = arith.addf %add3A_638, %mul3A_648 : vector<16xf32>
      %get3A_650 = arith.index_cast %scan3A_605 : i32 to index
      %get3A_651 = arith.constant 64 : index
      %get3A_652 = tpu.vector_load %arg8[%get3A_650, %get3A_651] {strides = array<i32>} : memref<128x256xf32, #tpu.memory_space<vmem>>, vector<1x16xf32>,
      %get3A_653 = vector.shape_cast %get3A_652 : vector<1x16xf32> to vector<16xf32>
      %get3A_654 = arith.index_cast %scan3A_605 : i32 to index
      %get3A_655 = arith.constant 64 : index
      %get3A_656 = tpu.vector_load %arg10[%get3A_654, %get3A_655] {strides = array<i32>} : memref<128x256xf32, #tpu.memory_space<vmem>>, vector<1x16xf32>,
      %get3A_657 = vector.shape_cast %get3A_656 : vector<1x16xf32> to vector<16xf32>
      %sub3A_658 = arith.subf %get3A_653, %get3A_657 : vector<16xf32>
      %mul3A_659 = arith.mulf %sub3A_658, %sub3A_658 : vector<16xf32>
      %add3A_660 = arith.addf %add3A_649, %mul3A_659 : vector<16xf32>
      %get3A_661 = arith.index_cast %scan3A_605 : i32 to index
      %get3A_662 = arith.constant 80 : index
      %get3A_663 = tpu.vector_load %arg8[%get3A_661, %get3A_662] {strides = array<i32>} : memref<128x256xf32, #tpu.memory_space<vmem>>, vector<1x16xf32>,
      %get3A_664 = vector.shape_cast %get3A_663 : vector<1x16xf32> to vector<16xf32>
      %get3A_665 = arith.index_cast %scan3A_605 : i32 to index
      %get3A_666 = arith.constant 80 : index
      %get3A_667 = tpu.vector_load %arg10[%get3A_665, %get3A_666] {strides = array<i32>} : memref<128x256xf32, #tpu.memory_space<vmem>>, vector<1x16xf32>,
      %get3A_668 = vector.shape_cast %get3A_667 : vector<1x16xf32> to vector<16xf32>
      %sub3A_669 = arith.subf %get3A_664, %get3A_668 : vector<16xf32>
      %mul3A_670 = arith.mulf %sub3A_669, %sub3A_669 : vector<16xf32>
      %add3A_671 = arith.addf %add3A_660, %mul3A_670 : vector<16xf32>
      %get3A_672 = arith.index_cast %scan3A_605 : i32 to index
      %get3A_673 = arith.constant 96 : index
      %get3A_674 = tpu.vector_load %arg8[%get3A_672, %get3A_673] {strides = array<i32>} : memref<128x256xf32, #tpu.memory_space<vmem>>, vector<1x16xf32>,
      %get3A_675 = vector.shape_cast %get3A_674 : vector<1x16xf32> to vector<16xf32>
      %get3A_676 = arith.index_cast %scan3A_605 : i32 to index
      %get3A_677 = arith.constant 96 : index
      %get3A_678 = tpu.vector_load %arg10[%get3A_676, %get3A_677] {strides = array<i32>} : memref<128x256xf32, #tpu.memory_space<vmem>>, vector<1x16xf32>,
      %get3A_679 = vector.shape_cast %get3A_678 : vector<1x16xf32> to vector<16xf32>
      %sub3A_680 = arith.subf %get3A_675, %get3A_679 : vector<16xf32>
      %mul3A_681 = arith.mulf %sub3A_680, %sub3A_680 : vector<16xf32>
      %add3A_682 = arith.addf %add3A_671, %mul3A_681 : vector<16xf32>
      %get3A_683 = arith.index_cast %scan3A_605 : i32 to index
      %get3A_684 = arith.constant 112 : index
      %get3A_685 = tpu.vector_load %arg8[%get3A_683, %get3A_684] {strides = array<i32>} : memref<128x256xf32, #tpu.memory_space<vmem>>, vector<1x16xf32>,
      %get3A_686 = vector.shape_cast %get3A_685 : vector<1x16xf32> to vector<16xf32>
      %get3A_687 = arith.index_cast %scan3A_605 : i32 to index
      %get3A_688 = arith.constant 112 : index
      %get3A_689 = tpu.vector_load %arg10[%get3A_687, %get3A_688] {strides = array<i32>} : memref<128x256xf32, #tpu.memory_space<vmem>>, vector<1x16xf32>,
      %get3A_690 = vector.shape_cast %get3A_689 : vector<1x16xf32> to vector<16xf32>
      %sub3A_691 = arith.subf %get3A_686, %get3A_690 : vector<16xf32>
      %mul3A_692 = arith.mulf %sub3A_691, %sub3A_691 : vector<16xf32>
      %add3A_693 = arith.addf %add3A_682, %mul3A_692 : vector<16xf32>
      %get3A_694 = arith.index_cast %scan3A_605 : i32 to index
      %get3A_695 = arith.constant 128 : index
      %get3A_696 = tpu.vector_load %arg8[%get3A_694, %get3A_695] {strides = array<i32>} : memref<128x256xf32, #tpu.memory_space<vmem>>, vector<1x16xf32>,
      %get3A_697 = vector.shape_cast %get3A_696 : vector<1x16xf32> to vector<16xf32>
      %get3A_698 = arith.index_cast %scan3A_605 : i32 to index
      %get3A_699 = arith.constant 128 : index
      %get3A_700 = tpu.vector_load %arg10[%get3A_698, %get3A_699] {strides = array<i32>} : memref<128x256xf32, #tpu.memory_space<vmem>>, vector<1x16xf32>,
      %get3A_701 = vector.shape_cast %get3A_700 : vector<1x16xf32> to vector<16xf32>
      %sub3A_702 = arith.subf %get3A_697, %get3A_701 : vector<16xf32>
      %mul3A_703 = arith.mulf %sub3A_702, %sub3A_702 : vector<16xf32>
      %add3A_704 = arith.addf %add3A_693, %mul3A_703 : vector<16xf32>
      %get3A_705 = arith.index_cast %scan3A_605 : i32 to index
      %get3A_706 = arith.constant 144 : index
      %get3A_707 = tpu.vector_load %arg8[%get3A_705, %get3A_706] {strides = array<i32>} : memref<128x256xf32, #tpu.memory_space<vmem>>, vector<1x16xf32>,
      %get3A_708 = vector.shape_cast %get3A_707 : vector<1x16xf32> to vector<16xf32>
      %get3A_709 = arith.index_cast %scan3A_605 : i32 to index
      %get3A_710 = arith.constant 144 : index
      %get3A_711 = tpu.vector_load %arg10[%get3A_709, %get3A_710] {strides = array<i32>} : memref<128x256xf32, #tpu.memory_space<vmem>>, vector<1x16xf32>,
      %get3A_712 = vector.shape_cast %get3A_711 : vector<1x16xf32> to vector<16xf32>
      %sub3A_713 = arith.subf %get3A_708, %get3A_712 : vector<16xf32>
      %mul3A_714 = arith.mulf %sub3A_713, %sub3A_713 : vector<16xf32>
      %add3A_715 = arith.addf %add3A_704, %mul3A_714 : vector<16xf32>
      %get3A_716 = arith.index_cast %scan3A_605 : i32 to index
      %get3A_717 = arith.constant 160 : index
      %get3A_718 = tpu.vector_load %arg8[%get3A_716, %get3A_717] {strides = array<i32>} : memref<128x256xf32, #tpu.memory_space<vmem>>, vector<1x16xf32>,
      %get3A_719 = vector.shape_cast %get3A_718 : vector<1x16xf32> to vector<16xf32>
      %get3A_720 = arith.index_cast %scan3A_605 : i32 to index
      %get3A_721 = arith.constant 160 : index
      %get3A_722 = tpu.vector_load %arg10[%get3A_720, %get3A_721] {strides = array<i32>} : memref<128x256xf32, #tpu.memory_space<vmem>>, vector<1x16xf32>,
      %get3A_723 = vector.shape_cast %get3A_722 : vector<1x16xf32> to vector<16xf32>
      %sub3A_724 = arith.subf %get3A_719, %get3A_723 : vector<16xf32>
      %mul3A_725 = arith.mulf %sub3A_724, %sub3A_724 : vector<16xf32>
      %add3A_726 = arith.addf %add3A_715, %mul3A_725 : vector<16xf32>
      %get3A_727 = arith.index_cast %scan3A_605 : i32 to index
      %get3A_728 = arith.constant 176 : index
      %get3A_729 = tpu.vector_load %arg8[%get3A_727, %get3A_728] {strides = array<i32>} : memref<128x256xf32, #tpu.memory_space<vmem>>, vector<1x16xf32>,
      %get3A_730 = vector.shape_cast %get3A_729 : vector<1x16xf32> to vector<16xf32>
      %get3A_731 = arith.index_cast %scan3A_605 : i32 to index
      %get3A_732 = arith.constant 176 : index
      %get3A_733 = tpu.vector_load %arg10[%get3A_731, %get3A_732] {strides = array<i32>} : memref<128x256xf32, #tpu.memory_space<vmem>>, vector<1x16xf32>,
      %get3A_734 = vector.shape_cast %get3A_733 : vector<1x16xf32> to vector<16xf32>
      %sub3A_735 = arith.subf %get3A_730, %get3A_734 : vector<16xf32>
      %mul3A_736 = arith.mulf %sub3A_735, %sub3A_735 : vector<16xf32>
      %add3A_737 = arith.addf %add3A_726, %mul3A_736 : vector<16xf32>
      %get3A_738 = arith.index_cast %scan3A_605 : i32 to index
      %get3A_739 = arith.constant 192 : index
      %get3A_740 = tpu.vector_load %arg8[%get3A_738, %get3A_739] {strides = array<i32>} : memref<128x256xf32, #tpu.memory_space<vmem>>, vector<1x16xf32>,
      %get3A_741 = vector.shape_cast %get3A_740 : vector<1x16xf32> to vector<16xf32>
      %get3A_742 = arith.index_cast %scan3A_605 : i32 to index
      %get3A_743 = arith.constant 192 : index
      %get3A_744 = tpu.vector_load %arg10[%get3A_742, %get3A_743] {strides = array<i32>} : memref<128x256xf32, #tpu.memory_space<vmem>>, vector<1x16xf32>,
      %get3A_745 = vector.shape_cast %get3A_744 : vector<1x16xf32> to vector<16xf32>
      %sub3A_746 = arith.subf %get3A_741, %get3A_745 : vector<16xf32>
      %mul3A_747 = arith.mulf %sub3A_746, %sub3A_746 : vector<16xf32>
      %add3A_748 = arith.addf %add3A_737, %mul3A_747 : vector<16xf32>
      %get3A_749 = arith.index_cast %scan3A_605 : i32 to index
      %get3A_750 = arith.constant 208 : index
      %get3A_751 = tpu.vector_load %arg8[%get3A_749, %get3A_750] {strides = array<i32>} : memref<128x256xf32, #tpu.memory_space<vmem>>, vector<1x16xf32>,
      %get3A_752 = vector.shape_cast %get3A_751 : vector<1x16xf32> to vector<16xf32>
      %get3A_753 = arith.index_cast %scan3A_605 : i32 to index
      %get3A_754 = arith.constant 208 : index
      %get3A_755 = tpu.vector_load %arg10[%get3A_753, %get3A_754] {strides = array<i32>} : memref<128x256xf32, #tpu.memory_space<vmem>>, vector<1x16xf32>,
      %get3A_756 = vector.shape_cast %get3A_755 : vector<1x16xf32> to vector<16xf32>
      %sub3A_757 = arith.subf %get3A_752, %get3A_756 : vector<16xf32>
      %mul3A_758 = arith.mulf %sub3A_757, %sub3A_757 : vector<16xf32>
      %add3A_759 = arith.addf %add3A_748, %mul3A_758 : vector<16xf32>
      %get3A_760 = arith.index_cast %scan3A_605 : i32 to index
      %get3A_761 = arith.constant 224 : index
      %get3A_762 = tpu.vector_load %arg8[%get3A_760, %get3A_761] {strides = array<i32>} : memref<128x256xf32, #tpu.memory_space<vmem>>, vector<1x16xf32>,
      %get3A_763 = vector.shape_cast %get3A_762 : vector<1x16xf32> to vector<16xf32>
      %get3A_764 = arith.index_cast %scan3A_605 : i32 to index
      %get3A_765 = arith.constant 224 : index
      %get3A_766 = tpu.vector_load %arg10[%get3A_764, %get3A_765] {strides = array<i32>} : memref<128x256xf32, #tpu.memory_space<vmem>>, vector<1x16xf32>,
      %get3A_767 = vector.shape_cast %get3A_766 : vector<1x16xf32> to vector<16xf32>
      %sub3A_768 = arith.subf %get3A_763, %get3A_767 : vector<16xf32>
      %mul3A_769 = arith.mulf %sub3A_768, %sub3A_768 : vector<16xf32>
      %add3A_770 = arith.addf %add3A_759, %mul3A_769 : vector<16xf32>
      %get3A_771 = arith.index_cast %scan3A_605 : i32 to index
      %get3A_772 = arith.constant 240 : index
      %get3A_773 = tpu.vector_load %arg8[%get3A_771, %get3A_772] {strides = array<i32>} : memref<128x256xf32, #tpu.memory_space<vmem>>, vector<1x16xf32>,
      %get3A_774 = vector.shape_cast %get3A_773 : vector<1x16xf32> to vector<16xf32>
      %get3A_775 = arith.index_cast %scan3A_605 : i32 to index
      %get3A_776 = arith.constant 240 : index
      %get3A_777 = tpu.vector_load %arg10[%get3A_775, %get3A_776] {strides = array<i32>} : memref<128x256xf32, #tpu.memory_space<vmem>>, vector<1x16xf32>,
      %get3A_778 = vector.shape_cast %get3A_777 : vector<1x16xf32> to vector<16xf32>
      %sub3A_779 = arith.subf %get3A_774, %get3A_778 : vector<16xf32>
      %mul3A_780 = arith.mulf %sub3A_779, %sub3A_779 : vector<16xf32>
      %add3A_781 = arith.addf %add3A_770, %mul3A_780 : vector<16xf32>
      scf.yield %add3A_781 : vector<16xf32>
    }
    %scan3A_33 = arith.constant 128 : i32
    %dma_wait3A_34 = arith.constant 128 : i32
    %dma_wait3A_35 = tpu.memref_slice %arg7[%dma_wait3A_34] : memref<256xi32, #tpu.memory_space<vmem>> -> memref<128xi32, #tpu.memory_space<vmem>>
    %dma_wait3A_36 = arith.constant 0 : i32
    %dma_wait3A_37 = arith.constant 0 : i32
    %dma_wait3A_38 = tpu.memref_slice %arg2[%dma_wait3A_36, %dma_wait3A_37] : memref<8192x256xf32, #tpu.memory_space<hbm>> -> memref<8192x256xf32, #tpu.memory_space<hbm>>
    tpu.wait_indirect_dma semaphore(%arg13 : memref<!tpu.dma_semaphore, #tpu.memory_space<semaphore_mem>>) src(%dma_wait3A_38 : memref<8192x256xf32, #tpu.memory_space<hbm>>) dst(%arg9 : memref<128x256xf32, #tpu.memory_space<vmem>>)
    %add3A_39 = arith.constant 128 : i32
    %add3A_40 = arith.addi %mul3A_2, %add3A_39 : i32
    %dma_start3A_41 = arith.constant 0 : i32
    %dma_start3A_42 = tpu.memref_slice %arg5[%add3A_40, %dma_start3A_41] : memref<8192x256xf32, #tpu.memory_space<hbm>> -> memref<128x256xf32, #tpu.memory_space<hbm>>
    %dma_start3A_43 = arith.constant 0 : i32
    %dma_start3A_44 = tpu.memref_slice %arg5[%add3A_40, %dma_start3A_43] : memref<8192x256xf32, #tpu.memory_space<hbm>> -> memref<128x256xf32, #tpu.memory_space<hbm>>
    tpu.enqueue_dma source(%arg9 : memref<128x256xf32, #tpu.memory_space<vmem>>) target(%dma_start3A_44 : memref<128x256xf32, #tpu.memory_space<hbm>>) target_semaphore(%arg13 : memref<!tpu.dma_semaphore, #tpu.memory_space<semaphore_mem>>)
    %add3A_45 = arith.constant 128 : i32
    %add3A_46 = arith.addi %mul3A_2, %add3A_45 : i32
    %dma_start3A_47 = arith.constant 0 : i32
    %dma_start3A_48 = tpu.memref_slice %arg4[%add3A_46, %dma_start3A_47] : memref<8192x256xf32, #tpu.memory_space<hbm>> -> memref<128x256xf32, #tpu.memory_space<hbm>>
    %dma_start3A_49 = arith.constant 0 : i32
    %dma_start3A_50 = tpu.memref_slice %arg4[%add3A_46, %dma_start3A_49] : memref<8192x256xf32, #tpu.memory_space<hbm>> -> memref<128x256xf32, #tpu.memory_space<hbm>>
    tpu.enqueue_dma source(%dma_start3A_50 : memref<128x256xf32, #tpu.memory_space<hbm>>) target(%arg10 : memref<128x256xf32, #tpu.memory_space<vmem>>) target_semaphore(%arg14 : memref<!tpu.dma_semaphore, #tpu.memory_space<semaphore_mem>>)
    %dma_wait3A_51 = arith.constant 0 : i32
    %dma_wait3A_52 = tpu.memref_slice %arg4[%add3A_46, %dma_wait3A_51] : memref<8192x256xf32, #tpu.memory_space<hbm>> -> memref<128x256xf32, #tpu.memory_space<hbm>>
    %dma_wait3A_53 = arith.constant 0 : i32
    %dma_wait3A_54 = tpu.memref_slice %arg4[%add3A_46, %dma_wait3A_53] : memref<8192x256xf32, #tpu.memory_space<hbm>> -> memref<128x256xf32, #tpu.memory_space<hbm>>
    tpu.wait_dma2 semaphore(%arg14 : memref<!tpu.dma_semaphore, #tpu.memory_space<semaphore_mem>>) src(%dma_wait3A_54 : memref<128x256xf32, #tpu.memory_space<hbm>>) dst(%arg10 : memref<128x256xf32, #tpu.memory_space<vmem>>)
    %scan3A_55 = arith.constant 0 : i32
    %scan3A_56 = arith.constant 128 : i32
    %scan3A_57 = arith.addi %scan3A_55, %scan3A_56 : i32
    %scan3A_58 = arith.constant 4 : i32
    %scan3A_59 = scf.for %scan3A_72 = %scan3A_55 to %scan3A_57 step %scan3A_58 iter_args(%scan3A_73 = %scan3A_32) -> (vector<16xf32>)  : i32 {
      %get3A = arith.index_cast %scan3A_72 : i32 to index
      %get3A_74 = arith.constant 0 : index
      %get3A_75 = tpu.vector_load %arg9[%get3A, %get3A_74] {strides = array<i32>} : memref<128x256xf32, #tpu.memory_space<vmem>>, vector<1x16xf32>,
      %get3A_76 = vector.shape_cast %get3A_75 : vector<1x16xf32> to vector<16xf32>
      %get3A_77 = arith.index_cast %scan3A_72 : i32 to index
      %get3A_78 = arith.constant 0 : index
      %get3A_79 = tpu.vector_load %arg10[%get3A_77, %get3A_78] {strides = array<i32>} : memref<128x256xf32, #tpu.memory_space<vmem>>, vector<1x16xf32>,
      %get3A_80 = vector.shape_cast %get3A_79 : vector<1x16xf32> to vector<16xf32>
      %sub3A = arith.subf %get3A_76, %get3A_80 : vector<16xf32>
      %mul3A_81 = arith.mulf %sub3A, %sub3A : vector<16xf32>
      %add3A_82 = arith.addf %scan3A_73, %mul3A_81 : vector<16xf32>
      %get3A_83 = arith.index_cast %scan3A_72 : i32 to index
      %get3A_84 = arith.constant 16 : index
      %get3A_85 = tpu.vector_load %arg9[%get3A_83, %get3A_84] {strides = array<i32>} : memref<128x256xf32, #tpu.memory_space<vmem>>, vector<1x16xf32>,
      %get3A_86 = vector.shape_cast %get3A_85 : vector<1x16xf32> to vector<16xf32>
      %get3A_87 = arith.index_cast %scan3A_72 : i32 to index
      %get3A_88 = arith.constant 16 : index
      %get3A_89 = tpu.vector_load %arg10[%get3A_87, %get3A_88] {strides = array<i32>} : memref<128x256xf32, #tpu.memory_space<vmem>>, vector<1x16xf32>,
      %get3A_90 = vector.shape_cast %get3A_89 : vector<1x16xf32> to vector<16xf32>
      %sub3A_91 = arith.subf %get3A_86, %get3A_90 : vector<16xf32>
      %mul3A_92 = arith.mulf %sub3A_91, %sub3A_91 : vector<16xf32>
      %add3A_93 = arith.addf %add3A_82, %mul3A_92 : vector<16xf32>
      %get3A_94 = arith.index_cast %scan3A_72 : i32 to index
      %get3A_95 = arith.constant 32 : index
      %get3A_96 = tpu.vector_load %arg9[%get3A_94, %get3A_95] {strides = array<i32>} : memref<128x256xf32, #tpu.memory_space<vmem>>, vector<1x16xf32>,
      %get3A_97 = vector.shape_cast %get3A_96 : vector<1x16xf32> to vector<16xf32>
      %get3A_98 = arith.index_cast %scan3A_72 : i32 to index
      %get3A_99 = arith.constant 32 : index
      %get3A_100 = tpu.vector_load %arg10[%get3A_98, %get3A_99] {strides = array<i32>} : memref<128x256xf32, #tpu.memory_space<vmem>>, vector<1x16xf32>,
      %get3A_101 = vector.shape_cast %get3A_100 : vector<1x16xf32> to vector<16xf32>
      %sub3A_102 = arith.subf %get3A_97, %get3A_101 : vector<16xf32>
      %mul3A_103 = arith.mulf %sub3A_102, %sub3A_102 : vector<16xf32>
      %add3A_104 = arith.addf %add3A_93, %mul3A_103 : vector<16xf32>
      %get3A_105 = arith.index_cast %scan3A_72 : i32 to index
      %get3A_106 = arith.constant 48 : index
      %get3A_107 = tpu.vector_load %arg9[%get3A_105, %get3A_106] {strides = array<i32>} : memref<128x256xf32, #tpu.memory_space<vmem>>, vector<1x16xf32>,
      %get3A_108 = vector.shape_cast %get3A_107 : vector<1x16xf32> to vector<16xf32>
      %get3A_109 = arith.index_cast %scan3A_72 : i32 to index
      %get3A_110 = arith.constant 48 : index
      %get3A_111 = tpu.vector_load %arg10[%get3A_109, %get3A_110] {strides = array<i32>} : memref<128x256xf32, #tpu.memory_space<vmem>>, vector<1x16xf32>,
      %get3A_112 = vector.shape_cast %get3A_111 : vector<1x16xf32> to vector<16xf32>
      %sub3A_113 = arith.subf %get3A_108, %get3A_112 : vector<16xf32>
      %mul3A_114 = arith.mulf %sub3A_113, %sub3A_113 : vector<16xf32>
      %add3A_115 = arith.addf %add3A_104, %mul3A_114 : vector<16xf32>
      %get3A_116 = arith.index_cast %scan3A_72 : i32 to index
      %get3A_117 = arith.constant 64 : index
      %get3A_118 = tpu.vector_load %arg9[%get3A_116, %get3A_117] {strides = array<i32>} : memref<128x256xf32, #tpu.memory_space<vmem>>, vector<1x16xf32>,
      %get3A_119 = vector.shape_cast %get3A_118 : vector<1x16xf32> to vector<16xf32>
      %get3A_120 = arith.index_cast %scan3A_72 : i32 to index
      %get3A_121 = arith.constant 64 : index
      %get3A_122 = tpu.vector_load %arg10[%get3A_120, %get3A_121] {strides = array<i32>} : memref<128x256xf32, #tpu.memory_space<vmem>>, vector<1x16xf32>,
      %get3A_123 = vector.shape_cast %get3A_122 : vector<1x16xf32> to vector<16xf32>
      %sub3A_124 = arith.subf %get3A_119, %get3A_123 : vector<16xf32>
      %mul3A_125 = arith.mulf %sub3A_124, %sub3A_124 : vector<16xf32>
      %add3A_126 = arith.addf %add3A_115, %mul3A_125 : vector<16xf32>
      %get3A_127 = arith.index_cast %scan3A_72 : i32 to index
      %get3A_128 = arith.constant 80 : index
      %get3A_129 = tpu.vector_load %arg9[%get3A_127, %get3A_128] {strides = array<i32>} : memref<128x256xf32, #tpu.memory_space<vmem>>, vector<1x16xf32>,
      %get3A_130 = vector.shape_cast %get3A_129 : vector<1x16xf32> to vector<16xf32>
      %get3A_131 = arith.index_cast %scan3A_72 : i32 to index
      %get3A_132 = arith.constant 80 : index
      %get3A_133 = tpu.vector_load %arg10[%get3A_131, %get3A_132] {strides = array<i32>} : memref<128x256xf32, #tpu.memory_space<vmem>>, vector<1x16xf32>,
      %get3A_134 = vector.shape_cast %get3A_133 : vector<1x16xf32> to vector<16xf32>
      %sub3A_135 = arith.subf %get3A_130, %get3A_134 : vector<16xf32>
      %mul3A_136 = arith.mulf %sub3A_135, %sub3A_135 : vector<16xf32>
      %add3A_137 = arith.addf %add3A_126, %mul3A_136 : vector<16xf32>
      %get3A_138 = arith.index_cast %scan3A_72 : i32 to index
      %get3A_139 = arith.constant 96 : index
      %get3A_140 = tpu.vector_load %arg9[%get3A_138, %get3A_139] {strides = array<i32>} : memref<128x256xf32, #tpu.memory_space<vmem>>, vector<1x16xf32>,
      %get3A_141 = vector.shape_cast %get3A_140 : vector<1x16xf32> to vector<16xf32>
      %get3A_142 = arith.index_cast %scan3A_72 : i32 to index
      %get3A_143 = arith.constant 96 : index
      %get3A_144 = tpu.vector_load %arg10[%get3A_142, %get3A_143] {strides = array<i32>} : memref<128x256xf32, #tpu.memory_space<vmem>>, vector<1x16xf32>,
      %get3A_145 = vector.shape_cast %get3A_144 : vector<1x16xf32> to vector<16xf32>
      %sub3A_146 = arith.subf %get3A_141, %get3A_145 : vector<16xf32>
      %mul3A_147 = arith.mulf %sub3A_146, %sub3A_146 : vector<16xf32>
      %add3A_148 = arith.addf %add3A_137, %mul3A_147 : vector<16xf32>
      %get3A_149 = arith.index_cast %scan3A_72 : i32 to index
      %get3A_150 = arith.constant 112 : index
      %get3A_151 = tpu.vector_load %arg9[%get3A_149, %get3A_150] {strides = array<i32>} : memref<128x256xf32, #tpu.memory_space<vmem>>, vector<1x16xf32>,
      %get3A_152 = vector.shape_cast %get3A_151 : vector<1x16xf32> to vector<16xf32>
      %get3A_153 = arith.index_cast %scan3A_72 : i32 to index
      %get3A_154 = arith.constant 112 : index
      %get3A_155 = tpu.vector_load %arg10[%get3A_153, %get3A_154] {strides = array<i32>} : memref<128x256xf32, #tpu.memory_space<vmem>>, vector<1x16xf32>,
      %get3A_156 = vector.shape_cast %get3A_155 : vector<1x16xf32> to vector<16xf32>
      %sub3A_157 = arith.subf %get3A_152, %get3A_156 : vector<16xf32>
      %mul3A_158 = arith.mulf %sub3A_157, %sub3A_157 : vector<16xf32>
      %add3A_159 = arith.addf %add3A_148, %mul3A_158 : vector<16xf32>
      %get3A_160 = arith.index_cast %scan3A_72 : i32 to index
      %get3A_161 = arith.constant 128 : index
      %get3A_162 = tpu.vector_load %arg9[%get3A_160, %get3A_161] {strides = array<i32>} : memref<128x256xf32, #tpu.memory_space<vmem>>, vector<1x16xf32>,
      %get3A_163 = vector.shape_cast %get3A_162 : vector<1x16xf32> to vector<16xf32>
      %get3A_164 = arith.index_cast %scan3A_72 : i32 to index
      %get3A_165 = arith.constant 128 : index
      %get3A_166 = tpu.vector_load %arg10[%get3A_164, %get3A_165] {strides = array<i32>} : memref<128x256xf32, #tpu.memory_space<vmem>>, vector<1x16xf32>,
      %get3A_167 = vector.shape_cast %get3A_166 : vector<1x16xf32> to vector<16xf32>
      %sub3A_168 = arith.subf %get3A_163, %get3A_167 : vector<16xf32>
      %mul3A_169 = arith.mulf %sub3A_168, %sub3A_168 : vector<16xf32>
      %add3A_170 = arith.addf %add3A_159, %mul3A_169 : vector<16xf32>
      %get3A_171 = arith.index_cast %scan3A_72 : i32 to index
      %get3A_172 = arith.constant 144 : index
      %get3A_173 = tpu.vector_load %arg9[%get3A_171, %get3A_172] {strides = array<i32>} : memref<128x256xf32, #tpu.memory_space<vmem>>, vector<1x16xf32>,
      %get3A_174 = vector.shape_cast %get3A_173 : vector<1x16xf32> to vector<16xf32>
      %get3A_175 = arith.index_cast %scan3A_72 : i32 to index
      %get3A_176 = arith.constant 144 : index
      %get3A_177 = tpu.vector_load %arg10[%get3A_175, %get3A_176] {strides = array<i32>} : memref<128x256xf32, #tpu.memory_space<vmem>>, vector<1x16xf32>,
      %get3A_178 = vector.shape_cast %get3A_177 : vector<1x16xf32> to vector<16xf32>
      %sub3A_179 = arith.subf %get3A_174, %get3A_178 : vector<16xf32>
      %mul3A_180 = arith.mulf %sub3A_179, %sub3A_179 : vector<16xf32>
      %add3A_181 = arith.addf %add3A_170, %mul3A_180 : vector<16xf32>
      %get3A_182 = arith.index_cast %scan3A_72 : i32 to index
      %get3A_183 = arith.constant 160 : index
      %get3A_184 = tpu.vector_load %arg9[%get3A_182, %get3A_183] {strides = array<i32>} : memref<128x256xf32, #tpu.memory_space<vmem>>, vector<1x16xf32>,
      %get3A_185 = vector.shape_cast %get3A_184 : vector<1x16xf32> to vector<16xf32>
      %get3A_186 = arith.index_cast %scan3A_72 : i32 to index
      %get3A_187 = arith.constant 160 : index
      %get3A_188 = tpu.vector_load %arg10[%get3A_186, %get3A_187] {strides = array<i32>} : memref<128x256xf32, #tpu.memory_space<vmem>>, vector<1x16xf32>,
      %get3A_189 = vector.shape_cast %get3A_188 : vector<1x16xf32> to vector<16xf32>
      %sub3A_190 = arith.subf %get3A_185, %get3A_189 : vector<16xf32>
      %mul3A_191 = arith.mulf %sub3A_190, %sub3A_190 : vector<16xf32>
      %add3A_192 = arith.addf %add3A_181, %mul3A_191 : vector<16xf32>
      %get3A_193 = arith.index_cast %scan3A_72 : i32 to index
      %get3A_194 = arith.constant 176 : index
      %get3A_195 = tpu.vector_load %arg9[%get3A_193, %get3A_194] {strides = array<i32>} : memref<128x256xf32, #tpu.memory_space<vmem>>, vector<1x16xf32>,
      %get3A_196 = vector.shape_cast %get3A_195 : vector<1x16xf32> to vector<16xf32>
      %get3A_197 = arith.index_cast %scan3A_72 : i32 to index
      %get3A_198 = arith.constant 176 : index
      %get3A_199 = tpu.vector_load %arg10[%get3A_197, %get3A_198] {strides = array<i32>} : memref<128x256xf32, #tpu.memory_space<vmem>>, vector<1x16xf32>,
      %get3A_200 = vector.shape_cast %get3A_199 : vector<1x16xf32> to vector<16xf32>
      %sub3A_201 = arith.subf %get3A_196, %get3A_200 : vector<16xf32>
      %mul3A_202 = arith.mulf %sub3A_201, %sub3A_201 : vector<16xf32>
      %add3A_203 = arith.addf %add3A_192, %mul3A_202 : vector<16xf32>
      %get3A_204 = arith.index_cast %scan3A_72 : i32 to index
      %get3A_205 = arith.constant 192 : index
      %get3A_206 = tpu.vector_load %arg9[%get3A_204, %get3A_205] {strides = array<i32>} : memref<128x256xf32, #tpu.memory_space<vmem>>, vector<1x16xf32>,
      %get3A_207 = vector.shape_cast %get3A_206 : vector<1x16xf32> to vector<16xf32>
      %get3A_208 = arith.index_cast %scan3A_72 : i32 to index
      %get3A_209 = arith.constant 192 : index
      %get3A_210 = tpu.vector_load %arg10[%get3A_208, %get3A_209] {strides = array<i32>} : memref<128x256xf32, #tpu.memory_space<vmem>>, vector<1x16xf32>,
      %get3A_211 = vector.shape_cast %get3A_210 : vector<1x16xf32> to vector<16xf32>
      %sub3A_212 = arith.subf %get3A_207, %get3A_211 : vector<16xf32>
      %mul3A_213 = arith.mulf %sub3A_212, %sub3A_212 : vector<16xf32>
      %add3A_214 = arith.addf %add3A_203, %mul3A_213 : vector<16xf32>
      %get3A_215 = arith.index_cast %scan3A_72 : i32 to index
      %get3A_216 = arith.constant 208 : index
      %get3A_217 = tpu.vector_load %arg9[%get3A_215, %get3A_216] {strides = array<i32>} : memref<128x256xf32, #tpu.memory_space<vmem>>, vector<1x16xf32>,
      %get3A_218 = vector.shape_cast %get3A_217 : vector<1x16xf32> to vector<16xf32>
      %get3A_219 = arith.index_cast %scan3A_72 : i32 to index
      %get3A_220 = arith.constant 208 : index
      %get3A_221 = tpu.vector_load %arg10[%get3A_219, %get3A_220] {strides = array<i32>} : memref<128x256xf32, #tpu.memory_space<vmem>>, vector<1x16xf32>,
      %get3A_222 = vector.shape_cast %get3A_221 : vector<1x16xf32> to vector<16xf32>
      %sub3A_223 = arith.subf %get3A_218, %get3A_222 : vector<16xf32>
      %mul3A_224 = arith.mulf %sub3A_223, %sub3A_223 : vector<16xf32>
      %add3A_225 = arith.addf %add3A_214, %mul3A_224 : vector<16xf32>
      %get3A_226 = arith.index_cast %scan3A_72 : i32 to index
      %get3A_227 = arith.constant 224 : index
      %get3A_228 = tpu.vector_load %arg9[%get3A_226, %get3A_227] {strides = array<i32>} : memref<128x256xf32, #tpu.memory_space<vmem>>, vector<1x16xf32>,
      %get3A_229 = vector.shape_cast %get3A_228 : vector<1x16xf32> to vector<16xf32>
      %get3A_230 = arith.index_cast %scan3A_72 : i32 to index
      %get3A_231 = arith.constant 224 : index
      %get3A_232 = tpu.vector_load %arg10[%get3A_230, %get3A_231] {strides = array<i32>} : memref<128x256xf32, #tpu.memory_space<vmem>>, vector<1x16xf32>,
      %get3A_233 = vector.shape_cast %get3A_232 : vector<1x16xf32> to vector<16xf32>
      %sub3A_234 = arith.subf %get3A_229, %get3A_233 : vector<16xf32>
      %mul3A_235 = arith.mulf %sub3A_234, %sub3A_234 : vector<16xf32>
      %add3A_236 = arith.addf %add3A_225, %mul3A_235 : vector<16xf32>
      %get3A_237 = arith.index_cast %scan3A_72 : i32 to index
      %get3A_238 = arith.constant 240 : index
      %get3A_239 = tpu.vector_load %arg9[%get3A_237, %get3A_238] {strides = array<i32>} : memref<128x256xf32, #tpu.memory_space<vmem>>, vector<1x16xf32>,
      %get3A_240 = vector.shape_cast %get3A_239 : vector<1x16xf32> to vector<16xf32>
      %get3A_241 = arith.index_cast %scan3A_72 : i32 to index
      %get3A_242 = arith.constant 240 : index
      %get3A_243 = tpu.vector_load %arg10[%get3A_241, %get3A_242] {strides = array<i32>} : memref<128x256xf32, #tpu.memory_space<vmem>>, vector<1x16xf32>,
      %get3A_244 = vector.shape_cast %get3A_243 : vector<1x16xf32> to vector<16xf32>
      %sub3A_245 = arith.subf %get3A_240, %get3A_244 : vector<16xf32>
      %mul3A_246 = arith.mulf %sub3A_245, %sub3A_245 : vector<16xf32>
      %add3A_247 = arith.addf %add3A_236, %mul3A_246 : vector<16xf32>
      %scan3A_248 = arith.constant 1 : i32
      %scan3A_249 = arith.addi %scan3A_72, %scan3A_248 : i32
      %get3A_250 = arith.index_cast %scan3A_249 : i32 to index
      %get3A_251 = arith.constant 0 : index
      %get3A_252 = tpu.vector_load %arg9[%get3A_250, %get3A_251] {strides = array<i32>} : memref<128x256xf32, #tpu.memory_space<vmem>>, vector<1x16xf32>,
      %get3A_253 = vector.shape_cast %get3A_252 : vector<1x16xf32> to vector<16xf32>
      %get3A_254 = arith.index_cast %scan3A_249 : i32 to index
      %get3A_255 = arith.constant 0 : index
      %get3A_256 = tpu.vector_load %arg10[%get3A_254, %get3A_255] {strides = array<i32>} : memref<128x256xf32, #tpu.memory_space<vmem>>, vector<1x16xf32>,
      %get3A_257 = vector.shape_cast %get3A_256 : vector<1x16xf32> to vector<16xf32>
      %sub3A_258 = arith.subf %get3A_253, %get3A_257 : vector<16xf32>
      %mul3A_259 = arith.mulf %sub3A_258, %sub3A_258 : vector<16xf32>
      %add3A_260 = arith.addf %add3A_247, %mul3A_259 : vector<16xf32>
      %get3A_261 = arith.index_cast %scan3A_249 : i32 to index
      %get3A_262 = arith.constant 16 : index
      %get3A_263 = tpu.vector_load %arg9[%get3A_261, %get3A_262] {strides = array<i32>} : memref<128x256xf32, #tpu.memory_space<vmem>>, vector<1x16xf32>,
      %get3A_264 = vector.shape_cast %get3A_263 : vector<1x16xf32> to vector<16xf32>
      %get3A_265 = arith.index_cast %scan3A_249 : i32 to index
      %get3A_266 = arith.constant 16 : index
      %get3A_267 = tpu.vector_load %arg10[%get3A_265, %get3A_266] {strides = array<i32>} : memref<128x256xf32, #tpu.memory_space<vmem>>, vector<1x16xf32>,
      %get3A_268 = vector.shape_cast %get3A_267 : vector<1x16xf32> to vector<16xf32>
      %sub3A_269 = arith.subf %get3A_264, %get3A_268 : vector<16xf32>
      %mul3A_270 = arith.mulf %sub3A_269, %sub3A_269 : vector<16xf32>
      %add3A_271 = arith.addf %add3A_260, %mul3A_270 : vector<16xf32>
      %get3A_272 = arith.index_cast %scan3A_249 : i32 to index
      %get3A_273 = arith.constant 32 : index
      %get3A_274 = tpu.vector_load %arg9[%get3A_272, %get3A_273] {strides = array<i32>} : memref<128x256xf32, #tpu.memory_space<vmem>>, vector<1x16xf32>,
      %get3A_275 = vector.shape_cast %get3A_274 : vector<1x16xf32> to vector<16xf32>
      %get3A_276 = arith.index_cast %scan3A_249 : i32 to index
      %get3A_277 = arith.constant 32 : index
      %get3A_278 = tpu.vector_load %arg10[%get3A_276, %get3A_277] {strides = array<i32>} : memref<128x256xf32, #tpu.memory_space<vmem>>, vector<1x16xf32>,
      %get3A_279 = vector.shape_cast %get3A_278 : vector<1x16xf32> to vector<16xf32>
      %sub3A_280 = arith.subf %get3A_275, %get3A_279 : vector<16xf32>
      %mul3A_281 = arith.mulf %sub3A_280, %sub3A_280 : vector<16xf32>
      %add3A_282 = arith.addf %add3A_271, %mul3A_281 : vector<16xf32>
      %get3A_283 = arith.index_cast %scan3A_249 : i32 to index
      %get3A_284 = arith.constant 48 : index
      %get3A_285 = tpu.vector_load %arg9[%get3A_283, %get3A_284] {strides = array<i32>} : memref<128x256xf32, #tpu.memory_space<vmem>>, vector<1x16xf32>,
      %get3A_286 = vector.shape_cast %get3A_285 : vector<1x16xf32> to vector<16xf32>
      %get3A_287 = arith.index_cast %scan3A_249 : i32 to index
      %get3A_288 = arith.constant 48 : index
      %get3A_289 = tpu.vector_load %arg10[%get3A_287, %get3A_288] {strides = array<i32>} : memref<128x256xf32, #tpu.memory_space<vmem>>, vector<1x16xf32>,
      %get3A_290 = vector.shape_cast %get3A_289 : vector<1x16xf32> to vector<16xf32>
      %sub3A_291 = arith.subf %get3A_286, %get3A_290 : vector<16xf32>
      %mul3A_292 = arith.mulf %sub3A_291, %sub3A_291 : vector<16xf32>
      %add3A_293 = arith.addf %add3A_282, %mul3A_292 : vector<16xf32>
      %get3A_294 = arith.index_cast %scan3A_249 : i32 to index
      %get3A_295 = arith.constant 64 : index
      %get3A_296 = tpu.vector_load %arg9[%get3A_294, %get3A_295] {strides = array<i32>} : memref<128x256xf32, #tpu.memory_space<vmem>>, vector<1x16xf32>,
      %get3A_297 = vector.shape_cast %get3A_296 : vector<1x16xf32> to vector<16xf32>
      %get3A_298 = arith.index_cast %scan3A_249 : i32 to index
      %get3A_299 = arith.constant 64 : index
      %get3A_300 = tpu.vector_load %arg10[%get3A_298, %get3A_299] {strides = array<i32>} : memref<128x256xf32, #tpu.memory_space<vmem>>, vector<1x16xf32>,
      %get3A_301 = vector.shape_cast %get3A_300 : vector<1x16xf32> to vector<16xf32>
      %sub3A_302 = arith.subf %get3A_297, %get3A_301 : vector<16xf32>
      %mul3A_303 = arith.mulf %sub3A_302, %sub3A_302 : vector<16xf32>
      %add3A_304 = arith.addf %add3A_293, %mul3A_303 : vector<16xf32>
      %get3A_305 = arith.index_cast %scan3A_249 : i32 to index
      %get3A_306 = arith.constant 80 : index
      %get3A_307 = tpu.vector_load %arg9[%get3A_305, %get3A_306] {strides = array<i32>} : memref<128x256xf32, #tpu.memory_space<vmem>>, vector<1x16xf32>,
      %get3A_308 = vector.shape_cast %get3A_307 : vector<1x16xf32> to vector<16xf32>
      %get3A_309 = arith.index_cast %scan3A_249 : i32 to index
      %get3A_310 = arith.constant 80 : index
      %get3A_311 = tpu.vector_load %arg10[%get3A_309, %get3A_310] {strides = array<i32>} : memref<128x256xf32, #tpu.memory_space<vmem>>, vector<1x16xf32>,
      %get3A_312 = vector.shape_cast %get3A_311 : vector<1x16xf32> to vector<16xf32>
      %sub3A_313 = arith.subf %get3A_308, %get3A_312 : vector<16xf32>
      %mul3A_314 = arith.mulf %sub3A_313, %sub3A_313 : vector<16xf32>
      %add3A_315 = arith.addf %add3A_304, %mul3A_314 : vector<16xf32>
      %get3A_316 = arith.index_cast %scan3A_249 : i32 to index
      %get3A_317 = arith.constant 96 : index
      %get3A_318 = tpu.vector_load %arg9[%get3A_316, %get3A_317] {strides = array<i32>} : memref<128x256xf32, #tpu.memory_space<vmem>>, vector<1x16xf32>,
      %get3A_319 = vector.shape_cast %get3A_318 : vector<1x16xf32> to vector<16xf32>
      %get3A_320 = arith.index_cast %scan3A_249 : i32 to index
      %get3A_321 = arith.constant 96 : index
      %get3A_322 = tpu.vector_load %arg10[%get3A_320, %get3A_321] {strides = array<i32>} : memref<128x256xf32, #tpu.memory_space<vmem>>, vector<1x16xf32>,
      %get3A_323 = vector.shape_cast %get3A_322 : vector<1x16xf32> to vector<16xf32>
      %sub3A_324 = arith.subf %get3A_319, %get3A_323 : vector<16xf32>
      %mul3A_325 = arith.mulf %sub3A_324, %sub3A_324 : vector<16xf32>
      %add3A_326 = arith.addf %add3A_315, %mul3A_325 : vector<16xf32>
      %get3A_327 = arith.index_cast %scan3A_249 : i32 to index
      %get3A_328 = arith.constant 112 : index
      %get3A_329 = tpu.vector_load %arg9[%get3A_327, %get3A_328] {strides = array<i32>} : memref<128x256xf32, #tpu.memory_space<vmem>>, vector<1x16xf32>,
      %get3A_330 = vector.shape_cast %get3A_329 : vector<1x16xf32> to vector<16xf32>
      %get3A_331 = arith.index_cast %scan3A_249 : i32 to index
      %get3A_332 = arith.constant 112 : index
      %get3A_333 = tpu.vector_load %arg10[%get3A_331, %get3A_332] {strides = array<i32>} : memref<128x256xf32, #tpu.memory_space<vmem>>, vector<1x16xf32>,
      %get3A_334 = vector.shape_cast %get3A_333 : vector<1x16xf32> to vector<16xf32>
      %sub3A_335 = arith.subf %get3A_330, %get3A_334 : vector<16xf32>
      %mul3A_336 = arith.mulf %sub3A_335, %sub3A_335 : vector<16xf32>
      %add3A_337 = arith.addf %add3A_326, %mul3A_336 : vector<16xf32>
      %get3A_338 = arith.index_cast %scan3A_249 : i32 to index
      %get3A_339 = arith.constant 128 : index
      %get3A_340 = tpu.vector_load %arg9[%get3A_338, %get3A_339] {strides = array<i32>} : memref<128x256xf32, #tpu.memory_space<vmem>>, vector<1x16xf32>,
      %get3A_341 = vector.shape_cast %get3A_340 : vector<1x16xf32> to vector<16xf32>
      %get3A_342 = arith.index_cast %scan3A_249 : i32 to index
      %get3A_343 = arith.constant 128 : index
      %get3A_344 = tpu.vector_load %arg10[%get3A_342, %get3A_343] {strides = array<i32>} : memref<128x256xf32, #tpu.memory_space<vmem>>, vector<1x16xf32>,
      %get3A_345 = vector.shape_cast %get3A_344 : vector<1x16xf32> to vector<16xf32>
      %sub3A_346 = arith.subf %get3A_341, %get3A_345 : vector<16xf32>
      %mul3A_347 = arith.mulf %sub3A_346, %sub3A_346 : vector<16xf32>
      %add3A_348 = arith.addf %add3A_337, %mul3A_347 : vector<16xf32>
      %get3A_349 = arith.index_cast %scan3A_249 : i32 to index
      %get3A_350 = arith.constant 144 : index
      %get3A_351 = tpu.vector_load %arg9[%get3A_349, %get3A_350] {strides = array<i32>} : memref<128x256xf32, #tpu.memory_space<vmem>>, vector<1x16xf32>,
      %get3A_352 = vector.shape_cast %get3A_351 : vector<1x16xf32> to vector<16xf32>
      %get3A_353 = arith.index_cast %scan3A_249 : i32 to index
      %get3A_354 = arith.constant 144 : index
      %get3A_355 = tpu.vector_load %arg10[%get3A_353, %get3A_354] {strides = array<i32>} : memref<128x256xf32, #tpu.memory_space<vmem>>, vector<1x16xf32>,
      %get3A_356 = vector.shape_cast %get3A_355 : vector<1x16xf32> to vector<16xf32>
      %sub3A_357 = arith.subf %get3A_352, %get3A_356 : vector<16xf32>
      %mul3A_358 = arith.mulf %sub3A_357, %sub3A_357 : vector<16xf32>
      %add3A_359 = arith.addf %add3A_348, %mul3A_358 : vector<16xf32>
      %get3A_360 = arith.index_cast %scan3A_249 : i32 to index
      %get3A_361 = arith.constant 160 : index
      %get3A_362 = tpu.vector_load %arg9[%get3A_360, %get3A_361] {strides = array<i32>} : memref<128x256xf32, #tpu.memory_space<vmem>>, vector<1x16xf32>,
      %get3A_363 = vector.shape_cast %get3A_362 : vector<1x16xf32> to vector<16xf32>
      %get3A_364 = arith.index_cast %scan3A_249 : i32 to index
      %get3A_365 = arith.constant 160 : index
      %get3A_366 = tpu.vector_load %arg10[%get3A_364, %get3A_365] {strides = array<i32>} : memref<128x256xf32, #tpu.memory_space<vmem>>, vector<1x16xf32>,
      %get3A_367 = vector.shape_cast %get3A_366 : vector<1x16xf32> to vector<16xf32>
      %sub3A_368 = arith.subf %get3A_363, %get3A_367 : vector<16xf32>
      %mul3A_369 = arith.mulf %sub3A_368, %sub3A_368 : vector<16xf32>
      %add3A_370 = arith.addf %add3A_359, %mul3A_369 : vector<16xf32>
      %get3A_371 = arith.index_cast %scan3A_249 : i32 to index
      %get3A_372 = arith.constant 176 : index
      %get3A_373 = tpu.vector_load %arg9[%get3A_371, %get3A_372] {strides = array<i32>} : memref<128x256xf32, #tpu.memory_space<vmem>>, vector<1x16xf32>,
      %get3A_374 = vector.shape_cast %get3A_373 : vector<1x16xf32> to vector<16xf32>
      %get3A_375 = arith.index_cast %scan3A_249 : i32 to index
      %get3A_376 = arith.constant 176 : index
      %get3A_377 = tpu.vector_load %arg10[%get3A_375, %get3A_376] {strides = array<i32>} : memref<128x256xf32, #tpu.memory_space<vmem>>, vector<1x16xf32>,
      %get3A_378 = vector.shape_cast %get3A_377 : vector<1x16xf32> to vector<16xf32>
      %sub3A_379 = arith.subf %get3A_374, %get3A_378 : vector<16xf32>
      %mul3A_380 = arith.mulf %sub3A_379, %sub3A_379 : vector<16xf32>
      %add3A_381 = arith.addf %add3A_370, %mul3A_380 : vector<16xf32>
      %get3A_382 = arith.index_cast %scan3A_249 : i32 to index
      %get3A_383 = arith.constant 192 : index
      %get3A_384 = tpu.vector_load %arg9[%get3A_382, %get3A_383] {strides = array<i32>} : memref<128x256xf32, #tpu.memory_space<vmem>>, vector<1x16xf32>,
      %get3A_385 = vector.shape_cast %get3A_384 : vector<1x16xf32> to vector<16xf32>
      %get3A_386 = arith.index_cast %scan3A_249 : i32 to index
      %get3A_387 = arith.constant 192 : index
      %get3A_388 = tpu.vector_load %arg10[%get3A_386, %get3A_387] {strides = array<i32>} : memref<128x256xf32, #tpu.memory_space<vmem>>, vector<1x16xf32>,
      %get3A_389 = vector.shape_cast %get3A_388 : vector<1x16xf32> to vector<16xf32>
      %sub3A_390 = arith.subf %get3A_385, %get3A_389 : vector<16xf32>
      %mul3A_391 = arith.mulf %sub3A_390, %sub3A_390 : vector<16xf32>
      %add3A_392 = arith.addf %add3A_381, %mul3A_391 : vector<16xf32>
      %get3A_393 = arith.index_cast %scan3A_249 : i32 to index
      %get3A_394 = arith.constant 208 : index
      %get3A_395 = tpu.vector_load %arg9[%get3A_393, %get3A_394] {strides = array<i32>} : memref<128x256xf32, #tpu.memory_space<vmem>>, vector<1x16xf32>,
      %get3A_396 = vector.shape_cast %get3A_395 : vector<1x16xf32> to vector<16xf32>
      %get3A_397 = arith.index_cast %scan3A_249 : i32 to index
      %get3A_398 = arith.constant 208 : index
      %get3A_399 = tpu.vector_load %arg10[%get3A_397, %get3A_398] {strides = array<i32>} : memref<128x256xf32, #tpu.memory_space<vmem>>, vector<1x16xf32>,
      %get3A_400 = vector.shape_cast %get3A_399 : vector<1x16xf32> to vector<16xf32>
      %sub3A_401 = arith.subf %get3A_396, %get3A_400 : vector<16xf32>
      %mul3A_402 = arith.mulf %sub3A_401, %sub3A_401 : vector<16xf32>
      %add3A_403 = arith.addf %add3A_392, %mul3A_402 : vector<16xf32>
      %get3A_404 = arith.index_cast %scan3A_249 : i32 to index
      %get3A_405 = arith.constant 224 : index
      %get3A_406 = tpu.vector_load %arg9[%get3A_404, %get3A_405] {strides = array<i32>} : memref<128x256xf32, #tpu.memory_space<vmem>>, vector<1x16xf32>,
      %get3A_407 = vector.shape_cast %get3A_406 : vector<1x16xf32> to vector<16xf32>
      %get3A_408 = arith.index_cast %scan3A_249 : i32 to index
      %get3A_409 = arith.constant 224 : index
      %get3A_410 = tpu.vector_load %arg10[%get3A_408, %get3A_409] {strides = array<i32>} : memref<128x256xf32, #tpu.memory_space<vmem>>, vector<1x16xf32>,
      %get3A_411 = vector.shape_cast %get3A_410 : vector<1x16xf32> to vector<16xf32>
      %sub3A_412 = arith.subf %get3A_407, %get3A_411 : vector<16xf32>
      %mul3A_413 = arith.mulf %sub3A_412, %sub3A_412 : vector<16xf32>
      %add3A_414 = arith.addf %add3A_403, %mul3A_413 : vector<16xf32>
      %get3A_415 = arith.index_cast %scan3A_249 : i32 to index
      %get3A_416 = arith.constant 240 : index
      %get3A_417 = tpu.vector_load %arg9[%get3A_415, %get3A_416] {strides = array<i32>} : memref<128x256xf32, #tpu.memory_space<vmem>>, vector<1x16xf32>,
      %get3A_418 = vector.shape_cast %get3A_417 : vector<1x16xf32> to vector<16xf32>
      %get3A_419 = arith.index_cast %scan3A_249 : i32 to index
      %get3A_420 = arith.constant 240 : index
      %get3A_421 = tpu.vector_load %arg10[%get3A_419, %get3A_420] {strides = array<i32>} : memref<128x256xf32, #tpu.memory_space<vmem>>, vector<1x16xf32>,
      %get3A_422 = vector.shape_cast %get3A_421 : vector<1x16xf32> to vector<16xf32>
      %sub3A_423 = arith.subf %get3A_418, %get3A_422 : vector<16xf32>
      %mul3A_424 = arith.mulf %sub3A_423, %sub3A_423 : vector<16xf32>
      %add3A_425 = arith.addf %add3A_414, %mul3A_424 : vector<16xf32>
      %scan3A_426 = arith.constant 2 : i32
      %scan3A_427 = arith.addi %scan3A_72, %scan3A_426 : i32
      %get3A_428 = arith.index_cast %scan3A_427 : i32 to index
      %get3A_429 = arith.constant 0 : index
      %get3A_430 = tpu.vector_load %arg9[%get3A_428, %get3A_429] {strides = array<i32>} : memref<128x256xf32, #tpu.memory_space<vmem>>, vector<1x16xf32>,
      %get3A_431 = vector.shape_cast %get3A_430 : vector<1x16xf32> to vector<16xf32>
      %get3A_432 = arith.index_cast %scan3A_427 : i32 to index
      %get3A_433 = arith.constant 0 : index
      %get3A_434 = tpu.vector_load %arg10[%get3A_432, %get3A_433] {strides = array<i32>} : memref<128x256xf32, #tpu.memory_space<vmem>>, vector<1x16xf32>,
      %get3A_435 = vector.shape_cast %get3A_434 : vector<1x16xf32> to vector<16xf32>
      %sub3A_436 = arith.subf %get3A_431, %get3A_435 : vector<16xf32>
      %mul3A_437 = arith.mulf %sub3A_436, %sub3A_436 : vector<16xf32>
      %add3A_438 = arith.addf %add3A_425, %mul3A_437 : vector<16xf32>
      %get3A_439 = arith.index_cast %scan3A_427 : i32 to index
      %get3A_440 = arith.constant 16 : index
      %get3A_441 = tpu.vector_load %arg9[%get3A_439, %get3A_440] {strides = array<i32>} : memref<128x256xf32, #tpu.memory_space<vmem>>, vector<1x16xf32>,
      %get3A_442 = vector.shape_cast %get3A_441 : vector<1x16xf32> to vector<16xf32>
      %get3A_443 = arith.index_cast %scan3A_427 : i32 to index
      %get3A_444 = arith.constant 16 : index
      %get3A_445 = tpu.vector_load %arg10[%get3A_443, %get3A_444] {strides = array<i32>} : memref<128x256xf32, #tpu.memory_space<vmem>>, vector<1x16xf32>,
      %get3A_446 = vector.shape_cast %get3A_445 : vector<1x16xf32> to vector<16xf32>
      %sub3A_447 = arith.subf %get3A_442, %get3A_446 : vector<16xf32>
      %mul3A_448 = arith.mulf %sub3A_447, %sub3A_447 : vector<16xf32>
      %add3A_449 = arith.addf %add3A_438, %mul3A_448 : vector<16xf32>
      %get3A_450 = arith.index_cast %scan3A_427 : i32 to index
      %get3A_451 = arith.constant 32 : index
      %get3A_452 = tpu.vector_load %arg9[%get3A_450, %get3A_451] {strides = array<i32>} : memref<128x256xf32, #tpu.memory_space<vmem>>, vector<1x16xf32>,
      %get3A_453 = vector.shape_cast %get3A_452 : vector<1x16xf32> to vector<16xf32>
      %get3A_454 = arith.index_cast %scan3A_427 : i32 to index
      %get3A_455 = arith.constant 32 : index
      %get3A_456 = tpu.vector_load %arg10[%get3A_454, %get3A_455] {strides = array<i32>} : memref<128x256xf32, #tpu.memory_space<vmem>>, vector<1x16xf32>,
      %get3A_457 = vector.shape_cast %get3A_456 : vector<1x16xf32> to vector<16xf32>
      %sub3A_458 = arith.subf %get3A_453, %get3A_457 : vector<16xf32>
      %mul3A_459 = arith.mulf %sub3A_458, %sub3A_458 : vector<16xf32>
      %add3A_460 = arith.addf %add3A_449, %mul3A_459 : vector<16xf32>
      %get3A_461 = arith.index_cast %scan3A_427 : i32 to index
      %get3A_462 = arith.constant 48 : index
      %get3A_463 = tpu.vector_load %arg9[%get3A_461, %get3A_462] {strides = array<i32>} : memref<128x256xf32, #tpu.memory_space<vmem>>, vector<1x16xf32>,
      %get3A_464 = vector.shape_cast %get3A_463 : vector<1x16xf32> to vector<16xf32>
      %get3A_465 = arith.index_cast %scan3A_427 : i32 to index
      %get3A_466 = arith.constant 48 : index
      %get3A_467 = tpu.vector_load %arg10[%get3A_465, %get3A_466] {strides = array<i32>} : memref<128x256xf32, #tpu.memory_space<vmem>>, vector<1x16xf32>,
      %get3A_468 = vector.shape_cast %get3A_467 : vector<1x16xf32> to vector<16xf32>
      %sub3A_469 = arith.subf %get3A_464, %get3A_468 : vector<16xf32>
      %mul3A_470 = arith.mulf %sub3A_469, %sub3A_469 : vector<16xf32>
      %add3A_471 = arith.addf %add3A_460, %mul3A_470 : vector<16xf32>
      %get3A_472 = arith.index_cast %scan3A_427 : i32 to index
      %get3A_473 = arith.constant 64 : index
      %get3A_474 = tpu.vector_load %arg9[%get3A_472, %get3A_473] {strides = array<i32>} : memref<128x256xf32, #tpu.memory_space<vmem>>, vector<1x16xf32>,
      %get3A_475 = vector.shape_cast %get3A_474 : vector<1x16xf32> to vector<16xf32>
      %get3A_476 = arith.index_cast %scan3A_427 : i32 to index
      %get3A_477 = arith.constant 64 : index
      %get3A_478 = tpu.vector_load %arg10[%get3A_476, %get3A_477] {strides = array<i32>} : memref<128x256xf32, #tpu.memory_space<vmem>>, vector<1x16xf32>,
      %get3A_479 = vector.shape_cast %get3A_478 : vector<1x16xf32> to vector<16xf32>
      %sub3A_480 = arith.subf %get3A_475, %get3A_479 : vector<16xf32>
      %mul3A_481 = arith.mulf %sub3A_480, %sub3A_480 : vector<16xf32>
      %add3A_482 = arith.addf %add3A_471, %mul3A_481 : vector<16xf32>
      %get3A_483 = arith.index_cast %scan3A_427 : i32 to index
      %get3A_484 = arith.constant 80 : index
      %get3A_485 = tpu.vector_load %arg9[%get3A_483, %get3A_484] {strides = array<i32>} : memref<128x256xf32, #tpu.memory_space<vmem>>, vector<1x16xf32>,
      %get3A_486 = vector.shape_cast %get3A_485 : vector<1x16xf32> to vector<16xf32>
      %get3A_487 = arith.index_cast %scan3A_427 : i32 to index
      %get3A_488 = arith.constant 80 : index
      %get3A_489 = tpu.vector_load %arg10[%get3A_487, %get3A_488] {strides = array<i32>} : memref<128x256xf32, #tpu.memory_space<vmem>>, vector<1x16xf32>,
      %get3A_490 = vector.shape_cast %get3A_489 : vector<1x16xf32> to vector<16xf32>
      %sub3A_491 = arith.subf %get3A_486, %get3A_490 : vector<16xf32>
      %mul3A_492 = arith.mulf %sub3A_491, %sub3A_491 : vector<16xf32>
      %add3A_493 = arith.addf %add3A_482, %mul3A_492 : vector<16xf32>
      %get3A_494 = arith.index_cast %scan3A_427 : i32 to index
      %get3A_495 = arith.constant 96 : index
      %get3A_496 = tpu.vector_load %arg9[%get3A_494, %get3A_495] {strides = array<i32>} : memref<128x256xf32, #tpu.memory_space<vmem>>, vector<1x16xf32>,
      %get3A_497 = vector.shape_cast %get3A_496 : vector<1x16xf32> to vector<16xf32>
      %get3A_498 = arith.index_cast %scan3A_427 : i32 to index
      %get3A_499 = arith.constant 96 : index
      %get3A_500 = tpu.vector_load %arg10[%get3A_498, %get3A_499] {strides = array<i32>} : memref<128x256xf32, #tpu.memory_space<vmem>>, vector<1x16xf32>,
      %get3A_501 = vector.shape_cast %get3A_500 : vector<1x16xf32> to vector<16xf32>
      %sub3A_502 = arith.subf %get3A_497, %get3A_501 : vector<16xf32>
      %mul3A_503 = arith.mulf %sub3A_502, %sub3A_502 : vector<16xf32>
      %add3A_504 = arith.addf %add3A_493, %mul3A_503 : vector<16xf32>
      %get3A_505 = arith.index_cast %scan3A_427 : i32 to index
      %get3A_506 = arith.constant 112 : index
      %get3A_507 = tpu.vector_load %arg9[%get3A_505, %get3A_506] {strides = array<i32>} : memref<128x256xf32, #tpu.memory_space<vmem>>, vector<1x16xf32>,
      %get3A_508 = vector.shape_cast %get3A_507 : vector<1x16xf32> to vector<16xf32>
      %get3A_509 = arith.index_cast %scan3A_427 : i32 to index
      %get3A_510 = arith.constant 112 : index
      %get3A_511 = tpu.vector_load %arg10[%get3A_509, %get3A_510] {strides = array<i32>} : memref<128x256xf32, #tpu.memory_space<vmem>>, vector<1x16xf32>,
      %get3A_512 = vector.shape_cast %get3A_511 : vector<1x16xf32> to vector<16xf32>
      %sub3A_513 = arith.subf %get3A_508, %get3A_512 : vector<16xf32>
      %mul3A_514 = arith.mulf %sub3A_513, %sub3A_513 : vector<16xf32>
      %add3A_515 = arith.addf %add3A_504, %mul3A_514 : vector<16xf32>
      %get3A_516 = arith.index_cast %scan3A_427 : i32 to index
      %get3A_517 = arith.constant 128 : index
      %get3A_518 = tpu.vector_load %arg9[%get3A_516, %get3A_517] {strides = array<i32>} : memref<128x256xf32, #tpu.memory_space<vmem>>, vector<1x16xf32>,
      %get3A_519 = vector.shape_cast %get3A_518 : vector<1x16xf32> to vector<16xf32>
      %get3A_520 = arith.index_cast %scan3A_427 : i32 to index
      %get3A_521 = arith.constant 128 : index
      %get3A_522 = tpu.vector_load %arg10[%get3A_520, %get3A_521] {strides = array<i32>} : memref<128x256xf32, #tpu.memory_space<vmem>>, vector<1x16xf32>,
      %get3A_523 = vector.shape_cast %get3A_522 : vector<1x16xf32> to vector<16xf32>
      %sub3A_524 = arith.subf %get3A_519, %get3A_523 : vector<16xf32>
      %mul3A_525 = arith.mulf %sub3A_524, %sub3A_524 : vector<16xf32>
      %add3A_526 = arith.addf %add3A_515, %mul3A_525 : vector<16xf32>
      %get3A_527 = arith.index_cast %scan3A_427 : i32 to index
      %get3A_528 = arith.constant 144 : index
      %get3A_529 = tpu.vector_load %arg9[%get3A_527, %get3A_528] {strides = array<i32>} : memref<128x256xf32, #tpu.memory_space<vmem>>, vector<1x16xf32>,
      %get3A_530 = vector.shape_cast %get3A_529 : vector<1x16xf32> to vector<16xf32>
      %get3A_531 = arith.index_cast %scan3A_427 : i32 to index
      %get3A_532 = arith.constant 144 : index
      %get3A_533 = tpu.vector_load %arg10[%get3A_531, %get3A_532] {strides = array<i32>} : memref<128x256xf32, #tpu.memory_space<vmem>>, vector<1x16xf32>,
      %get3A_534 = vector.shape_cast %get3A_533 : vector<1x16xf32> to vector<16xf32>
      %sub3A_535 = arith.subf %get3A_530, %get3A_534 : vector<16xf32>
      %mul3A_536 = arith.mulf %sub3A_535, %sub3A_535 : vector<16xf32>
      %add3A_537 = arith.addf %add3A_526, %mul3A_536 : vector<16xf32>
      %get3A_538 = arith.index_cast %scan3A_427 : i32 to index
      %get3A_539 = arith.constant 160 : index
      %get3A_540 = tpu.vector_load %arg9[%get3A_538, %get3A_539] {strides = array<i32>} : memref<128x256xf32, #tpu.memory_space<vmem>>, vector<1x16xf32>,
      %get3A_541 = vector.shape_cast %get3A_540 : vector<1x16xf32> to vector<16xf32>
      %get3A_542 = arith.index_cast %scan3A_427 : i32 to index
      %get3A_543 = arith.constant 160 : index
      %get3A_544 = tpu.vector_load %arg10[%get3A_542, %get3A_543] {strides = array<i32>} : memref<128x256xf32, #tpu.memory_space<vmem>>, vector<1x16xf32>,
      %get3A_545 = vector.shape_cast %get3A_544 : vector<1x16xf32> to vector<16xf32>
      %sub3A_546 = arith.subf %get3A_541, %get3A_545 : vector<16xf32>
      %mul3A_547 = arith.mulf %sub3A_546, %sub3A_546 : vector<16xf32>
      %add3A_548 = arith.addf %add3A_537, %mul3A_547 : vector<16xf32>
      %get3A_549 = arith.index_cast %scan3A_427 : i32 to index
      %get3A_550 = arith.constant 176 : index
      %get3A_551 = tpu.vector_load %arg9[%get3A_549, %get3A_550] {strides = array<i32>} : memref<128x256xf32, #tpu.memory_space<vmem>>, vector<1x16xf32>,
      %get3A_552 = vector.shape_cast %get3A_551 : vector<1x16xf32> to vector<16xf32>
      %get3A_553 = arith.index_cast %scan3A_427 : i32 to index
      %get3A_554 = arith.constant 176 : index
      %get3A_555 = tpu.vector_load %arg10[%get3A_553, %get3A_554] {strides = array<i32>} : memref<128x256xf32, #tpu.memory_space<vmem>>, vector<1x16xf32>,
      %get3A_556 = vector.shape_cast %get3A_555 : vector<1x16xf32> to vector<16xf32>
      %sub3A_557 = arith.subf %get3A_552, %get3A_556 : vector<16xf32>
      %mul3A_558 = arith.mulf %sub3A_557, %sub3A_557 : vector<16xf32>
      %add3A_559 = arith.addf %add3A_548, %mul3A_558 : vector<16xf32>
      %get3A_560 = arith.index_cast %scan3A_427 : i32 to index
      %get3A_561 = arith.constant 192 : index
      %get3A_562 = tpu.vector_load %arg9[%get3A_560, %get3A_561] {strides = array<i32>} : memref<128x256xf32, #tpu.memory_space<vmem>>, vector<1x16xf32>,
      %get3A_563 = vector.shape_cast %get3A_562 : vector<1x16xf32> to vector<16xf32>
      %get3A_564 = arith.index_cast %scan3A_427 : i32 to index
      %get3A_565 = arith.constant 192 : index
      %get3A_566 = tpu.vector_load %arg10[%get3A_564, %get3A_565] {strides = array<i32>} : memref<128x256xf32, #tpu.memory_space<vmem>>, vector<1x16xf32>,
      %get3A_567 = vector.shape_cast %get3A_566 : vector<1x16xf32> to vector<16xf32>
      %sub3A_568 = arith.subf %get3A_563, %get3A_567 : vector<16xf32>
      %mul3A_569 = arith.mulf %sub3A_568, %sub3A_568 : vector<16xf32>
      %add3A_570 = arith.addf %add3A_559, %mul3A_569 : vector<16xf32>
      %get3A_571 = arith.index_cast %scan3A_427 : i32 to index
      %get3A_572 = arith.constant 208 : index
      %get3A_573 = tpu.vector_load %arg9[%get3A_571, %get3A_572] {strides = array<i32>} : memref<128x256xf32, #tpu.memory_space<vmem>>, vector<1x16xf32>,
      %get3A_574 = vector.shape_cast %get3A_573 : vector<1x16xf32> to vector<16xf32>
      %get3A_575 = arith.index_cast %scan3A_427 : i32 to index
      %get3A_576 = arith.constant 208 : index
      %get3A_577 = tpu.vector_load %arg10[%get3A_575, %get3A_576] {strides = array<i32>} : memref<128x256xf32, #tpu.memory_space<vmem>>, vector<1x16xf32>,
      %get3A_578 = vector.shape_cast %get3A_577 : vector<1x16xf32> to vector<16xf32>
      %sub3A_579 = arith.subf %get3A_574, %get3A_578 : vector<16xf32>
      %mul3A_580 = arith.mulf %sub3A_579, %sub3A_579 : vector<16xf32>
      %add3A_581 = arith.addf %add3A_570, %mul3A_580 : vector<16xf32>
      %get3A_582 = arith.index_cast %scan3A_427 : i32 to index
      %get3A_583 = arith.constant 224 : index
      %get3A_584 = tpu.vector_load %arg9[%get3A_582, %get3A_583] {strides = array<i32>} : memref<128x256xf32, #tpu.memory_space<vmem>>, vector<1x16xf32>,
      %get3A_585 = vector.shape_cast %get3A_584 : vector<1x16xf32> to vector<16xf32>
      %get3A_586 = arith.index_cast %scan3A_427 : i32 to index
      %get3A_587 = arith.constant 224 : index
      %get3A_588 = tpu.vector_load %arg10[%get3A_586, %get3A_587] {strides = array<i32>} : memref<128x256xf32, #tpu.memory_space<vmem>>, vector<1x16xf32>,
      %get3A_589 = vector.shape_cast %get3A_588 : vector<1x16xf32> to vector<16xf32>
      %sub3A_590 = arith.subf %get3A_585, %get3A_589 : vector<16xf32>
      %mul3A_591 = arith.mulf %sub3A_590, %sub3A_590 : vector<16xf32>
      %add3A_592 = arith.addf %add3A_581, %mul3A_591 : vector<16xf32>
      %get3A_593 = arith.index_cast %scan3A_427 : i32 to index
      %get3A_594 = arith.constant 240 : index
      %get3A_595 = tpu.vector_load %arg9[%get3A_593, %get3A_594] {strides = array<i32>} : memref<128x256xf32, #tpu.memory_space<vmem>>, vector<1x16xf32>,
      %get3A_596 = vector.shape_cast %get3A_595 : vector<1x16xf32> to vector<16xf32>
      %get3A_597 = arith.index_cast %scan3A_427 : i32 to index
      %get3A_598 = arith.constant 240 : index
      %get3A_599 = tpu.vector_load %arg10[%get3A_597, %get3A_598] {strides = array<i32>} : memref<128x256xf32, #tpu.memory_space<vmem>>, vector<1x16xf32>,
      %get3A_600 = vector.shape_cast %get3A_599 : vector<1x16xf32> to vector<16xf32>
      %sub3A_601 = arith.subf %get3A_596, %get3A_600 : vector<16xf32>
      %mul3A_602 = arith.mulf %sub3A_601, %sub3A_601 : vector<16xf32>
      %add3A_603 = arith.addf %add3A_592, %mul3A_602 : vector<16xf32>
      %scan3A_604 = arith.constant 3 : i32
      %scan3A_605 = arith.addi %scan3A_72, %scan3A_604 : i32
      %get3A_606 = arith.index_cast %scan3A_605 : i32 to index
      %get3A_607 = arith.constant 0 : index
      %get3A_608 = tpu.vector_load %arg9[%get3A_606, %get3A_607] {strides = array<i32>} : memref<128x256xf32, #tpu.memory_space<vmem>>, vector<1x16xf32>,
      %get3A_609 = vector.shape_cast %get3A_608 : vector<1x16xf32> to vector<16xf32>
      %get3A_610 = arith.index_cast %scan3A_605 : i32 to index
      %get3A_611 = arith.constant 0 : index
      %get3A_612 = tpu.vector_load %arg10[%get3A_610, %get3A_611] {strides = array<i32>} : memref<128x256xf32, #tpu.memory_space<vmem>>, vector<1x16xf32>,
      %get3A_613 = vector.shape_cast %get3A_612 : vector<1x16xf32> to vector<16xf32>
      %sub3A_614 = arith.subf %get3A_609, %get3A_613 : vector<16xf32>
      %mul3A_615 = arith.mulf %sub3A_614, %sub3A_614 : vector<16xf32>
      %add3A_616 = arith.addf %add3A_603, %mul3A_615 : vector<16xf32>
      %get3A_617 = arith.index_cast %scan3A_605 : i32 to index
      %get3A_618 = arith.constant 16 : index
      %get3A_619 = tpu.vector_load %arg9[%get3A_617, %get3A_618] {strides = array<i32>} : memref<128x256xf32, #tpu.memory_space<vmem>>, vector<1x16xf32>,
      %get3A_620 = vector.shape_cast %get3A_619 : vector<1x16xf32> to vector<16xf32>
      %get3A_621 = arith.index_cast %scan3A_605 : i32 to index
      %get3A_622 = arith.constant 16 : index
      %get3A_623 = tpu.vector_load %arg10[%get3A_621, %get3A_622] {strides = array<i32>} : memref<128x256xf32, #tpu.memory_space<vmem>>, vector<1x16xf32>,
      %get3A_624 = vector.shape_cast %get3A_623 : vector<1x16xf32> to vector<16xf32>
      %sub3A_625 = arith.subf %get3A_620, %get3A_624 : vector<16xf32>
      %mul3A_626 = arith.mulf %sub3A_625, %sub3A_625 : vector<16xf32>
      %add3A_627 = arith.addf %add3A_616, %mul3A_626 : vector<16xf32>
      %get3A_628 = arith.index_cast %scan3A_605 : i32 to index
      %get3A_629 = arith.constant 32 : index
      %get3A_630 = tpu.vector_load %arg9[%get3A_628, %get3A_629] {strides = array<i32>} : memref<128x256xf32, #tpu.memory_space<vmem>>, vector<1x16xf32>,
      %get3A_631 = vector.shape_cast %get3A_630 : vector<1x16xf32> to vector<16xf32>
      %get3A_632 = arith.index_cast %scan3A_605 : i32 to index
      %get3A_633 = arith.constant 32 : index
      %get3A_634 = tpu.vector_load %arg10[%get3A_632, %get3A_633] {strides = array<i32>} : memref<128x256xf32, #tpu.memory_space<vmem>>, vector<1x16xf32>,
      %get3A_635 = vector.shape_cast %get3A_634 : vector<1x16xf32> to vector<16xf32>
      %sub3A_636 = arith.subf %get3A_631, %get3A_635 : vector<16xf32>
      %mul3A_637 = arith.mulf %sub3A_636, %sub3A_636 : vector<16xf32>
      %add3A_638 = arith.addf %add3A_627, %mul3A_637 : vector<16xf32>
      %get3A_639 = arith.index_cast %scan3A_605 : i32 to index
      %get3A_640 = arith.constant 48 : index
      %get3A_641 = tpu.vector_load %arg9[%get3A_639, %get3A_640] {strides = array<i32>} : memref<128x256xf32, #tpu.memory_space<vmem>>, vector<1x16xf32>,
      %get3A_642 = vector.shape_cast %get3A_641 : vector<1x16xf32> to vector<16xf32>
      %get3A_643 = arith.index_cast %scan3A_605 : i32 to index
      %get3A_644 = arith.constant 48 : index
      %get3A_645 = tpu.vector_load %arg10[%get3A_643, %get3A_644] {strides = array<i32>} : memref<128x256xf32, #tpu.memory_space<vmem>>, vector<1x16xf32>,
      %get3A_646 = vector.shape_cast %get3A_645 : vector<1x16xf32> to vector<16xf32>
      %sub3A_647 = arith.subf %get3A_642, %get3A_646 : vector<16xf32>
      %mul3A_648 = arith.mulf %sub3A_647, %sub3A_647 : vector<16xf32>
      %add3A_649 = arith.addf %add3A_638, %mul3A_648 : vector<16xf32>
      %get3A_650 = arith.index_cast %scan3A_605 : i32 to index
      %get3A_651 = arith.constant 64 : index
      %get3A_652 = tpu.vector_load %arg9[%get3A_650, %get3A_651] {strides = array<i32>} : memref<128x256xf32, #tpu.memory_space<vmem>>, vector<1x16xf32>,
      %get3A_653 = vector.shape_cast %get3A_652 : vector<1x16xf32> to vector<16xf32>
      %get3A_654 = arith.index_cast %scan3A_605 : i32 to index
      %get3A_655 = arith.constant 64 : index
      %get3A_656 = tpu.vector_load %arg10[%get3A_654, %get3A_655] {strides = array<i32>} : memref<128x256xf32, #tpu.memory_space<vmem>>, vector<1x16xf32>,
      %get3A_657 = vector.shape_cast %get3A_656 : vector<1x16xf32> to vector<16xf32>
      %sub3A_658 = arith.subf %get3A_653, %get3A_657 : vector<16xf32>
      %mul3A_659 = arith.mulf %sub3A_658, %sub3A_658 : vector<16xf32>
      %add3A_660 = arith.addf %add3A_649, %mul3A_659 : vector<16xf32>
      %get3A_661 = arith.index_cast %scan3A_605 : i32 to index
      %get3A_662 = arith.constant 80 : index
      %get3A_663 = tpu.vector_load %arg9[%get3A_661, %get3A_662] {strides = array<i32>} : memref<128x256xf32, #tpu.memory_space<vmem>>, vector<1x16xf32>,
      %get3A_664 = vector.shape_cast %get3A_663 : vector<1x16xf32> to vector<16xf32>
      %get3A_665 = arith.index_cast %scan3A_605 : i32 to index
      %get3A_666 = arith.constant 80 : index
      %get3A_667 = tpu.vector_load %arg10[%get3A_665, %get3A_666] {strides = array<i32>} : memref<128x256xf32, #tpu.memory_space<vmem>>, vector<1x16xf32>,
      %get3A_668 = vector.shape_cast %get3A_667 : vector<1x16xf32> to vector<16xf32>
      %sub3A_669 = arith.subf %get3A_664, %get3A_668 : vector<16xf32>
      %mul3A_670 = arith.mulf %sub3A_669, %sub3A_669 : vector<16xf32>
      %add3A_671 = arith.addf %add3A_660, %mul3A_670 : vector<16xf32>
      %get3A_672 = arith.index_cast %scan3A_605 : i32 to index
      %get3A_673 = arith.constant 96 : index
      %get3A_674 = tpu.vector_load %arg9[%get3A_672, %get3A_673] {strides = array<i32>} : memref<128x256xf32, #tpu.memory_space<vmem>>, vector<1x16xf32>,
      %get3A_675 = vector.shape_cast %get3A_674 : vector<1x16xf32> to vector<16xf32>
      %get3A_676 = arith.index_cast %scan3A_605 : i32 to index
      %get3A_677 = arith.constant 96 : index
      %get3A_678 = tpu.vector_load %arg10[%get3A_676, %get3A_677] {strides = array<i32>} : memref<128x256xf32, #tpu.memory_space<vmem>>, vector<1x16xf32>,
      %get3A_679 = vector.shape_cast %get3A_678 : vector<1x16xf32> to vector<16xf32>
      %sub3A_680 = arith.subf %get3A_675, %get3A_679 : vector<16xf32>
      %mul3A_681 = arith.mulf %sub3A_680, %sub3A_680 : vector<16xf32>
      %add3A_682 = arith.addf %add3A_671, %mul3A_681 : vector<16xf32>
      %get3A_683 = arith.index_cast %scan3A_605 : i32 to index
      %get3A_684 = arith.constant 112 : index
      %get3A_685 = tpu.vector_load %arg9[%get3A_683, %get3A_684] {strides = array<i32>} : memref<128x256xf32, #tpu.memory_space<vmem>>, vector<1x16xf32>,
      %get3A_686 = vector.shape_cast %get3A_685 : vector<1x16xf32> to vector<16xf32>
      %get3A_687 = arith.index_cast %scan3A_605 : i32 to index
      %get3A_688 = arith.constant 112 : index
      %get3A_689 = tpu.vector_load %arg10[%get3A_687, %get3A_688] {strides = array<i32>} : memref<128x256xf32, #tpu.memory_space<vmem>>, vector<1x16xf32>,
      %get3A_690 = vector.shape_cast %get3A_689 : vector<1x16xf32> to vector<16xf32>
      %sub3A_691 = arith.subf %get3A_686, %get3A_690 : vector<16xf32>
      %mul3A_692 = arith.mulf %sub3A_691, %sub3A_691 : vector<16xf32>
      %add3A_693 = arith.addf %add3A_682, %mul3A_692 : vector<16xf32>
      %get3A_694 = arith.index_cast %scan3A_605 : i32 to index
      %get3A_695 = arith.constant 128 : index
      %get3A_696 = tpu.vector_load %arg9[%get3A_694, %get3A_695] {strides = array<i32>} : memref<128x256xf32, #tpu.memory_space<vmem>>, vector<1x16xf32>,
      %get3A_697 = vector.shape_cast %get3A_696 : vector<1x16xf32> to vector<16xf32>
      %get3A_698 = arith.index_cast %scan3A_605 : i32 to index
      %get3A_699 = arith.constant 128 : index
      %get3A_700 = tpu.vector_load %arg10[%get3A_698, %get3A_699] {strides = array<i32>} : memref<128x256xf32, #tpu.memory_space<vmem>>, vector<1x16xf32>,
      %get3A_701 = vector.shape_cast %get3A_700 : vector<1x16xf32> to vector<16xf32>
      %sub3A_702 = arith.subf %get3A_697, %get3A_701 : vector<16xf32>
      %mul3A_703 = arith.mulf %sub3A_702, %sub3A_702 : vector<16xf32>
      %add3A_704 = arith.addf %add3A_693, %mul3A_703 : vector<16xf32>
      %get3A_705 = arith.index_cast %scan3A_605 : i32 to index
      %get3A_706 = arith.constant 144 : index
      %get3A_707 = tpu.vector_load %arg9[%get3A_705, %get3A_706] {strides = array<i32>} : memref<128x256xf32, #tpu.memory_space<vmem>>, vector<1x16xf32>,
      %get3A_708 = vector.shape_cast %get3A_707 : vector<1x16xf32> to vector<16xf32>
      %get3A_709 = arith.index_cast %scan3A_605 : i32 to index
      %get3A_710 = arith.constant 144 : index
      %get3A_711 = tpu.vector_load %arg10[%get3A_709, %get3A_710] {strides = array<i32>} : memref<128x256xf32, #tpu.memory_space<vmem>>, vector<1x16xf32>,
      %get3A_712 = vector.shape_cast %get3A_711 : vector<1x16xf32> to vector<16xf32>
      %sub3A_713 = arith.subf %get3A_708, %get3A_712 : vector<16xf32>
      %mul3A_714 = arith.mulf %sub3A_713, %sub3A_713 : vector<16xf32>
      %add3A_715 = arith.addf %add3A_704, %mul3A_714 : vector<16xf32>
      %get3A_716 = arith.index_cast %scan3A_605 : i32 to index
      %get3A_717 = arith.constant 160 : index
      %get3A_718 = tpu.vector_load %arg9[%get3A_716, %get3A_717] {strides = array<i32>} : memref<128x256xf32, #tpu.memory_space<vmem>>, vector<1x16xf32>,
      %get3A_719 = vector.shape_cast %get3A_718 : vector<1x16xf32> to vector<16xf32>
      %get3A_720 = arith.index_cast %scan3A_605 : i32 to index
      %get3A_721 = arith.constant 160 : index
      %get3A_722 = tpu.vector_load %arg10[%get3A_720, %get3A_721] {strides = array<i32>} : memref<128x256xf32, #tpu.memory_space<vmem>>, vector<1x16xf32>,
      %get3A_723 = vector.shape_cast %get3A_722 : vector<1x16xf32> to vector<16xf32>
      %sub3A_724 = arith.subf %get3A_719, %get3A_723 : vector<16xf32>
      %mul3A_725 = arith.mulf %sub3A_724, %sub3A_724 : vector<16xf32>
      %add3A_726 = arith.addf %add3A_715, %mul3A_725 : vector<16xf32>
      %get3A_727 = arith.index_cast %scan3A_605 : i32 to index
      %get3A_728 = arith.constant 176 : index
      %get3A_729 = tpu.vector_load %arg9[%get3A_727, %get3A_728] {strides = array<i32>} : memref<128x256xf32, #tpu.memory_space<vmem>>, vector<1x16xf32>,
      %get3A_730 = vector.shape_cast %get3A_729 : vector<1x16xf32> to vector<16xf32>
      %get3A_731 = arith.index_cast %scan3A_605 : i32 to index
      %get3A_732 = arith.constant 176 : index
      %get3A_733 = tpu.vector_load %arg10[%get3A_731, %get3A_732] {strides = array<i32>} : memref<128x256xf32, #tpu.memory_space<vmem>>, vector<1x16xf32>,
      %get3A_734 = vector.shape_cast %get3A_733 : vector<1x16xf32> to vector<16xf32>
      %sub3A_735 = arith.subf %get3A_730, %get3A_734 : vector<16xf32>
      %mul3A_736 = arith.mulf %sub3A_735, %sub3A_735 : vector<16xf32>
      %add3A_737 = arith.addf %add3A_726, %mul3A_736 : vector<16xf32>
      %get3A_738 = arith.index_cast %scan3A_605 : i32 to index
      %get3A_739 = arith.constant 192 : index
      %get3A_740 = tpu.vector_load %arg9[%get3A_738, %get3A_739] {strides = array<i32>} : memref<128x256xf32, #tpu.memory_space<vmem>>, vector<1x16xf32>,
      %get3A_741 = vector.shape_cast %get3A_740 : vector<1x16xf32> to vector<16xf32>
      %get3A_742 = arith.index_cast %scan3A_605 : i32 to index
      %get3A_743 = arith.constant 192 : index
      %get3A_744 = tpu.vector_load %arg10[%get3A_742, %get3A_743] {strides = array<i32>} : memref<128x256xf32, #tpu.memory_space<vmem>>, vector<1x16xf32>,
      %get3A_745 = vector.shape_cast %get3A_744 : vector<1x16xf32> to vector<16xf32>
      %sub3A_746 = arith.subf %get3A_741, %get3A_745 : vector<16xf32>
      %mul3A_747 = arith.mulf %sub3A_746, %sub3A_746 : vector<16xf32>
      %add3A_748 = arith.addf %add3A_737, %mul3A_747 : vector<16xf32>
      %get3A_749 = arith.index_cast %scan3A_605 : i32 to index
      %get3A_750 = arith.constant 208 : index
      %get3A_751 = tpu.vector_load %arg9[%get3A_749, %get3A_750] {strides = array<i32>} : memref<128x256xf32, #tpu.memory_space<vmem>>, vector<1x16xf32>,
      %get3A_752 = vector.shape_cast %get3A_751 : vector<1x16xf32> to vector<16xf32>
      %get3A_753 = arith.index_cast %scan3A_605 : i32 to index
      %get3A_754 = arith.constant 208 : index
      %get3A_755 = tpu.vector_load %arg10[%get3A_753, %get3A_754] {strides = array<i32>} : memref<128x256xf32, #tpu.memory_space<vmem>>, vector<1x16xf32>,
      %get3A_756 = vector.shape_cast %get3A_755 : vector<1x16xf32> to vector<16xf32>
      %sub3A_757 = arith.subf %get3A_752, %get3A_756 : vector<16xf32>
      %mul3A_758 = arith.mulf %sub3A_757, %sub3A_757 : vector<16xf32>
      %add3A_759 = arith.addf %add3A_748, %mul3A_758 : vector<16xf32>
      %get3A_760 = arith.index_cast %scan3A_605 : i32 to index
      %get3A_761 = arith.constant 224 : index
      %get3A_762 = tpu.vector_load %arg9[%get3A_760, %get3A_761] {strides = array<i32>} : memref<128x256xf32, #tpu.memory_space<vmem>>, vector<1x16xf32>,
      %get3A_763 = vector.shape_cast %get3A_762 : vector<1x16xf32> to vector<16xf32>
      %get3A_764 = arith.index_cast %scan3A_605 : i32 to index
      %get3A_765 = arith.constant 224 : index
      %get3A_766 = tpu.vector_load %arg10[%get3A_764, %get3A_765] {strides = array<i32>} : memref<128x256xf32, #tpu.memory_space<vmem>>, vector<1x16xf32>,
      %get3A_767 = vector.shape_cast %get3A_766 : vector<1x16xf32> to vector<16xf32>
      %sub3A_768 = arith.subf %get3A_763, %get3A_767 : vector<16xf32>
      %mul3A_769 = arith.mulf %sub3A_768, %sub3A_768 : vector<16xf32>
      %add3A_770 = arith.addf %add3A_759, %mul3A_769 : vector<16xf32>
      %get3A_771 = arith.index_cast %scan3A_605 : i32 to index
      %get3A_772 = arith.constant 240 : index
      %get3A_773 = tpu.vector_load %arg9[%get3A_771, %get3A_772] {strides = array<i32>} : memref<128x256xf32, #tpu.memory_space<vmem>>, vector<1x16xf32>,
      %get3A_774 = vector.shape_cast %get3A_773 : vector<1x16xf32> to vector<16xf32>
      %get3A_775 = arith.index_cast %scan3A_605 : i32 to index
      %get3A_776 = arith.constant 240 : index
      %get3A_777 = tpu.vector_load %arg10[%get3A_775, %get3A_776] {strides = array<i32>} : memref<128x256xf32, #tpu.memory_space<vmem>>, vector<1x16xf32>,
      %get3A_778 = vector.shape_cast %get3A_777 : vector<1x16xf32> to vector<16xf32>
      %sub3A_779 = arith.subf %get3A_774, %get3A_778 : vector<16xf32>
      %mul3A_780 = arith.mulf %sub3A_779, %sub3A_779 : vector<16xf32>
      %add3A_781 = arith.addf %add3A_770, %mul3A_780 : vector<16xf32>
      scf.yield %add3A_781 : vector<16xf32>
    }
    %scan3A_60 = arith.constant 128 : i32
    %swap3A = arith.constant 0 : index
    %swap3A_61 = tpu.vector_load %arg11[%swap3A] {strides = array<i32>} : memref<16xf32, #tpu.memory_space<vmem>>, vector<16xf32>,
    %swap3A_62 = vector.shape_cast %swap3A_61 : vector<16xf32> to vector<16xf32>
    %swap3A_63 = vector.shape_cast %scan3A_59 : vector<16xf32> to vector<16xf32>
    tpu.vector_store %arg11[%swap3A], %swap3A_63 {strides = array<i32>} : memref<16xf32, #tpu.memory_space<vmem>>, vector<16xf32>,
    %dma_wait3A_64 = arith.constant 0 : i32
    %dma_wait3A_65 = tpu.memref_slice %arg5[%mul3A_2, %dma_wait3A_64] : memref<8192x256xf32, #tpu.memory_space<hbm>> -> memref<128x256xf32, #tpu.memory_space<hbm>>
    %dma_wait3A_66 = arith.constant 0 : i32
    %dma_wait3A_67 = tpu.memref_slice %arg5[%mul3A_2, %dma_wait3A_66] : memref<8192x256xf32, #tpu.memory_space<hbm>> -> memref<128x256xf32, #tpu.memory_space<hbm>>
    tpu.wait_dma2 semaphore(%arg12 : memref<!tpu.dma_semaphore, #tpu.memory_space<semaphore_mem>>) src(%arg8 : memref<128x256xf32, #tpu.memory_space<vmem>>) dst(%dma_wait3A_67 : memref<128x256xf32, #tpu.memory_space<hbm>>)
    %dma_wait3A_68 = arith.constant 0 : i32
    %dma_wait3A_69 = tpu.memref_slice %arg5[%add3A_40, %dma_wait3A_68] : memref<8192x256xf32, #tpu.memory_space<hbm>> -> memref<128x256xf32, #tpu.memory_space<hbm>>
    %dma_wait3A_70 = arith.constant 0 : i32
    %dma_wait3A_71 = tpu.memref_slice %arg5[%add3A_40, %dma_wait3A_70] : memref<8192x256xf32, #tpu.memory_space<hbm>> -> memref<128x256xf32, #tpu.memory_space<hbm>>
    tpu.wait_dma2 semaphore(%arg13 : memref<!tpu.dma_semaphore, #tpu.memory_space<semaphore_mem>>) src(%arg9 : memref<128x256xf32, #tpu.memory_space<vmem>>) dst(%dma_wait3A_71 : memref<128x256xf32, #tpu.memory_space<hbm>>)
    "tpu.region"() ({
      %run_scoped3A = tpu.sem_alloc : memref<!tpu.dma_semaphore, #tpu.memory_space<semaphore_mem>>
      %dma_start3A_72 = arith.constant 0 : i32
      %dma_start3A_73 = tpu.memref_slice %arg6[%add3A, %dma_start3A_72] : memref<32x16xf32, #tpu.memory_space<hbm>> -> memref<1x16xf32, #tpu.memory_space<hbm>>
      %dma_start3A_74 = tpu.memref_squeeze %dma_start3A_73 : memref<1x16xf32, #tpu.memory_space<hbm>> -> memref<16xf32, #tpu.memory_space<hbm>>
      %dma_start3A_75 = arith.constant 0 : i32
      %dma_start3A_76 = tpu.memref_slice %arg6[%add3A, %dma_start3A_75] : memref<32x16xf32, #tpu.memory_space<hbm>> -> memref<1x16xf32, #tpu.memory_space<hbm>>
      %dma_start3A_77 = tpu.memref_squeeze %dma_start3A_76 : memref<1x16xf32, #tpu.memory_space<hbm>> -> memref<16xf32, #tpu.memory_space<hbm>>
      tpu.enqueue_dma source(%arg11 : memref<16xf32, #tpu.memory_space<vmem>>) target(%dma_start3A_77 : memref<16xf32, #tpu.memory_space<hbm>>) target_semaphore(%run_scoped3A : memref<!tpu.dma_semaphore, #tpu.memory_space<semaphore_mem>>)
      %dma_wait3A_78 = arith.constant 0 : i32
      %dma_wait3A_79 = tpu.memref_slice %arg6[%add3A, %dma_wait3A_78] : memref<32x16xf32, #tpu.memory_space<hbm>> -> memref<1x16xf32, #tpu.memory_space<hbm>>
      %dma_wait3A_80 = tpu.memref_squeeze %dma_wait3A_79 : memref<1x16xf32, #tpu.memory_space<hbm>> -> memref<16xf32, #tpu.memory_space<hbm>>
      %dma_wait3A_81 = arith.constant 0 : i32
      %dma_wait3A_82 = tpu.memref_slice %arg6[%add3A, %dma_wait3A_81] : memref<32x16xf32, #tpu.memory_space<hbm>> -> memref<1x16xf32, #tpu.memory_space<hbm>>
      %dma_wait3A_83 = tpu.memref_squeeze %dma_wait3A_82 : memref<1x16xf32, #tpu.memory_space<hbm>> -> memref<16xf32, #tpu.memory_space<hbm>>
      tpu.wait_dma2 semaphore(%run_scoped3A : memref<!tpu.dma_semaphore, #tpu.memory_space<semaphore_mem>>) src(%arg11 : memref<16xf32, #tpu.memory_space<vmem>>) dst(%dma_wait3A_83 : memref<16xf32, #tpu.memory_space<hbm>>)
      tpu.yield
    }) : () -> ()
    return
  }
}

module attributes {stable_mosaic.version = 14 : i64} {
  func.func @_argmin_body(%arg0: i32, %arg1: memref<512x256xf32, #tpu.memory_space<vmem>>, %arg2: memref<8192x256xf32, #tpu.memory_space<vmem>>, %arg3: memref<256x256xf32, #tpu.memory_space<vmem>>, %arg4: memref<512x1xi32, #tpu.memory_space<vmem>>, %arg5: memref<8192x256xf32, #tpu.memory_space<vmem>>, %arg6: memref<1x8192xf32, #tpu.memory_space<vmem>>) attributes {dimension_semantics = [#tpu.dimension_semantics<arbitrary>], iteration_bounds = array<i64: 16>, scalar_prefetch = 0 : i64, scratch_operands = 1 : i64, tpu.core_type = #tpu.core_type<tc>, window_params = [{transform_indices = @transform_0, window_bounds = array<i64: 512, 256>}, {pipeline_mode = #tpu.pipeline_mode<synchronous>, transform_indices = @transform_1, window_bounds = array<i64: 8192, 256>}, {pipeline_mode = #tpu.pipeline_mode<synchronous>, transform_indices = @transform_2, window_bounds = array<i64: 256, 256>}, {transform_indices = @transform_3, window_bounds = array<i64: 512, 1>}, {pipeline_mode = #tpu.pipeline_mode<synchronous>, transform_indices = @transform_4, window_bounds = array<i64: 8192, 256>}]} {
    %eq3A = arith.constant 0 : i32
    %eq3A_0 = arith.cmpi eq, %arg0, %eq3A : i32
    %convert_element_type3A = arith.extui %eq3A_0 : i1 to i32
    %cond3A = arith.constant 0 : i32
    %cond3A_1 = arith.cmpi ne, %convert_element_type3A, %cond3A : i32
    scf.if %cond3A_1 {
      %get3A_18 = arith.constant 0 : index
      %get3A_19 = arith.constant 0 : index
      %get3A_20 = vector.load %arg2[%get3A_18, %get3A_19] : memref<8192x256xf32, #tpu.memory_space<vmem>>, vector<8192x256xf32>
      %get3A_21 = arith.constant 0 : index
      %get3A_22 = arith.constant 0 : index
      %get3A_23 = vector.load %arg3[%get3A_21, %get3A_22] : memref<256x256xf32, #tpu.memory_space<vmem>>, vector<256x256xf32>
      %dot_general3A_24 = arith.constant dense<0.000000e+00> : vector<8192x256xf32>
      %dot_general3A_25 = tpu.matmul %get3A_20, %get3A_23, %dot_general3A_24 {dimension_numbers = #tpu.dot_dimension_numbers<[1], [1], [0], [0], [0, 0, 1, 0], [], []>, transpose_lhs_hint = false} : vector<8192x256xf32>, vector<256x256xf32>, vector<8192x256xf32> -> vector<8192x256xf32>
      %swap3A_26 = arith.constant 0 : index
      %swap3A_27 = arith.constant 0 : index
      %swap3A_28 = vector.load %arg5[%swap3A_26, %swap3A_27] : memref<8192x256xf32, #tpu.memory_space<vmem>>, vector<8192x256xf32>
      tpu.vector_store %arg5[%swap3A_26, %swap3A_27], %dot_general3A_25 {strides = array<i32>} : memref<8192x256xf32, #tpu.memory_space<vmem>>, vector<8192x256xf32>,
      %mul3A_29 = arith.mulf %dot_general3A_25, %dot_general3A_25 : vector<8192x256xf32>
      %reduce_sum3A_30 = arith.constant dense<0.000000e+00> : vector<8192xf32>
      %reduce_sum3A_31 = vector.multi_reduction <add>, %mul3A_29, %reduce_sum3A_30 [1] : vector<8192x256xf32> to vector<8192xf32>
      %broadcast_in_dim3A_32 = vector.shape_cast %reduce_sum3A_31 : vector<8192xf32> to vector<8192x1xf32>
      %transpose3A = tpu.transpose %broadcast_in_dim3A_32, [1, 0] : vector<8192x1xf32> -> vector<1x8192xf32>
      %swap3A_33 = arith.constant 0 : index
      %swap3A_34 = arith.constant 0 : index
      %swap3A_35 = vector.load %arg6[%swap3A_33, %swap3A_34] : memref<1x8192xf32, #tpu.memory_space<vmem>>, vector<1x8192xf32>
      tpu.vector_store %arg6[%swap3A_33, %swap3A_34], %transpose3A {strides = array<i32>} : memref<1x8192xf32, #tpu.memory_space<vmem>>, vector<1x8192xf32>,
    } else {
    }
    %get3A = arith.constant 0 : index
    %get3A_2 = arith.constant 0 : index
    %get3A_3 = vector.load %arg1[%get3A, %get3A_2] : memref<512x256xf32, #tpu.memory_space<vmem>>, vector<512x256xf32>
    %get3A_4 = arith.constant 0 : index
    %get3A_5 = arith.constant 0 : index
    %get3A_6 = vector.load %arg5[%get3A_4, %get3A_5] : memref<8192x256xf32, #tpu.memory_space<vmem>>, vector<8192x256xf32>
    %add3A = arith.addf %get3A_3, %get3A_3 : vector<512x256xf32>
    %dot_general3A = arith.constant dense<0.000000e+00> : vector<512x8192xf32>
    %dot_general3A_7 = tpu.matmul %add3A, %get3A_6, %dot_general3A {dimension_numbers = #tpu.dot_dimension_numbers<[1], [1], [0], [0], [0, 0, 1, 0], [], []>, transpose_lhs_hint = false} : vector<512x256xf32>, vector<8192x256xf32>, vector<512x8192xf32> -> vector<512x8192xf32>
    %mul3A = arith.mulf %get3A_3, %get3A_3 : vector<512x256xf32>
    %reduce_sum3A = arith.constant dense<0.000000e+00> : vector<512xf32>
    %reduce_sum3A_8 = vector.multi_reduction <add>, %mul3A, %reduce_sum3A [1] : vector<512x256xf32> to vector<512xf32>
    %broadcast_in_dim3A = vector.shape_cast %reduce_sum3A_8 : vector<512xf32> to vector<512x1xf32>
    %get3A_9 = arith.constant 0 : index
    %get3A_10 = arith.constant 0 : index
    %get3A_11 = vector.load %arg6[%get3A_9, %get3A_10] : memref<1x8192xf32, #tpu.memory_space<vmem>>, vector<1x8192xf32>
    %add3A_12 = vector.broadcast %broadcast_in_dim3A : vector<512x1xf32> to vector<512x8192xf32>
    %add3A_13 = vector.broadcast %get3A_11 : vector<1x8192xf32> to vector<512x8192xf32>
    %add3A_14 = arith.addf %add3A_12, %add3A_13 : vector<512x8192xf32>
    %sub3A = arith.subf %add3A_14, %dot_general3A_7 : vector<512x8192xf32>
    %argmin3A = tpu.reduce_index %sub3A {axis = 1 : i32, kind = #tpu.reduction_kind<arg_min>} : vector<512x8192xf32> -> vector<512xi32>
    %broadcast_in_dim3A_15 = vector.shape_cast %argmin3A : vector<512xi32> to vector<512x1xi32>
    %swap3A = arith.constant 0 : index
    %swap3A_16 = arith.constant 0 : index
    %swap3A_17 = vector.load %arg4[%swap3A, %swap3A_16] : memref<512x1xi32, #tpu.memory_space<vmem>>, vector<512x1xi32>
    tpu.vector_store %arg4[%swap3A, %swap3A_16], %broadcast_in_dim3A_15 {strides = array<i32>} : memref<512x1xi32, #tpu.memory_space<vmem>>, vector<512x1xi32>,
    return
  }
  func.func @transform_0(%arg0: i32) -> (i32, i32) {
    %c0_i32 = arith.constant 0 : i32
    %c0_i32_0 = arith.constant 0 : i32
    return %arg0, %c0_i32 : i32, i32
  }
  func.func @transform_1(%arg0: i32) -> (i32, i32) {
    %c0_i32 = arith.constant 0 : i32
    %c0_i32_0 = arith.constant 0 : i32
    %c0_i32_1 = arith.constant 0 : i32
    return %c0_i32, %c0_i32_0 : i32, i32
  }
  func.func @transform_2(%arg0: i32) -> (i32, i32) {
    %c0_i32 = arith.constant 0 : i32
    %c0_i32_0 = arith.constant 0 : i32
    %c0_i32_1 = arith.constant 0 : i32
    return %c0_i32, %c0_i32_0 : i32, i32
  }
  func.func @transform_3(%arg0: i32) -> (i32, i32) {
    %c0_i32 = arith.constant 0 : i32
    %c0_i32_0 = arith.constant 0 : i32
    return %arg0, %c0_i32 : i32, i32
  }
  func.func @transform_4(%arg0: i32) -> (i32, i32) {
    %c0_i32 = arith.constant 0 : i32
    %c0_i32_0 = arith.constant 0 : i32
    %c0_i32_1 = arith.constant 0 : i32
    return %c0_i32, %c0_i32_0 : i32, i32
  }
}

</mosaic_0001>

<sc_bundles>
// kernel: kernel.4.cloned.1.call-start
scs
__scs_entry_jumppad:
0x0: {  	(pc) =	sbr.rel $0x88, $3  }
0x1: {  	(tag) =	ssettag $0x0;
	lr =	simm.s32 $0x1  }
0x2: {  	[smem:$0x3F9E] =	sst lr;
	_ =	strace $0xD0000000  }
0x3: {  	_ = 	snop  }
0x4: {  	_ = 	snop  }
0x5: {  	_ = 	snop  }
0x6: {  	_ = 	snop  }
0x7: {  	_ = 	snop  }
__scs_overlays_trampoline_lowered:
0x8: {  	[smem:$0x3FAD] =	sst s0  }
0x9: {  	[smem:$0x3FAE] =	sst s1  }
0xa: {  	[smem:$0x3FAF] =	sst s2  }
0xb: {  	[smem:$0x3FB0] =	sst s3  }
0xc: {  	[smem:$0x3FB1] =	sst s4  }
0xd: {  	[smem:$0x3FB2] =	sst s5  }
0xe: {  	[smem:$0x3FB3] =	sst s6  }
0xf: {  	[smem:$0x3FB4] =	sst s7  }
0x10: {  	[smem:$0x3FB5] =	sst s8  }
0x11: {  	[smem:$0x3FB6] =	sst s9;
	s0 =	simm.s32 @!p0 $0x0  }
0x12: {  	s1 =	sld [smem:$0x3F9C];
	s0 =	simm.s32 @p0 $0x1  }
0x13: {  	[smem:$0x3FB7] =	sst s0;
	s0 =	simm.s32 @!p1 $0x0  }
0x14: {  	s2 =	sld [smem:$0x3F9B];
	s0 =	simm.s32 @p1 $0x1  }
0x15: {  	[smem:$0x3FB8] =	sst s0;
	s0 =	simm.s32 @!p2 $0x0  }
0x16: {  	s3 =	sld [smem:$0x3FDB];
	s0 =	simm.s32 @p2 $0x1  }
0x17: {  	s4 =	simm.s32 $0x1BF5;
	[smem:$0x3FBA] =	sst s0  }
0x18: {  	s0 =	sld [smem:$0x3F9D];
	_ =	swait.ge [sflag:s4], $0x0  }
0x19: {  	s7 =	sld [smem:$0x3F9E]  }
0x1a: {  	s8 =	sadd.s32 $0xFFFFE003, lr  }
0x1b: {  	s9 =	sadd.s32 $0xFFFFFEF7, lr;
	s5 =	simm.s32 $0xFFFFFFFF;
	p2 =	slt.u32 s8, $0xFFFFF086  }
0x1c: {  	p1 =	slt.u32 s9, $0xF7A;
	s5 =	simm.s32 @!p2 $0x0  }
0x1d: {  	s5 =	simm.s32 @p1 $0x1;
	p0 =	seq.s32 s7, s2  }
0x1e: {  	s7 =	smul.u32 @!p0 $0xF7A, s2;
	p2 =	seq.s32 @!p0 s5, $0x0  }
0x1f: {  	s9 =	smul.u32 $0xF7A, s1;
	s8 =	simm.s32 @!p0 $0x1BF5;
	p2 =	por !p2, p0  }
0x20: {  	[sflag:s8] =	ssyncset.s32 @!p0 $0xFFFFF086;
	s6 =	sadd.s32 @!p0 s3, s7;
	s7 =	simm.s32 @!p0 $0x108  }
0x21: {  	s3 =	sadd.s32 s3, s9;
	s6 =	sadd.s32 @!p0 $0x88, s6;
	s7 =	simm.s32 @p2 $0x1082  }
0x22: {  	[simem:s7], [sflag:s8] =	dma.local @!p0 [hbm:s6], $0xF7A  }
0x23: {  	s9 =	sor.u32 $0xD0000000, s2;
	s6 =	simm.s32 $0x108;
	_ =	swait.ge @!p0 [sflag:s8], $0x0  }
0x24: {  	s3 =	sadd.s32 $0x88, s3;
	s6 =	simm.s32 @!p1 $0x1082;
	[sflag:s4] =	ssyncset.s32 $0xFFFFF086  }
0x25: {  	[simem:s6], [sflag:s4] =	dma.local [hbm:s3], $0xF7A  }
0x26: {  	[smem:$0x3F9E] =	sst s1;
	(tag) =	ssettag s2;
	_ =	strace s9  }
0x27: {  	s1 =	sld [smem:$0x3FAE]  }
0x28: {  	s2 =	sld [smem:$0x3FAF]  }
0x29: {  	s4 =	sld [smem:$0x3FB1]  }
0x2a: {  	p0 =	seq.s32 s5, $0x0;
	s5 =	sld [smem:$0x3FB2]  }
0x2b: {  	s6 =	sld [smem:$0x3FB3]  }
0x2c: {  	s7 =	sld [smem:$0x3FB4]  }
0x2d: {  	s3 =	simm.s32 $0x108;
	s8 =	sld [smem:$0x3FB5]  }
0x2e: {  	s3 =	simm.s32 @!p0 $0x1082;
	s9 =	sld [smem:$0x3FB6]  }
0x2f: {  	lr =	sadd.s32 s0, s3;
	s0 =	sld [smem:$0x3FAD]  }
0x30: {  	s3 =	sld [smem:$0x3FB0]  }
0x31: {  	[smem:$0x3FB9] =	sst s10  }
0x32: {  	s10 =	sld [smem:$0x3FB7];
	_ =	sdelay $0x3  }
0x33: {  	p0 =	seq.s32 s10, $0x1;
	s10 =	sld [smem:$0x3FB9];
	_ =	sdelay $0x3  }
0x34: {  	[smem:$0x3FB9] =	sst s10  }
0x35: {  	s10 =	sld [smem:$0x3FB8];
	_ =	sdelay $0x3  }
0x36: {  	p1 =	seq.s32 s10, $0x1;
	s10 =	sld [smem:$0x3FB9];
	_ =	sdelay $0x3  }
0x37: {  	[smem:$0x3FB9] =	sst s10  }
0x38: {  	s10 =	sld [smem:$0x3FBA]  }
0x39: {  	_ = 	snop;
	(pc) =	sbr.ind lr, $3  }
0x3a: {  	_ = 	snop  }
0x3b: {  	_ = 	snop  }
0x3c: {  	p2 =	seq.s32 s10, $0x1;
	s10 =	sld [smem:$0x3FB9]  }
0x3d: {  	_ =	shalt  }
0x3e: {  	_ =	shalt  }
0x3f: {  	_ =	shalt  }
0x40: {  	_ =	shalt  }
0x41: {  	_ =	shalt  }
0x42: {  	_ =	shalt  }
0x43: {  	_ =	shalt  }
0x44: {  	_ =	shalt  }
0x45: {  	_ =	shalt  }
0x46: {  	_ =	shalt  }
0x47: {  	_ =	shalt  }
0x48: {  	_ =	shalt  }
0x49: {  	_ =	shalt  }
0x4a: {  	_ =	shalt  }
0x4b: {  	_ =	shalt  }
0x4c: {  	_ =	shalt  }
0x4d: {  	_ =	shalt  }
0x4e: {  	_ =	shalt  }
0x4f: {  	_ =	shalt  }
0x50: {  	_ =	shalt  }
0x51: {  	_ =	shalt  }
0x52: {  	_ =	shalt  }
0x53: {  	_ =	shalt  }
0x54: {  	_ =	shalt  }
0x55: {  	_ =	shalt  }
0x56: {  	_ =	shalt  }
0x57: {  	_ =	shalt  }
0x58: {  	_ =	shalt  }
0x59: {  	_ =	shalt  }
0x5a: {  	_ =	shalt  }
0x5b: {  	_ =	shalt  }
0x5c: {  	_ =	shalt  }
0x5d: {  	_ =	shalt  }
0x5e: {  	_ =	shalt  }
0x5f: {  	_ =	shalt  }
0x60: {  	_ =	shalt  }
0x61: {  	_ =	shalt  }
0x62: {  	_ =	shalt  }
0x63: {  	_ =	shalt  }
0x64: {  	_ =	shalt  }
0x65: {  	_ =	shalt  }
0x66: {  	_ =	shalt  }
0x67: {  	_ =	shalt  }
0x68: {  	_ =	shalt  }
0x69: {  	_ =	shalt  }
0x6a: {  	_ =	shalt  }
0x6b: {  	_ =	shalt  }
0x6c: {  	_ =	shalt  }
0x6d: {  	_ =	shalt  }
0x6e: {  	_ =	shalt  }
0x6f: {  	_ =	shalt  }
0x70: {  	_ =	shalt  }
0x71: {  	_ =	shalt  }
0x72: {  	_ =	shalt  }
0x73: {  	_ =	shalt  }
0x74: {  	_ =	shalt  }
0x75: {  	_ =	shalt  }
0x76: {  	_ =	shalt  }
0x77: {  	_ =	shalt  }
0x78: {  	_ =	shalt  }
0x79: {  	_ =	shalt  }
0x7a: {  	_ =	shalt  }
0x7b: {  	_ =	shalt  }
0x7c: {  	_ =	shalt  }
0x7d: {  	_ =	shalt  }
0x7e: {  	_ =	shalt  }
0x7f: {  	_ =	shalt  }
0x80: {  	_ =	shalt  }
0x81: {  	_ =	shalt  }
0x82: {  	_ =	shalt  }
0x83: {  	_ =	shalt  }
0x84: {  	_ =	shalt  }
0x85: {  	_ =	shalt  }
0x86: {  	_ =	shalt  }
0x87: {  	_ =	shalt  }
.Lfunc_end0:
.L_simem_size_0:
called_computation_lowered:
.L_overlay_start_0:
0x88: {  	s2 =	sld [smem:$0x3FD9]  }
0x89: {  	s3 =	sld [smem:$0x3FFE];
	_ =	sdelay $0x1  }
0x8a: {  	s1 =	srdreg.scid  }
0x8b: {  	s0 =	sand.u32 $0x1, s1  }
0x8c: {  	s14 =	sshll.u32 s0, $0xA;
	s2 =	sadd.s32 s3, s2  }
0x8d: {  	s2 =	sadd.s32 s2, s14  }
0x8e: {  	[smem:$0x3FC5] =	sst s2  }
0x8f: {  	_ = 	snop  }
0x90: {  	s2 =	sld [smem:$0x3FD0];
	_ =	sdelay $0x2  }
0x91: {  	s4 =	simm.s32 $0xA;
	s5 =	simm.s32 $0x10;
	s15 =	sld [smem:$0x3FC9]  }
0x92: {  	[smem:s5], [sflag:s4] =	dma.local [hbm:s2], $0x1  }
0x93: {  	_ =	swait.eq [sflag:s4], $0x1  }
0x94: {  	[sflag:s4] =	ssyncset.done $0x0  }
0x95: {  	[sflag:s4] =	ssyncadd.s32 $0xFFFFFFFF  }
0x96: {  	s16 =	sld [smem:$0x10];
	(tm) =	ssettm $0x1  }
0x97: {  	s17 =	sld [smem:$0x3FFB];
	_ =	sdelay $0x3  }
0x98: {  	_ =	strace s17  }
0x99: {  	s4 =	sld [smem:$0x3FFC];
	_ =	sdelay $0x3  }
0x9a: {  	_ =	strace s4  }
0x9b: {  	s4 =	sld [smem:$0x3FFD];
	_ =	sdelay $0x3  }
0x9c: {  	_ =	strace s4  }
0x9d: {  	_ =	strace $0x8FFFFFFF  }
0x9e: {  	s18 =	sld [smem:$0x3FDB];
	_ =	sdelay $0x1  }
0x9f: {  	s19 =	simm.s32 $_scs_section_size  }
0xa0: {  	s6 =	simm.s32 $_size__tile_overlayer_lowered;
	s7 =	simm.s32 $_tile_overlayer_lowered  }
0xa1: {  	s22 =	simm.s32 $0x1BFF;
	s21 =	sshll.u32 s7, $0x1;
	s4 =	sadd.s32 s19, s18  }
0xa2: {  	s8 =	simm.s32 $0x0;
	s20 =	sshll.u32 s6, $0x1;
	s6 =	sadd.s32 s21, s4  }
0xa3: {  	[timem:s8], [sflag:s22] =	dma.local [hbm:s6], s20  }
0xa4: {  	_ =	swait.ge [sflag:s22], s20  }
0xa5: {  	s5 =	ssub.s32 $0x0, s20;
	[sflag:s22] =	ssyncset.done $0x0  }
0xa6: {  	[sflag:s22] =	ssyncadd.s32 s5;
	_ =	sdelay $0x1  }
0xa7: {  	s23 =	simm.s32 $0x1B8B  }
0xa8: {  	_ =	swait.ge [sflag:s23], $0x1  }
0xa9: {  	[sflag:s23] =	ssyncset.done $0x0  }
0xaa: {  	s25 =	simm.s32 $0x1B8E;
	s24 =	sld [smem:$0x3FFE];
	[sflag:s23] =	ssyncadd.s32 $0xFFFFFFFF  }
0xab: {  	s26 =	simm.s32 $execute0_lowered;
	[smem:$0x3FD2] =	sst s25  }
0xac: {  	s6 =	sshll.u32 s26, $0x1;
	_ =	strace $0x80000046;
	[dreg:$0x1] =	wrdreg $0xFFFFFFFF  }
0xad: {  	s28 =	simm.s32 $_size_execute0_lowered;
	s4 =	sadd.s32 s4, s6;
	[dreg:$0x0] =	wrdreg $0x0  }
0xae: {  	s6 =	sshll.u32 s28, $0x1;
	[dreg:$0x2] =	wrdreg s4  }
0xaf: {  	[dreg:$0x3] =	wrdreg s6  }
0xb0: {  	[dreg:$0x4] =	wrdreg $0xC0  }
0xb1: {  	_ =	task [dreg:s8], $0x5FFFF  }
0xb2: {  	[dreg:$0x1] =	wrdreg $0xFFFFFFFF  }
0xb3: {  	[dreg:$0x0] =	wrdreg $0x60  }
0xb4: {  	[dreg:$0x2] =	wrdreg s16  }
0xb5: {  	[dreg:$0x3] =	wrdreg s24  }
0xb6: {  	[dreg:$0x4] =	wrdreg s15  }
0xb7: {  	[dreg:$0x5] =	wrdreg $0x9  }
0xb8: {  	_ =	task.clear_ibuf [dreg:s8], $0x6FFFF;
	_ =	strace $0x90000046  }
0xb9: {  	s29 =	simm.s32 $0x9;
	_ =	strace $0x80000048  }
0xba: {  	_ =	swait.ge [sflag:s29], $0x1  }
0xbb: {  	[sflag:s29] =	ssyncadd.s32 $0xFFFFFFFF  }
0xbc: {  	_ =	strace $0x90000048  }
0xbd: {  	_ =	sfence  }
0xbe: {  	s30 =	sld [smem:$0x0];
	_ =	sdelay $0x2  }
0xbf: {  	s31 =	sshll.u32 s1, $0xD;
	s1 =	sshrl.u32 s1, $0x2  }
0xc0: {  	s3 =	sand.u32 $0x4000, s31;
	s1 =	sadd.s32 s1, s30  }
0xc1: {  	s0 =	sor.u32 s3, s0;
	s1 =	sshll.u32 s1, $0x11  }
0xc2: {  	s0 =	sor.u32 s1, s0  }
0xc3: {  	s0 =	sadd.s32 $0x8F2B, s0  }
0xc4: {  	[sflag:s0] =	ssyncadd.remote.s32 $0x1  }
0xc5: {  	_ =	sfence.sel $0xFFFF  }
0xc6: {  	[dreg:$0x0] =	wrdreg $0xFFFFFFFF;
	(pc) =	sbr.abs _section_cstart, $3  }
0xc7: {  	[dreg:$0x1] =	wrdreg $0xFFFFFFFF  }
0xc8: {  	_ =	task.clear_ibuf [dreg:s8], $0x2FFFF;
	_ =	strace $0x9FFFFFFF  }
0xc9: {  	(tm) =	ssettm $0x7FFFFFFF  }
tec
execute0_lowered:
.L_overlay_start_1:
0x0: {  	(tag) =	ssettag $0x1  }
0x1: {  	s1 =	rddreg [dreg:$0x0]  }
0x2: {  	s0 =	rddreg [dreg:$0x1]  }
0x3: {  	s2 =	srdreg.scid;
	s3 =	stileid.u32  }
0x4: {  	s8 =	rddreg [dreg:$0x2];
	s11 =	simm.s32 $0x4;
	s12 =	simm.s32 $0x100  }
0x5: {  	s29 =	simm.s32 $0x8100;
	s18 =	simm.s32 $0xD100;
	s19 =	simm.s32 $0xD900  }
0x6: {  	s20 =	simm.s32 $0xE100;
	s21 =	simm.s32 $0xE900;
	s22 =	simm.s32 $0xF100  }
0x7: {  	s23 =	simm.s32 $0xF900;
	s24 =	simm.s32 $0x1;
	s25 =	simm.s32 $0x10100  }
0x8: {  	s28 =	simm.s32 $0x2;
	s30 =	simm.s32 $0x18100;
	s31 =	simm.s32 $0x0  }
0x9: {  	s2 =	sand.u32 $0x1, s2;
	s4 =	sshll.u32 s3, $0x1;
	s3 =	simm.s32 $0x0  }
0xa: {  	s7 =	sadd.s32 $0x1600, s0;
	s4 =	sor.u32 s2, s4;
	[smem:$0x7FF] =	sst s3  }
0xb: {  	s2 =	ssub.s32 $0x2, s2;
	s5 =	sshll.u32 s4, $0x5;
	_ =	strace $0x80000047  }
0xc: {  	s6 =	sshll.u32 s4, $0x4;
	s26 =	sshrl.u32 s2, $0x1;
	s9 =	sshll.u32 s4, $0xD  }
0xd: {  	s5 =	sadd.s32 s5, s0;
	s0 =	sadd.s32 s6, s0;
	s2 =	ssub.s32 s2, s26  }
0xe: {  	v2 =	vlaneseq.u32;
	s10 =	sor.u32 $0x1000, s9;
	s6 =	sadd.s32 s8, s9;
	s26 =	simm.s32 $0x3  }
0xf: {  	vm0 =	vmmov $0xffff;
	v1 =	vshrl.u32 v2, $0x3;
	s4 =	sadd.s32 $0x1200, s5;
	s5 =	sadd.s32 s7, s9;
	s7 =	sadd.s32 s7, s10  }
0x10: {  	v0 =	vand.u32 $0x7, v2;
	v2 =	vor.u32 $0x8, v2;
	v1 =	vmul.u32 $0x8, v1;
	s8 =	sadd.s32 s8, s10;
	s9 =	sadd.s32 $0x41600, s0;
	s10 =	smax.u32 s2, $0x1  }
.LBB2_1:
0x11: {  	[tilespmem:s3], [sflag:$0x4] =	stream.linear.gather [hbm4b:s4+s3], $0x100, $0x38;
	[tilespmem:$0x18180] =	vst v63  }
0x12: {  	_ =	swait.ge [sflag:s11], $0x100  }
0x13: {  	[sflag:s11] =	ssyncset.done $0x0  }
0x14: {  	[sflag:s11] =	ssyncadd.s32 $0xFFFFFF00  }
0x15: {  	v3 =	vld [tilespmem:$0x0];
	_ =	sdelay $0x4  }
0x16: {  	v4 =	vshll.u32 v3, $0x1  }
0x17: {  	v3 =	vand.u32 $0x7, v3;
	v4 =	vand.u32 $0xFFFFFFF0, v4  }
0x18: {  	v3 =	vor.u32 v3, v4  }
0x19: {  	v4 =	vperm.xlane v3, v0;
	_ =	sdelay $0x1  }
0x1a: {  	v3 =	vperm.xlane v3, v2;
	v4 =	vadd.s32 v1, v4;
	_ =	sdelay $0x1  }
0x1b: {  	v3 =	vadd.s32 v1, v3;
	_ =	sdelay $0x2  }
0x1c: {  	[tilespmem:s12], [sflag:$0x1] =	stream.indirect_vreg.gather [hbm4b:s1+s3], $0x80, v4, vm0, $0xb8;
	[tilespmem:$0x18180] =	vst v63  }
0x1d: {  	s0 =	simm.s32 $0x900  }
0x1e: {  	[tilespmem:s0], [sflag:$0x1] =	stream.indirect_vreg.gather [hbm4b:s1+s3], $0x80, v3, vm0, $0xb8;
	[tilespmem:$0x18180] =	vst v63  }
0x1f: {  	v3 =	vld [tilespmem:$0x10];
	_ =	sdelay $0x4  }
0x20: {  	v4 =	vshll.u32 v3, $0x1  }
0x21: {  	v3 =	vand.u32 $0x7, v3;
	v4 =	vand.u32 $0xFFFFFFF0, v4  }
0x22: {  	v3 =	vor.u32 v3, v4  }
0x23: {  	v4 =	vperm.xlane v3, v0;
	_ =	sdelay $0x1  }
0x24: {  	v3 =	vperm.xlane v3, v2;
	v4 =	vadd.s32 v1, v4;
	_ =	sdelay $0x1  }
0x25: {  	v3 =	vadd.s32 v1, v3;
	_ =	sdelay $0x1  }
0x26: {  	s16 =	simm.s32 $0x1100  }
0x27: {  	[tilespmem:s16], [sflag:$0x1] =	stream.indirect_vreg.gather [hbm4b:s1+s3], $0x80, v4, vm0, $0xb8;
	[tilespmem:$0x18180] =	vst v63  }
0x28: {  	s17 =	simm.s32 $0x1900  }
0x29: {  	[tilespmem:s17], [sflag:$0x1] =	stream.indirect_vreg.gather [hbm4b:s1+s3], $0x80, v3, vm0, $0xb8;
	[tilespmem:$0x18180] =	vst v63  }
0x2a: {  	v3 =	vld [tilespmem:$0x20];
	_ =	sdelay $0x4  }
0x2b: {  	v4 =	vshll.u32 v3, $0x1  }
0x2c: {  	v3 =	vand.u32 $0x7, v3;
	v4 =	vand.u32 $0xFFFFFFF0, v4  }
0x2d: {  	v3 =	vor.u32 v3, v4  }
0x2e: {  	v4 =	vperm.xlane v3, v0;
	_ =	sdelay $0x1  }
0x2f: {  	v3 =	vperm.xlane v3, v2;
	v4 =	vadd.s32 v1, v4;
	_ =	sdelay $0x1  }
0x30: {  	v3 =	vadd.s32 v1, v3;
	_ =	sdelay $0x1  }
0x31: {  	s2 =	simm.s32 $0x2100  }
0x32: {  	[tilespmem:s2], [sflag:$0x1] =	stream.indirect_vreg.gather [hbm4b:s1+s3], $0x80, v4, vm0, $0xb8;
	[tilespmem:$0x18180] =	vst v63  }
0x33: {  	s13 =	simm.s32 $0x2900  }
0x34: {  	[tilespmem:s13], [sflag:$0x1] =	stream.indirect_vreg.gather [hbm4b:s1+s3], $0x80, v3, vm0, $0xb8;
	[tilespmem:$0x18180] =	vst v63  }
0x35: {  	v3 =	vld [tilespmem:$0x30];
	_ =	sdelay $0x4  }
0x36: {  	v4 =	vshll.u32 v3, $0x1  }
0x37: {  	v3 =	vand.u32 $0x7, v3;
	v4 =	vand.u32 $0xFFFFFFF0, v4  }
0x38: {  	v3 =	vor.u32 v3, v4  }
0x39: {  	v4 =	vperm.xlane v3, v0;
	_ =	sdelay $0x1  }
0x3a: {  	v3 =	vperm.xlane v3, v2;
	v4 =	vadd.s32 v1, v4;
	_ =	sdelay $0x1  }
0x3b: {  	v3 =	vadd.s32 v1, v3;
	_ =	sdelay $0x1  }
0x3c: {  	s14 =	simm.s32 $0x3100  }
0x3d: {  	[tilespmem:s14], [sflag:$0x1] =	stream.indirect_vreg.gather [hbm4b:s1+s3], $0x80, v4, vm0, $0xb8;
	[tilespmem:$0x18180] =	vst v63  }
0x3e: {  	s15 =	simm.s32 $0x3900  }
0x3f: {  	[tilespmem:s15], [sflag:$0x1] =	stream.indirect_vreg.gather [hbm4b:s1+s3], $0x80, v3, vm0, $0xb8;
	[tilespmem:$0x18180] =	vst v63  }
0x40: {  	v3 =	vld [tilespmem:$0x40];
	_ =	sdelay $0x4  }
0x41: {  	v4 =	vshll.u32 v3, $0x1  }
0x42: {  	v3 =	vand.u32 $0x7, v3;
	v4 =	vand.u32 $0xFFFFFFF0, v4  }
0x43: {  	v3 =	vor.u32 v3, v4  }
0x44: {  	v4 =	vperm.xlane v3, v0;
	_ =	sdelay $0x1  }
0x45: {  	v3 =	vperm.xlane v3, v2;
	v4 =	vadd.s32 v1, v4;
	_ =	sdelay $0x1  }
0x46: {  	v3 =	vadd.s32 v1, v3;
	_ =	sdelay $0x1  }
0x47: {  	s16 =	simm.s32 $0x4100  }
0x48: {  	[tilespmem:s16], [sflag:$0x1] =	stream.indirect_vreg.gather [hbm4b:s1+s3], $0x80, v4, vm0, $0xb8;
	[tilespmem:$0x18180] =	vst v63  }
0x49: {  	s17 =	simm.s32 $0x4900  }
0x4a: {  	[tilespmem:s17], [sflag:$0x1] =	stream.indirect_vreg.gather [hbm4b:s1+s3], $0x80, v3, vm0, $0xb8;
	[tilespmem:$0x18180] =	vst v63  }
0x4b: {  	v3 =	vld [tilespmem:$0x50];
	_ =	sdelay $0x4  }
0x4c: {  	v4 =	vshll.u32 v3, $0x1  }
0x4d: {  	v3 =	vand.u32 $0x7, v3;
	v4 =	vand.u32 $0xFFFFFFF0, v4  }
0x4e: {  	v3 =	vor.u32 v3, v4  }
0x4f: {  	v4 =	vperm.xlane v3, v0;
	_ =	sdelay $0x1  }
0x50: {  	v3 =	vperm.xlane v3, v2;
	v4 =	vadd.s32 v1, v4;
	_ =	sdelay $0x1  }
0x51: {  	v3 =	vadd.s32 v1, v3;
	_ =	sdelay $0x1  }
0x52: {  	s2 =	simm.s32 $0x5100  }
0x53: {  	[tilespmem:s2], [sflag:$0x1] =	stream.indirect_vreg.gather [hbm4b:s1+s3], $0x80, v4, vm0, $0xb8;
	[tilespmem:$0x18180] =	vst v63  }
0x54: {  	s13 =	simm.s32 $0x5900  }
0x55: {  	[tilespmem:s13], [sflag:$0x1] =	stream.indirect_vreg.gather [hbm4b:s1+s3], $0x80, v3, vm0, $0xb8;
	[tilespmem:$0x18180] =	vst v63  }
0x56: {  	v3 =	vld [tilespmem:$0x60];
	_ =	sdelay $0x4  }
0x57: {  	v4 =	vshll.u32 v3, $0x1  }
0x58: {  	v3 =	vand.u32 $0x7, v3;
	v4 =	vand.u32 $0xFFFFFFF0, v4  }
0x59: {  	v3 =	vor.u32 v3, v4  }
0x5a: {  	v4 =	vperm.xlane v3, v0;
	_ =	sdelay $0x1  }
0x5b: {  	v3 =	vperm.xlane v3, v2;
	v4 =	vadd.s32 v1, v4;
	_ =	sdelay $0x1  }
0x5c: {  	v3 =	vadd.s32 v1, v3;
	_ =	sdelay $0x1  }
0x5d: {  	s14 =	simm.s32 $0x6100  }
0x5e: {  	[tilespmem:s14], [sflag:$0x1] =	stream.indirect_vreg.gather [hbm4b:s1+s3], $0x80, v4, vm0, $0xb8;
	[tilespmem:$0x18180] =	vst v63  }
0x5f: {  	s15 =	simm.s32 $0x6900  }
0x60: {  	[tilespmem:s15], [sflag:$0x1] =	stream.indirect_vreg.gather [hbm4b:s1+s3], $0x80, v3, vm0, $0xb8;
	[tilespmem:$0x18180] =	vst v63  }
0x61: {  	v3 =	vld [tilespmem:$0x70];
	_ =	sdelay $0x4  }
0x62: {  	v4 =	vshll.u32 v3, $0x1  }
0x63: {  	v3 =	vand.u32 $0x7, v3;
	v4 =	vand.u32 $0xFFFFFFF0, v4  }
0x64: {  	v3 =	vor.u32 v3, v4  }
0x65: {  	v4 =	vperm.xlane v3, v0;
	_ =	sdelay $0x1  }
0x66: {  	v3 =	vperm.xlane v3, v2;
	v4 =	vadd.s32 v1, v4;
	_ =	sdelay $0x1  }
0x67: {  	v3 =	vadd.s32 v1, v3;
	_ =	sdelay $0x1  }
0x68: {  	s16 =	simm.s32 $0x7100  }
0x69: {  	[tilespmem:s16], [sflag:$0x1] =	stream.indirect_vreg.gather [hbm4b:s1+s3], $0x80, v4, vm0, $0xb8;
	[tilespmem:$0x18180] =	vst v63  }
0x6a: {  	s17 =	simm.s32 $0x7900  }
0x6b: {  	[tilespmem:s17], [sflag:$0x1] =	stream.indirect_vreg.gather [hbm4b:s1+s3], $0x80, v3, vm0, $0xb8;
	[tilespmem:$0x18180] =	vst v63  }
0x6c: {  	v3 =	vld [tilespmem:$0x80];
	_ =	sdelay $0x4  }
0x6d: {  	v4 =	vshll.u32 v3, $0x1  }
0x6e: {  	v3 =	vand.u32 $0x7, v3;
	v4 =	vand.u32 $0xFFFFFFF0, v4  }
0x6f: {  	v3 =	vor.u32 v3, v4  }
0x70: {  	v4 =	vperm.xlane v3, v0;
	_ =	sdelay $0x1  }
0x71: {  	v3 =	vperm.xlane v3, v2;
	v4 =	vadd.s32 v1, v4;
	_ =	sdelay $0x1  }
0x72: {  	v3 =	vadd.s32 v1, v3;
	_ =	sdelay $0x2  }
0x73: {  	[tilespmem:s29], [sflag:$0x2] =	stream.indirect_vreg.gather [hbm4b:s1+s3], $0x80, v4, vm0, $0xb8;
	[tilespmem:$0x18180] =	vst v63  }
0x74: {  	s2 =	simm.s32 $0x8900  }
0x75: {  	[tilespmem:s2], [sflag:$0x2] =	stream.indirect_vreg.gather [hbm4b:s1+s3], $0x80, v3, vm0, $0xb8;
	[tilespmem:$0x18180] =	vst v63  }
0x76: {  	v3 =	vld [tilespmem:$0x90];
	_ =	sdelay $0x4  }
0x77: {  	v4 =	vshll.u32 v3, $0x1  }
0x78: {  	v3 =	vand.u32 $0x7, v3;
	v4 =	vand.u32 $0xFFFFFFF0, v4  }
0x79: {  	v3 =	vor.u32 v3, v4  }
0x7a: {  	v4 =	vperm.xlane v3, v0;
	_ =	sdelay $0x1  }
0x7b: {  	v3 =	vperm.xlane v3, v2;
	v4 =	vadd.s32 v1, v4;
	_ =	sdelay $0x1  }
0x7c: {  	v3 =	vadd.s32 v1, v3;
	_ =	sdelay $0x1  }
0x7d: {  	s13 =	simm.s32 $0x9100  }
0x7e: {  	[tilespmem:s13], [sflag:$0x2] =	stream.indirect_vreg.gather [hbm4b:s1+s3], $0x80, v4, vm0, $0xb8;
	[tilespmem:$0x18180] =	vst v63  }
0x7f: {  	s14 =	simm.s32 $0x9900  }
0x80: {  	[tilespmem:s14], [sflag:$0x2] =	stream.indirect_vreg.gather [hbm4b:s1+s3], $0x80, v3, vm0, $0xb8;
	[tilespmem:$0x18180] =	vst v63  }
0x81: {  	v3 =	vld [tilespmem:$0xA0];
	_ =	sdelay $0x4  }
0x82: {  	v4 =	vshll.u32 v3, $0x1  }
0x83: {  	v3 =	vand.u32 $0x7, v3;
	v4 =	vand.u32 $0xFFFFFFF0, v4  }
0x84: {  	v3 =	vor.u32 v3, v4  }
0x85: {  	v4 =	vperm.xlane v3, v0;
	_ =	sdelay $0x1  }
0x86: {  	v3 =	vperm.xlane v3, v2;
	v4 =	vadd.s32 v1, v4;
	_ =	sdelay $0x1  }
0x87: {  	v3 =	vadd.s32 v1, v3;
	_ =	sdelay $0x1  }
0x88: {  	s15 =	simm.s32 $0xA100  }
0x89: {  	[tilespmem:s15], [sflag:$0x2] =	stream.indirect_vreg.gather [hbm4b:s1+s3], $0x80, v4, vm0, $0xb8;
	[tilespmem:$0x18180] =	vst v63  }
0x8a: {  	s16 =	simm.s32 $0xA900  }
0x8b: {  	[tilespmem:s16], [sflag:$0x2] =	stream.indirect_vreg.gather [hbm4b:s1+s3], $0x80, v3, vm0, $0xb8;
	[tilespmem:$0x18180] =	vst v63  }
0x8c: {  	v3 =	vld [tilespmem:$0xB0];
	_ =	sdelay $0x4  }
0x8d: {  	v4 =	vshll.u32 v3, $0x1  }
0x8e: {  	v3 =	vand.u32 $0x7, v3;
	v4 =	vand.u32 $0xFFFFFFF0, v4  }
0x8f: {  	v3 =	vor.u32 v3, v4  }
0x90: {  	v4 =	vperm.xlane v3, v0;
	_ =	sdelay $0x1  }
0x91: {  	v3 =	vperm.xlane v3, v2;
	v4 =	vadd.s32 v1, v4;
	_ =	sdelay $0x1  }
0x92: {  	v3 =	vadd.s32 v1, v3;
	_ =	sdelay $0x1  }
0x93: {  	s17 =	simm.s32 $0xB100  }
0x94: {  	[tilespmem:s17], [sflag:$0x2] =	stream.indirect_vreg.gather [hbm4b:s1+s3], $0x80, v4, vm0, $0xb8;
	[tilespmem:$0x18180] =	vst v63  }
0x95: {  	s2 =	simm.s32 $0xB900  }
0x96: {  	[tilespmem:s2], [sflag:$0x2] =	stream.indirect_vreg.gather [hbm4b:s1+s3], $0x80, v3, vm0, $0xb8;
	[tilespmem:$0x18180] =	vst v63  }
0x97: {  	v3 =	vld [tilespmem:$0xC0];
	_ =	sdelay $0x4  }
0x98: {  	v4 =	vshll.u32 v3, $0x1  }
0x99: {  	v3 =	vand.u32 $0x7, v3;
	v4 =	vand.u32 $0xFFFFFFF0, v4  }
0x9a: {  	v3 =	vor.u32 v3, v4  }
0x9b: {  	v4 =	vperm.xlane v3, v0;
	_ =	sdelay $0x1  }
0x9c: {  	v3 =	vperm.xlane v3, v2;
	v4 =	vadd.s32 v1, v4;
	_ =	sdelay $0x1  }
0x9d: {  	v3 =	vadd.s32 v1, v3;
	_ =	sdelay $0x1  }
0x9e: {  	s13 =	simm.s32 $0xC100  }
0x9f: {  	[tilespmem:s13], [sflag:$0x2] =	stream.indirect_vreg.gather [hbm4b:s1+s3], $0x80, v4, vm0, $0xb8;
	[tilespmem:$0x18180] =	vst v63  }
0xa0: {  	s14 =	simm.s32 $0xC900  }
0xa1: {  	[tilespmem:s14], [sflag:$0x2] =	stream.indirect_vreg.gather [hbm4b:s1+s3], $0x80, v3, vm0, $0xb8;
	[tilespmem:$0x18180] =	vst v63  }
0xa2: {  	v3 =	vld [tilespmem:$0xD0];
	_ =	sdelay $0x4  }
0xa3: {  	v4 =	vshll.u32 v3, $0x1  }
0xa4: {  	v3 =	vand.u32 $0x7, v3;
	v4 =	vand.u32 $0xFFFFFFF0, v4  }
0xa5: {  	v3 =	vor.u32 v3, v4  }
0xa6: {  	v4 =	vperm.xlane v3, v0;
	_ =	sdelay $0x1  }
0xa7: {  	v3 =	vperm.xlane v3, v2;
	v4 =	vadd.s32 v1, v4;
	_ =	sdelay $0x1  }
0xa8: {  	v3 =	vadd.s32 v1, v3;
	_ =	sdelay $0x2  }
0xa9: {  	[tilespmem:s18], [sflag:$0x2] =	stream.indirect_vreg.gather [hbm4b:s1+s3], $0x80, v4, vm0, $0xb8;
	[tilespmem:$0x18180] =	vst v63  }
0xaa: {  	_ = 	snop  }
0xab: {  	[tilespmem:s19], [sflag:$0x2] =	stream.indirect_vreg.gather [hbm4b:s1+s3], $0x80, v3, vm0, $0xb8;
	[tilespmem:$0x18180] =	vst v63  }
0xac: {  	v3 =	vld [tilespmem:$0xE0];
	_ =	sdelay $0x4  }
0xad: {  	v4 =	vshll.u32 v3, $0x1  }
0xae: {  	v3 =	vand.u32 $0x7, v3;
	v4 =	vand.u32 $0xFFFFFFF0, v4  }
0xaf: {  	v3 =	vor.u32 v3, v4  }
0xb0: {  	v4 =	vperm.xlane v3, v0;
	_ =	sdelay $0x1  }
0xb1: {  	v3 =	vperm.xlane v3, v2;
	v4 =	vadd.s32 v1, v4;
	_ =	sdelay $0x1  }
0xb2: {  	v3 =	vadd.s32 v1, v3;
	_ =	sdelay $0x2  }
0xb3: {  	[tilespmem:s20], [sflag:$0x2] =	stream.indirect_vreg.gather [hbm4b:s1+s3], $0x80, v4, vm0, $0xb8;
	[tilespmem:$0x18180] =	vst v63  }
0xb4: {  	_ = 	snop  }
0xb5: {  	[tilespmem:s21], [sflag:$0x2] =	stream.indirect_vreg.gather [hbm4b:s1+s3], $0x80, v3, vm0, $0xb8;
	[tilespmem:$0x18180] =	vst v63  }
0xb6: {  	v3 =	vld [tilespmem:$0xF0];
	_ =	sdelay $0x4  }
0xb7: {  	v4 =	vshll.u32 v3, $0x1  }
0xb8: {  	v3 =	vand.u32 $0x7, v3;
	v4 =	vand.u32 $0xFFFFFFF0, v4  }
0xb9: {  	v3 =	vor.u32 v3, v4  }
0xba: {  	v4 =	vperm.xlane v3, v0;
	_ =	sdelay $0x1  }
0xbb: {  	v3 =	vperm.xlane v3, v2;
	v4 =	vadd.s32 v1, v4;
	_ =	sdelay $0x1  }
0xbc: {  	v3 =	vadd.s32 v1, v3;
	_ =	sdelay $0x2  }
0xbd: {  	[tilespmem:s22], [sflag:$0x2] =	stream.indirect_vreg.gather [hbm4b:s1+s3], $0x80, v4, vm0, $0xb8;
	[tilespmem:$0x18180] =	vst v63  }
0xbe: {  	_ = 	snop  }
0xbf: {  	[tilespmem:s23], [sflag:$0x2] =	stream.indirect_vreg.gather [hbm4b:s1+s3], $0x80, v3, vm0, $0xb8;
	[tilespmem:$0x18180] =	vst v63  }
0xc0: {  	_ =	swait.ge [sflag:s24], $0x8000  }
0xc1: {  	[sflag:s24] =	ssyncset.done $0x0  }
0xc2: {  	[sflag:s24] =	ssyncadd.s32 $0xFFFF8000  }
0xc3: {  	[hbm4b:s5+s3] =	stream.linear.scatter [tilespmem:s12], [sflag:$0x1], $0x8000, $0x38;
	[tilespmem:$0x18180] =	vst v63  }
0xc4: {  	_ = 	snop  }
0xc5: {  	[tilespmem:s25], [sflag:$0x3] =	stream.linear.gather [hbm4b:s6+s3], $0x8000, $0x38;
	[tilespmem:$0x18180] =	vst v63  }
0xc6: {  	_ =	swait.ge [sflag:s26], $0x8000  }
0xc7: {  	s15 =	sand.u32 $0x7800, s3;
	s2 =	sand.u32 $0x200, s3;
	[sflag:s26] =	ssyncset.done $0x0  }
0xc8: {  	s0 =	sor.u32 s2, s15;
	[sflag:s26] =	ssyncadd.s32 $0xFFFF8000  }
0xc9: {  	v3 =	vld [tilespmem:s0+$0x100]  }
0xca: {  	v4 =	vld [tilespmem:s0+$0x10100]  }
0xcb: {  	v5 =	vld [tilespmem:s0+$0x110]  }
0xcc: {  	v6 =	vld [tilespmem:s0+$0x10110]  }
0xcd: {  	v7 =	vld [tilespmem:s0+$0x120]  }
0xce: {  	v8 =	vld [tilespmem:s0+$0x10120]  }
0xcf: {  	v9 =	vld [tilespmem:s0+$0x130];
	v3 =	vsub.f32 v3, v4  }
0xd0: {  	v4 =	vld [tilespmem:s0+$0x10130]  }
0xd1: {  	v10 =	vld [tilespmem:s0+$0x140];
	v5 =	vsub.f32 v5, v6;
	v3 =	vmul.f32 v3, v3  }
0xd2: {  	v11 =	vimm.f32 $0.0e+00;
	v6 =	vld [tilespmem:s0+$0x10140]  }
0xd3: {  	v12 =	vld [tilespmem:s0+$0x150];
	v7 =	vsub.f32 v7, v8;
	v5 =	vmul.f32 v5, v5;
	v3 =	vadd.f32 v3, v11  }
0xd4: {  	p0 =	por $0x0, $0x0;
	s2 =	simm.s32 $0x1;
	v8 =	vld [tilespmem:s0+$0x10150]  }
0xd5: {  	s2 =	simm.s32 @!p0 $0x0;
	v11 =	vld [tilespmem:s0+$0x160];
	v4 =	vsub.f32 v9, v4;
	v3 =	vadd.f32 v5, v3;
	v5 =	vmul.f32 v7, v7  }
0xd6: {  	s2 =	sshll.u32 s2, $0x9;
	v7 =	vld [tilespmem:s0+$0x10160]  }
0xd7: {  	s2 =	sadd.s32 $0x0, s2;
	v9 =	vld [tilespmem:s0+$0x170];
	v4 =	vmul.f32 v4, v4;
	v3 =	vadd.f32 v5, v3;
	v5 =	vsub.f32 v10, v6  }
0xd8: {  	s13 =	sor.u32 $0x400, s2;
	v6 =	vld [tilespmem:s0+$0x10170]  }
0xd9: {  	v10 =	vld [tilespmem:s13+$0x100];
	v3 =	vadd.f32 v4, v3;
	v4 =	vmul.f32 v5, v5;
	v5 =	vsub.f32 v12, v8  }
0xda: {  	s16 =	sor.u32 $0x410, s2;
	v8 =	vld [tilespmem:s13+$0x10100]  }
0xdb: {  	v51 =	vld [tilespmem:s16+$0x100];
	v3 =	vadd.f32 v4, v3;
	v4 =	vmul.f32 v5, v5;
	v5 =	vsub.f32 v11, v7  }
0xdc: {  	s17 =	sor.u32 $0x420, s2;
	v7 =	vld [tilespmem:s16+$0x10100]  }
0xdd: {  	v11 =	vld [tilespmem:s17+$0x100];
	v3 =	vadd.f32 v4, v3;
	v4 =	vmul.f32 v5, v5;
	v5 =	vsub.f32 v9, v6  }
0xde: {  	s14 =	sor.u32 $0x430, s2;
	v6 =	vld [tilespmem:s17+$0x10100]  }
0xdf: {  	v9 =	vld [tilespmem:s14+$0x100];
	v3 =	vadd.f32 v4, v3;
	v4 =	vmul.f32 v5, v5;
	v5 =	vsub.f32 v10, v8  }
0xe0: {  	s15 =	sor.u32 $0x440, s2;
	v8 =	vld [tilespmem:s14+$0x10100]  }
0xe1: {  	v10 =	vld [tilespmem:s15+$0x100];
	v3 =	vadd.f32 v4, v3;
	v4 =	vmul.f32 v5, v5;
	v5 =	vsub.f32 v51, v7  }
0xe2: {  	s16 =	sor.u32 $0x450, s2;
	v7 =	vld [tilespmem:s15+$0x10100]  }
0xe3: {  	v52 =	vld [tilespmem:s16+$0x100];
	v3 =	vadd.f32 v4, v3;
	v4 =	vmul.f32 v5, v5;
	v5 =	vsub.f32 v11, v6  }
0xe4: {  	s17 =	sor.u32 $0x460, s2;
	v6 =	vld [tilespmem:s16+$0x10100]  }
0xe5: {  	v11 =	vld [tilespmem:s17+$0x100];
	v3 =	vadd.f32 v4, v3;
	v4 =	vmul.f32 v5, v5;
	v5 =	vsub.f32 v9, v8  }
0xe6: {  	s14 =	sor.u32 $0x470, s2;
	v8 =	vld [tilespmem:s17+$0x10100]  }
0xe7: {  	v9 =	vld [tilespmem:s14+$0x100];
	v3 =	vadd.f32 v4, v3;
	v4 =	vmul.f32 v5, v5;
	v5 =	vsub.f32 v10, v7  }
0xe8: {  	v7 =	vld [tilespmem:s14+$0x10100]  }
0xe9: {  	v10 =	vld [tilespmem:s0+$0x180];
	v3 =	vadd.f32 v4, v3;
	v4 =	vmul.f32 v5, v5;
	v5 =	vsub.f32 v52, v6  }
0xea: {  	v6 =	vld [tilespmem:s0+$0x10180]  }
0xeb: {  	v53 =	vld [tilespmem:s0+$0x190];
	v3 =	vadd.f32 v4, v3;
	v4 =	vmul.f32 v5, v5;
	v5 =	vsub.f32 v11, v8  }
0xec: {  	v8 =	vld [tilespmem:s0+$0x10190]  }
0xed: {  	v11 =	vld [tilespmem:s0+$0x1A0];
	v3 =	vadd.f32 v4, v3;
	v4 =	vmul.f32 v5, v5;
	v5 =	vsub.f32 v9, v7  }
0xee: {  	v7 =	vld [tilespmem:s0+$0x101A0]  }
0xef: {  	v9 =	vld [tilespmem:s0+$0x1B0];
	v3 =	vadd.f32 v4, v3;
	v4 =	vmul.f32 v5, v5;
	v5 =	vsub.f32 v10, v6  }
0xf0: {  	v6 =	vld [tilespmem:s0+$0x101B0]  }
0xf1: {  	v10 =	vld [tilespmem:s0+$0x1C0];
	v3 =	vadd.f32 v4, v3;
	v4 =	vmul.f32 v5, v5;
	v5 =	vsub.f32 v53, v8  }
0xf2: {  	v8 =	vld [tilespmem:s0+$0x101C0]  }
0xf3: {  	v54 =	vld [tilespmem:s0+$0x1D0];
	v3 =	vadd.f32 v4, v3;
	v4 =	vmul.f32 v5, v5;
	v5 =	vsub.f32 v11, v7  }
0xf4: {  	v7 =	vld [tilespmem:s0+$0x101D0]  }
0xf5: {  	v11 =	vld [tilespmem:s0+$0x1E0];
	v3 =	vadd.f32 v4, v3;
	v4 =	vmul.f32 v5, v5;
	v5 =	vsub.f32 v9, v6  }
0xf6: {  	v6 =	vld [tilespmem:s0+$0x101E0]  }
0xf7: {  	s13 =	sadd.s32 $0x80, s2;
	v9 =	vld [tilespmem:s0+$0x1F0];
	v3 =	vadd.f32 v4, v3;
	v4 =	vmul.f32 v5, v5;
	v5 =	vsub.f32 v10, v8  }
0xf8: {  	s14 =	sor.u32 $0x400, s13;
	v8 =	vld [tilespmem:s0+$0x101F0]  }
0xf9: {  	v10 =	vld [tilespmem:s14+$0x100];
	v3 =	vadd.f32 v4, v3;
	v4 =	vmul.f32 v5, v5;
	v5 =	vsub.f32 v54, v7  }
0xfa: {  	s15 =	sor.u32 $0x410, s13;
	v7 =	vld [tilespmem:s14+$0x10100]  }
0xfb: {  	v55 =	vld [tilespmem:s15+$0x100];
	v3 =	vadd.f32 v4, v3;
	v4 =	vmul.f32 v5, v5;
	v5 =	vsub.f32 v11, v6  }
0xfc: {  	s16 =	sor.u32 $0x420, s13;
	v6 =	vld [tilespmem:s15+$0x10100]  }
0xfd: {  	v11 =	vld [tilespmem:s16+$0x100];
	v3 =	vadd.f32 v4, v3;
	v4 =	vmul.f32 v5, v5;
	v5 =	vsub.f32 v9, v8  }
0xfe: {  	s17 =	sor.u32 $0x430, s13;
	v8 =	vld [tilespmem:s16+$0x10100]  }
0xff: {  	v9 =	vld [tilespmem:s17+$0x100];
	v3 =	vadd.f32 v4, v3;
	v4 =	vmul.f32 v5, v5;
	v5 =	vsub.f32 v10, v7  }
0x100: {  	s15 =	sor.u32 $0x440, s13;
	v7 =	vld [tilespmem:s17+$0x10100]  }
0x101: {  	v10 =	vld [tilespmem:s15+$0x100];
	v3 =	vadd.f32 v4, v3;
	v4 =	vmul.f32 v5, v5;
	v5 =	vsub.f32 v55, v6  }
0x102: {  	s16 =	sor.u32 $0x450, s13;
	v6 =	vld [tilespmem:s15+$0x10100]  }
0x103: {  	v56 =	vld [tilespmem:s16+$0x100];
	v3 =	vadd.f32 v4, v3;
	v4 =	vmul.f32 v5, v5;
	v5 =	vsub.f32 v11, v8  }
0x104: {  	s17 =	sor.u32 $0x460, s13;
	v8 =	vld [tilespmem:s16+$0x10100]  }
0x105: {  	v11 =	vld [tilespmem:s17+$0x100];
	v3 =	vadd.f32 v4, v3;
	v4 =	vmul.f32 v5, v5;
	v5 =	vsub.f32 v9, v7  }
0x106: {  	s13 =	sor.u32 $0x470, s13;
	v7 =	vld [tilespmem:s17+$0x10100]  }
0x107: {  	v9 =	vld [tilespmem:s13+$0x100];
	v3 =	vadd.f32 v4, v3;
	v4 =	vmul.f32 v5, v5;
	v5 =	vsub.f32 v10, v6  }
0x108: {  	v6 =	vld [tilespmem:s13+$0x10100]  }
0x109: {  	v10 =	vld [tilespmem:s0+$0x200];
	v3 =	vadd.f32 v4, v3;
	v4 =	vmul.f32 v5, v5;
	v5 =	vsub.f32 v56, v8  }
0x10a: {  	v8 =	vld [tilespmem:s0+$0x10200]  }
0x10b: {  	v57 =	vld [tilespmem:s0+$0x210];
	v3 =	vadd.f32 v4, v3;
	v4 =	vmul.f32 v5, v5;
	v5 =	vsub.f32 v11, v7  }
0x10c: {  	v7 =	vld [tilespmem:s0+$0x10210]  }
0x10d: {  	v11 =	vld [tilespmem:s0+$0x220];
	v3 =	vadd.f32 v4, v3;
	v4 =	vmul.f32 v5, v5;
	v5 =	vsub.f32 v9, v6  }
0x10e: {  	v6 =	vld [tilespmem:s0+$0x10220]  }
0x10f: {  	v9 =	vld [tilespmem:s0+$0x230];
	v3 =	vadd.f32 v4, v3;
	v4 =	vmul.f32 v5, v5;
	v5 =	vsub.f32 v10, v8  }
0x110: {  	v8 =	vld [tilespmem:s0+$0x10230]  }
0x111: {  	v10 =	vld [tilespmem:s0+$0x240];
	v3 =	vadd.f32 v4, v3;
	v4 =	vmul.f32 v5, v5;
	v5 =	vsub.f32 v57, v7  }
0x112: {  	v7 =	vld [tilespmem:s0+$0x10240]  }
0x113: {  	v58 =	vld [tilespmem:s0+$0x250];
	v3 =	vadd.f32 v4, v3;
	v4 =	vmul.f32 v5, v5;
	v5 =	vsub.f32 v11, v6  }
0x114: {  	v6 =	vld [tilespmem:s0+$0x10250]  }
0x115: {  	v11 =	vld [tilespmem:s0+$0x260];
	v3 =	vadd.f32 v4, v3;
	v4 =	vmul.f32 v5, v5;
	v5 =	vsub.f32 v9, v8  }
0x116: {  	v8 =	vld [tilespmem:s0+$0x10260]  }
0x117: {  	s13 =	sadd.s32 $0x100, s2;
	v9 =	vld [tilespmem:s0+$0x270];
	v3 =	vadd.f32 v4, v3;
	v4 =	vmul.f32 v5, v5;
	v5 =	vsub.f32 v10, v7  }
0x118: {  	s15 =	sor.u32 $0x400, s13;
	v7 =	vld [tilespmem:s0+$0x10270]  }
0x119: {  	v10 =	vld [tilespmem:s15+$0x100];
	v3 =	vadd.f32 v4, v3;
	v4 =	vmul.f32 v5, v5;
	v5 =	vsub.f32 v58, v6  }
0x11a: {  	s16 =	sor.u32 $0x410, s13;
	v6 =	vld [tilespmem:s15+$0x10100]  }
0x11b: {  	v59 =	vld [tilespmem:s16+$0x100];
	v3 =	vadd.f32 v4, v3;
	v4 =	vmul.f32 v5, v5;
	v5 =	vsub.f32 v11, v8  }
0x11c: {  	s17 =	sor.u32 $0x420, s13;
	v8 =	vld [tilespmem:s16+$0x10100]  }
0x11d: {  	v11 =	vld [tilespmem:s17+$0x100];
	v3 =	vadd.f32 v4, v3;
	v4 =	vmul.f32 v5, v5;
	v5 =	vsub.f32 v9, v7  }
0x11e: {  	s15 =	sor.u32 $0x430, s13;
	v7 =	vld [tilespmem:s17+$0x10100]  }
0x11f: {  	v9 =	vld [tilespmem:s15+$0x100];
	v3 =	vadd.f32 v4, v3;
	v4 =	vmul.f32 v5, v5;
	v5 =	vsub.f32 v10, v6  }
0x120: {  	s16 =	sor.u32 $0x440, s13;
	v6 =	vld [tilespmem:s15+$0x10100]  }
0x121: {  	v10 =	vld [tilespmem:s16+$0x100];
	v3 =	vadd.f32 v4, v3;
	v4 =	vmul.f32 v5, v5;
	v5 =	vsub.f32 v59, v8  }
0x122: {  	s17 =	sor.u32 $0x450, s13;
	v8 =	vld [tilespmem:s16+$0x10100]  }
0x123: {  	v60 =	vld [tilespmem:s17+$0x100];
	v3 =	vadd.f32 v4, v3;
	v4 =	vmul.f32 v5, v5;
	v5 =	vsub.f32 v11, v7  }
0x124: {  	s15 =	sor.u32 $0x460, s13;
	v7 =	vld [tilespmem:s17+$0x10100]  }
0x125: {  	v11 =	vld [tilespmem:s15+$0x100];
	v3 =	vadd.f32 v4, v3;
	v4 =	vmul.f32 v5, v5;
	v5 =	vsub.f32 v9, v6  }
0x126: {  	s13 =	sor.u32 $0x470, s13;
	v6 =	vld [tilespmem:s15+$0x10100]  }
0x127: {  	v9 =	vld [tilespmem:s13+$0x100];
	v3 =	vadd.f32 v4, v3;
	v4 =	vmul.f32 v5, v5;
	v5 =	vsub.f32 v10, v8  }
0x128: {  	v8 =	vld [tilespmem:s13+$0x10100]  }
0x129: {  	v10 =	vld [tilespmem:s0+$0x280];
	v3 =	vadd.f32 v4, v3;
	v4 =	vmul.f32 v5, v5;
	v5 =	vsub.f32 v60, v7  }
0x12a: {  	v7 =	vld [tilespmem:s0+$0x10280]  }
0x12b: {  	v61 =	vld [tilespmem:s0+$0x290];
	v3 =	vadd.f32 v4, v3;
	v4 =	vmul.f32 v5, v5;
	v5 =	vsub.f32 v11, v6  }
0x12c: {  	v6 =	vld [tilespmem:s0+$0x10290]  }
0x12d: {  	v11 =	vld [tilespmem:s0+$0x2A0];
	v3 =	vadd.f32 v4, v3;
	v4 =	vmul.f32 v5, v5;
	v5 =	vsub.f32 v9, v8  }
0x12e: {  	v8 =	vld [tilespmem:s0+$0x102A0]  }
0x12f: {  	v9 =	vld [tilespmem:s0+$0x2B0];
	v3 =	vadd.f32 v4, v3;
	v4 =	vmul.f32 v5, v5;
	v5 =	vsub.f32 v10, v7  }
0x130: {  	v7 =	vld [tilespmem:s0+$0x102B0]  }
0x131: {  	v10 =	vld [tilespmem:s0+$0x2C0];
	v3 =	vadd.f32 v4, v3;
	v4 =	vmul.f32 v5, v5;
	v5 =	vsub.f32 v61, v6  }
0x132: {  	v6 =	vld [tilespmem:s0+$0x102C0]  }
0x133: {  	v62 =	vld [tilespmem:s0+$0x2D0];
	v3 =	vadd.f32 v4, v3;
	v4 =	vmul.f32 v5, v5;
	v5 =	vsub.f32 v11, v8  }
0x134: {  	v8 =	vld [tilespmem:s0+$0x102D0]  }
0x135: {  	v11 =	vld [tilespmem:s0+$0x2E0];
	v3 =	vadd.f32 v4, v3;
	v4 =	vmul.f32 v5, v5;
	v5 =	vsub.f32 v9, v7  }
0x136: {  	v7 =	vld [tilespmem:s0+$0x102E0]  }
0x137: {  	s13 =	sadd.s32 $0x180, s2;
	v9 =	vld [tilespmem:s0+$0x2F0];
	v3 =	vadd.f32 v4, v3;
	v4 =	vmul.f32 v5, v5;
	v5 =	vsub.f32 v10, v6  }
0x138: {  	s16 =	sor.u32 $0x400, s13;
	v6 =	vld [tilespmem:s0+$0x102F0]  }
0x139: {  	v10 =	vld [tilespmem:s16+$0x100];
	v3 =	vadd.f32 v4, v3;
	v4 =	vmul.f32 v5, v5;
	v5 =	vsub.f32 v62, v8  }
0x13a: {  	s17 =	sor.u32 $0x410, s13;
	v8 =	vld [tilespmem:s16+$0x10100]  }
0x13b: {  	v63 =	vld [tilespmem:s17+$0x100];
	v3 =	vadd.f32 v4, v3;
	v4 =	vmul.f32 v5, v5;
	v5 =	vsub.f32 v11, v7  }
0x13c: {  	s2 =	sor.u32 $0x420, s13;
	v7 =	vld [tilespmem:s17+$0x10100]  }
0x13d: {  	v11 =	vld [tilespmem:s2+$0x100];
	v3 =	vadd.f32 v4, v3;
	v4 =	vmul.f32 v5, v5;
	v5 =	vsub.f32 v9, v6  }
0x13e: {  	s14 =	sor.u32 $0x430, s13;
	v6 =	vld [tilespmem:s2+$0x10100]  }
0x13f: {  	v13 =	vld [tilespmem:s14+$0x100];
	v8 =	vsub.f32 v10, v8;
	v3 =	vadd.f32 v4, v3;
	v5 =	vmul.f32 v5, v5  }
0x140: {  	s15 =	sor.u32 $0x440, s13;
	v14 =	vld [tilespmem:s14+$0x10100]  }
0x141: {  	v4 =	vld [tilespmem:s15+$0x100];
	v8 =	vmul.f32 v8, v8;
	v9 =	vsub.f32 v63, v7;
	v5 =	vadd.f32 v5, v3  }
0x142: {  	s16 =	sor.u32 $0x450, s13;
	v7 =	vld [tilespmem:s15+$0x10100]  }
0x143: {  	v3 =	vld [tilespmem:s16+$0x100];
	v9 =	vmul.f32 v9, v9;
	v10 =	vsub.f32 v11, v6;
	v8 =	vadd.f32 v8, v5  }
0x144: {  	s17 =	sor.u32 $0x460, s13;
	v6 =	vld [tilespmem:s16+$0x10100]  }
0x145: {  	s0 =	simm.s32 $0x200;
	v11 =	vsub.f32 v13, v14;
	v5 =	vld [tilespmem:s17+$0x100];
	v10 =	vmul.f32 v10, v10;
	v9 =	vadd.f32 v9, v8  }
0x146: {  	s2 =	simm.s32 $0x0;
	s15 =	sor.u32 $0x470, s13;
	s13 =	simm.s32 $0x400;
	v8 =	vld [tilespmem:s17+$0x10100]  }
.LBB2_2:
0x147: {  	s14 =	sand.u32 $0x7800, s13;
	s16 =	sand.u32 $0x200, s0;
	v9 =	vadd.f32 v10, v9;
	v10 =	vmul.f32 v11, v11;
	v4 =	vsub.f32 v4, v7;
	v7 =	vld [tilespmem:s15+$0x100]  }
0x148: {  	s2 =	sadd.s32 $0x4, s2;
	s14 =	sor.u32 s16, s14;
	v11 =	vld [tilespmem:s15+$0x10100]  }
0x149: {  	p1 =	slt.u32 s2, $0x7C;
	v12 =	vld [tilespmem:s14+$0x100];
	v9 =	vadd.f32 v10, v9;
	v4 =	vmul.f32 v4, v4;
	v3 =	vsub.f32 v3, v6  }
0x14a: {  	v6 =	vld [tilespmem:s14+$0x10100]  }
0x14b: {  	v10 =	vld [tilespmem:s14+$0x110];
	v4 =	vadd.f32 v4, v9;
	v3 =	vmul.f32 v3, v3;
	v5 =	vsub.f32 v5, v8  }
0x14c: {  	v8 =	vld [tilespmem:s14+$0x10110]  }
0x14d: {  	v9 =	vld [tilespmem:s14+$0x120];
	v3 =	vadd.f32 v3, v4;
	v4 =	vmul.f32 v5, v5;
	v5 =	vsub.f32 v7, v11  }
0x14e: {  	v7 =	vld [tilespmem:s14+$0x10120]  }
0x14f: {  	v6 =	vsub.f32 v12, v6;
	v11 =	vld [tilespmem:s14+$0x130];
	v3 =	vadd.f32 v4, v3;
	v4 =	vmul.f32 v5, v5  }
0x150: {  	v5 =	vld [tilespmem:s14+$0x10130]  }
0x151: {  	v6 =	vmul.f32 v6, v6;
	v8 =	vsub.f32 v10, v8;
	v10 =	vld [tilespmem:s14+$0x140];
	v3 =	vadd.f32 v4, v3  }
0x152: {  	v4 =	vld [tilespmem:s14+$0x10140]  }
0x153: {  	v3 =	vadd.f32 v6, v3;
	v6 =	vmul.f32 v8, v8;
	v7 =	vsub.f32 v9, v7;
	v8 =	vld [tilespmem:s14+$0x150]  }
0x154: {  	p0 =	por !p0, !p0;
	s15 =	simm.s32 $0x1;
	v9 =	vld [tilespmem:s14+$0x10150]  }
0x155: {  	s15 =	simm.s32 @!p0 $0x0;
	v3 =	vadd.f32 v6, v3;
	v6 =	vmul.f32 v7, v7;
	v5 =	vsub.f32 v11, v5;
	v7 =	vld [tilespmem:s14+$0x160]  }
0x156: {  	s15 =	sshll.u32 s15, $0x9;
	v11 =	vld [tilespmem:s14+$0x10160]  }
0x157: {  	s15 =	sadd.s32 s15, s13;
	v3 =	vadd.f32 v6, v3;
	v5 =	vmul.f32 v5, v5;
	v4 =	vsub.f32 v10, v4;
	v6 =	vld [tilespmem:s14+$0x170]  }
0x158: {  	s16 =	sor.u32 $0x400, s15;
	v10 =	vld [tilespmem:s14+$0x10170]  }
0x159: {  	v3 =	vadd.f32 v5, v3;
	v4 =	vmul.f32 v4, v4;
	v5 =	vsub.f32 v8, v9;
	v8 =	vld [tilespmem:s16+$0x100]  }
0x15a: {  	v9 =	vld [tilespmem:s16+$0x10100];
	s16 =	sor.u32 $0x410, s15  }
0x15b: {  	v3 =	vadd.f32 v4, v3;
	v4 =	vmul.f32 v5, v5;
	v5 =	vsub.f32 v7, v11;
	v7 =	vld [tilespmem:s16+$0x100]  }
0x15c: {  	v11 =	vld [tilespmem:s16+$0x10100];
	s16 =	sor.u32 $0x420, s15  }
0x15d: {  	v3 =	vadd.f32 v4, v3;
	v4 =	vmul.f32 v5, v5;
	v5 =	vsub.f32 v6, v10;
	v6 =	vld [tilespmem:s16+$0x100]  }
0x15e: {  	v10 =	vld [tilespmem:s16+$0x10100];
	s16 =	sor.u32 $0x430, s15  }
0x15f: {  	v3 =	vadd.f32 v4, v3;
	v4 =	vmul.f32 v5, v5;
	v5 =	vsub.f32 v8, v9;
	v8 =	vld [tilespmem:s16+$0x100]  }
0x160: {  	v9 =	vld [tilespmem:s16+$0x10100];
	s16 =	sor.u32 $0x440, s15  }
0x161: {  	v3 =	vadd.f32 v4, v3;
	v4 =	vmul.f32 v5, v5;
	v5 =	vsub.f32 v7, v11;
	v7 =	vld [tilespmem:s16+$0x100]  }
0x162: {  	v11 =	vld [tilespmem:s16+$0x10100];
	s16 =	sor.u32 $0x450, s15  }
0x163: {  	v3 =	vadd.f32 v4, v3;
	v4 =	vmul.f32 v5, v5;
	v5 =	vsub.f32 v6, v10;
	v6 =	vld [tilespmem:s16+$0x100]  }
0x164: {  	v10 =	vld [tilespmem:s16+$0x10100];
	s16 =	sor.u32 $0x460, s15  }
0x165: {  	v3 =	vadd.f32 v4, v3;
	v4 =	vmul.f32 v5, v5;
	v5 =	vsub.f32 v8, v9;
	v8 =	vld [tilespmem:s16+$0x100]  }
0x166: {  	v9 =	vld [tilespmem:s16+$0x10100];
	s16 =	sor.u32 $0x470, s15  }
0x167: {  	v3 =	vadd.f32 v4, v3;
	v4 =	vmul.f32 v5, v5;
	v5 =	vsub.f32 v7, v11;
	v7 =	vld [tilespmem:s16+$0x100]  }
0x168: {  	v11 =	vld [tilespmem:s16+$0x10100]  }
0x169: {  	v3 =	vadd.f32 v4, v3;
	v4 =	vmul.f32 v5, v5;
	v5 =	vsub.f32 v6, v10;
	v6 =	vld [tilespmem:s14+$0x180]  }
0x16a: {  	v10 =	vld [tilespmem:s14+$0x10180]  }
0x16b: {  	v3 =	vadd.f32 v4, v3;
	v4 =	vmul.f32 v5, v5;
	v5 =	vsub.f32 v8, v9;
	v8 =	vld [tilespmem:s14+$0x190]  }
0x16c: {  	v9 =	vld [tilespmem:s14+$0x10190]  }
0x16d: {  	v3 =	vadd.f32 v4, v3;
	v4 =	vmul.f32 v5, v5;
	v5 =	vsub.f32 v7, v11;
	v7 =	vld [tilespmem:s14+$0x1A0]  }
0x16e: {  	v11 =	vld [tilespmem:s14+$0x101A0]  }
0x16f: {  	v3 =	vadd.f32 v4, v3;
	v4 =	vmul.f32 v5, v5;
	v5 =	vsub.f32 v6, v10;
	v6 =	vld [tilespmem:s14+$0x1B0]  }
0x170: {  	v10 =	vld [tilespmem:s14+$0x101B0]  }
0x171: {  	v3 =	vadd.f32 v4, v3;
	v4 =	vmul.f32 v5, v5;
	v5 =	vsub.f32 v8, v9;
	v8 =	vld [tilespmem:s14+$0x1C0]  }
0x172: {  	v9 =	vld [tilespmem:s14+$0x101C0]  }
0x173: {  	v3 =	vadd.f32 v4, v3;
	v4 =	vmul.f32 v5, v5;
	v5 =	vsub.f32 v7, v11;
	v7 =	vld [tilespmem:s14+$0x1D0]  }
0x174: {  	v11 =	vld [tilespmem:s14+$0x101D0]  }
0x175: {  	v3 =	vadd.f32 v4, v3;
	v4 =	vmul.f32 v5, v5;
	v5 =	vsub.f32 v6, v10;
	v6 =	vld [tilespmem:s14+$0x1E0]  }
0x176: {  	v10 =	vld [tilespmem:s14+$0x101E0]  }
0x177: {  	s16 =	sadd.s32 $0x80, s15;
	v3 =	vadd.f32 v4, v3;
	v4 =	vmul.f32 v5, v5;
	v5 =	vsub.f32 v8, v9;
	v8 =	vld [tilespmem:s14+$0x1F0]  }
0x178: {  	s17 =	sor.u32 $0x400, s16;
	v9 =	vld [tilespmem:s14+$0x101F0]  }
0x179: {  	v3 =	vadd.f32 v4, v3;
	v4 =	vmul.f32 v5, v5;
	v5 =	vsub.f32 v7, v11;
	v7 =	vld [tilespmem:s17+$0x100]  }
0x17a: {  	v11 =	vld [tilespmem:s17+$0x10100];
	s17 =	sor.u32 $0x410, s16  }
0x17b: {  	v3 =	vadd.f32 v4, v3;
	v4 =	vmul.f32 v5, v5;
	v5 =	vsub.f32 v6, v10;
	v6 =	vld [tilespmem:s17+$0x100]  }
0x17c: {  	v10 =	vld [tilespmem:s17+$0x10100];
	s17 =	sor.u32 $0x420, s16  }
0x17d: {  	v3 =	vadd.f32 v4, v3;
	v4 =	vmul.f32 v5, v5;
	v5 =	vsub.f32 v8, v9;
	v8 =	vld [tilespmem:s17+$0x100]  }
0x17e: {  	v9 =	vld [tilespmem:s17+$0x10100];
	s17 =	sor.u32 $0x430, s16  }
0x17f: {  	v3 =	vadd.f32 v4, v3;
	v4 =	vmul.f32 v5, v5;
	v5 =	vsub.f32 v7, v11;
	v7 =	vld [tilespmem:s17+$0x100]  }
0x180: {  	v11 =	vld [tilespmem:s17+$0x10100];
	s17 =	sor.u32 $0x440, s16  }
0x181: {  	v3 =	vadd.f32 v4, v3;
	v4 =	vmul.f32 v5, v5;
	v5 =	vsub.f32 v6, v10;
	v6 =	vld [tilespmem:s17+$0x100]  }
0x182: {  	v10 =	vld [tilespmem:s17+$0x10100];
	s17 =	sor.u32 $0x450, s16  }
0x183: {  	v3 =	vadd.f32 v4, v3;
	v4 =	vmul.f32 v5, v5;
	v5 =	vsub.f32 v8, v9;
	v8 =	vld [tilespmem:s17+$0x100]  }
0x184: {  	v9 =	vld [tilespmem:s17+$0x10100];
	s17 =	sor.u32 $0x460, s16  }
0x185: {  	v3 =	vadd.f32 v4, v3;
	v4 =	vmul.f32 v5, v5;
	v5 =	vsub.f32 v7, v11;
	v7 =	vld [tilespmem:s17+$0x100]  }
0x186: {  	s16 =	sor.u32 $0x470, s16;
	v11 =	vld [tilespmem:s17+$0x10100]  }
0x187: {  	v3 =	vadd.f32 v4, v3;
	v4 =	vmul.f32 v5, v5;
	v5 =	vsub.f32 v6, v10;
	v6 =	vld [tilespmem:s16+$0x100]  }
0x188: {  	v10 =	vld [tilespmem:s16+$0x10100]  }
0x189: {  	v3 =	vadd.f32 v4, v3;
	v4 =	vmul.f32 v5, v5;
	v5 =	vsub.f32 v8, v9;
	v8 =	vld [tilespmem:s14+$0x200]  }
0x18a: {  	v9 =	vld [tilespmem:s14+$0x10200]  }
0x18b: {  	v3 =	vadd.f32 v4, v3;
	v4 =	vmul.f32 v5, v5;
	v5 =	vsub.f32 v7, v11;
	v7 =	vld [tilespmem:s14+$0x210]  }
0x18c: {  	v11 =	vld [tilespmem:s14+$0x10210]  }
0x18d: {  	v3 =	vadd.f32 v4, v3;
	v4 =	vmul.f32 v5, v5;
	v5 =	vsub.f32 v6, v10;
	v6 =	vld [tilespmem:s14+$0x220]  }
0x18e: {  	v10 =	vld [tilespmem:s14+$0x10220]  }
0x18f: {  	v3 =	vadd.f32 v4, v3;
	v4 =	vmul.f32 v5, v5;
	v5 =	vsub.f32 v8, v9;
	v8 =	vld [tilespmem:s14+$0x230]  }
0x190: {  	v9 =	vld [tilespmem:s14+$0x10230]  }
0x191: {  	v3 =	vadd.f32 v4, v3;
	v4 =	vmul.f32 v5, v5;
	v5 =	vsub.f32 v7, v11;
	v7 =	vld [tilespmem:s14+$0x240]  }
0x192: {  	v11 =	vld [tilespmem:s14+$0x10240]  }
0x193: {  	v3 =	vadd.f32 v4, v3;
	v4 =	vmul.f32 v5, v5;
	v5 =	vsub.f32 v6, v10;
	v6 =	vld [tilespmem:s14+$0x250]  }
0x194: {  	v10 =	vld [tilespmem:s14+$0x10250]  }
0x195: {  	v3 =	vadd.f32 v4, v3;
	v4 =	vmul.f32 v5, v5;
	v5 =	vsub.f32 v8, v9;
	v8 =	vld [tilespmem:s14+$0x260]  }
0x196: {  	v9 =	vld [tilespmem:s14+$0x10260]  }
0x197: {  	s16 =	sadd.s32 $0x100, s15;
	v3 =	vadd.f32 v4, v3;
	v4 =	vmul.f32 v5, v5;
	v5 =	vsub.f32 v7, v11;
	v7 =	vld [tilespmem:s14+$0x270]  }
0x198: {  	s17 =	sor.u32 $0x400, s16;
	v11 =	vld [tilespmem:s14+$0x10270]  }
0x199: {  	v3 =	vadd.f32 v4, v3;
	v4 =	vmul.f32 v5, v5;
	v5 =	vsub.f32 v6, v10;
	v6 =	vld [tilespmem:s17+$0x100]  }
0x19a: {  	v10 =	vld [tilespmem:s17+$0x10100];
	s17 =	sor.u32 $0x410, s16  }
0x19b: {  	v3 =	vadd.f32 v4, v3;
	v4 =	vmul.f32 v5, v5;
	v5 =	vsub.f32 v8, v9;
	v8 =	vld [tilespmem:s17+$0x100]  }
0x19c: {  	v9 =	vld [tilespmem:s17+$0x10100];
	s17 =	sor.u32 $0x420, s16  }
0x19d: {  	v3 =	vadd.f32 v4, v3;
	v4 =	vmul.f32 v5, v5;
	v5 =	vsub.f32 v7, v11;
	v7 =	vld [tilespmem:s17+$0x100]  }
0x19e: {  	v11 =	vld [tilespmem:s17+$0x10100];
	s17 =	sor.u32 $0x430, s16  }
0x19f: {  	v3 =	vadd.f32 v4, v3;
	v4 =	vmul.f32 v5, v5;
	v5 =	vsub.f32 v6, v10;
	v6 =	vld [tilespmem:s17+$0x100]  }
0x1a0: {  	v10 =	vld [tilespmem:s17+$0x10100];
	s17 =	sor.u32 $0x440, s16  }
0x1a1: {  	v3 =	vadd.f32 v4, v3;
	v4 =	vmul.f32 v5, v5;
	v5 =	vsub.f32 v8, v9;
	v8 =	vld [tilespmem:s17+$0x100]  }
0x1a2: {  	v9 =	vld [tilespmem:s17+$0x10100];
	s17 =	sor.u32 $0x450, s16  }
0x1a3: {  	v3 =	vadd.f32 v4, v3;
	v4 =	vmul.f32 v5, v5;
	v5 =	vsub.f32 v7, v11;
	v7 =	vld [tilespmem:s17+$0x100]  }
0x1a4: {  	v11 =	vld [tilespmem:s17+$0x10100];
	s17 =	sor.u32 $0x460, s16  }
0x1a5: {  	v3 =	vadd.f32 v4, v3;
	v4 =	vmul.f32 v5, v5;
	v5 =	vsub.f32 v6, v10;
	v6 =	vld [tilespmem:s17+$0x100]  }
0x1a6: {  	s16 =	sor.u32 $0x470, s16;
	v10 =	vld [tilespmem:s17+$0x10100]  }
0x1a7: {  	v3 =	vadd.f32 v4, v3;
	v4 =	vmul.f32 v5, v5;
	v5 =	vsub.f32 v8, v9;
	v8 =	vld [tilespmem:s16+$0x100]  }
0x1a8: {  	v9 =	vld [tilespmem:s16+$0x10100]  }
0x1a9: {  	v3 =	vadd.f32 v4, v3;
	v4 =	vmul.f32 v5, v5;
	v5 =	vsub.f32 v7, v11;
	v7 =	vld [tilespmem:s14+$0x280]  }
0x1aa: {  	v11 =	vld [tilespmem:s14+$0x10280]  }
0x1ab: {  	v3 =	vadd.f32 v4, v3;
	v4 =	vmul.f32 v5, v5;
	v5 =	vsub.f32 v6, v10;
	v6 =	vld [tilespmem:s14+$0x290]  }
0x1ac: {  	v10 =	vld [tilespmem:s14+$0x10290]  }
0x1ad: {  	v3 =	vadd.f32 v4, v3;
	v4 =	vmul.f32 v5, v5;
	v5 =	vsub.f32 v8, v9;
	v8 =	vld [tilespmem:s14+$0x2A0]  }
0x1ae: {  	v9 =	vld [tilespmem:s14+$0x102A0]  }
0x1af: {  	v3 =	vadd.f32 v4, v3;
	v4 =	vmul.f32 v5, v5;
	v5 =	vsub.f32 v7, v11;
	v7 =	vld [tilespmem:s14+$0x2B0]  }
0x1b0: {  	v11 =	vld [tilespmem:s14+$0x102B0]  }
0x1b1: {  	v3 =	vadd.f32 v4, v3;
	v4 =	vmul.f32 v5, v5;
	v5 =	vsub.f32 v6, v10;
	v6 =	vld [tilespmem:s14+$0x2C0]  }
0x1b2: {  	v10 =	vld [tilespmem:s14+$0x102C0]  }
0x1b3: {  	v3 =	vadd.f32 v4, v3;
	v4 =	vmul.f32 v5, v5;
	v5 =	vsub.f32 v8, v9;
	v8 =	vld [tilespmem:s14+$0x2D0]  }
0x1b4: {  	v9 =	vld [tilespmem:s14+$0x102D0]  }
0x1b5: {  	v3 =	vadd.f32 v4, v3;
	v4 =	vmul.f32 v5, v5;
	v5 =	vsub.f32 v7, v11;
	v7 =	vld [tilespmem:s14+$0x2E0]  }
0x1b6: {  	v11 =	vld [tilespmem:s14+$0x102E0]  }
0x1b7: {  	s15 =	sadd.s32 $0x180, s15;
	v3 =	vadd.f32 v4, v3;
	v4 =	vmul.f32 v5, v5;
	v5 =	vsub.f32 v6, v10;
	v6 =	vld [tilespmem:s14+$0x2F0]  }
0x1b8: {  	v10 =	vld [tilespmem:s14+$0x102F0];
	s14 =	sor.u32 $0x400, s15  }
0x1b9: {  	v3 =	vadd.f32 v4, v3;
	v4 =	vmul.f32 v5, v5;
	v5 =	vsub.f32 v8, v9;
	v8 =	vld [tilespmem:s14+$0x100]  }
0x1ba: {  	v9 =	vld [tilespmem:s14+$0x10100];
	s14 =	sor.u32 $0x410, s15  }
0x1bb: {  	v3 =	vadd.f32 v4, v3;
	v4 =	vmul.f32 v5, v5;
	v5 =	vsub.f32 v7, v11;
	v7 =	vld [tilespmem:s14+$0x100]  }
0x1bc: {  	v11 =	vld [tilespmem:s14+$0x10100];
	s14 =	sor.u32 $0x420, s15  }
0x1bd: {  	v3 =	vadd.f32 v4, v3;
	v4 =	vmul.f32 v5, v5;
	v5 =	vsub.f32 v6, v10;
	v6 =	vld [tilespmem:s14+$0x100]  }
0x1be: {  	v10 =	vld [tilespmem:s14+$0x10100];
	s14 =	sor.u32 $0x430, s15  }
0x1bf: {  	v3 =	vadd.f32 v4, v3;
	v4 =	vmul.f32 v5, v5;
	v5 =	vsub.f32 v8, v9;
	v8 =	vld [tilespmem:s14+$0x100]  }
0x1c0: {  	v12 =	vld [tilespmem:s14+$0x10100];
	s14 =	sor.u32 $0x440, s15  }
0x1c1: {  	v3 =	vadd.f32 v4, v3;
	v5 =	vmul.f32 v5, v5;
	v9 =	vsub.f32 v7, v11;
	v4 =	vld [tilespmem:s14+$0x100]  }
.Ltmp0:
0x1c2: {  	v7 =	vld [tilespmem:s14+$0x10100];
	s14 =	sor.u32 $0x450, s15;
	(pc) =	sbr.rel @p1 .LBB2_2-.Ltmp0, $4  }
0x1c3: {  	v5 =	vadd.f32 v5, v3;
	v9 =	vmul.f32 v9, v9;
	v10 =	vsub.f32 v6, v10;
	v3 =	vld [tilespmem:s14+$0x100]  }
0x1c4: {  	v6 =	vld [tilespmem:s14+$0x10100];
	s14 =	sor.u32 $0x460, s15  }
0x1c5: {  	v9 =	vadd.f32 v9, v5;
	v10 =	vmul.f32 v10, v10;
	v11 =	vsub.f32 v8, v12;
	v5 =	vld [tilespmem:s14+$0x100]  }
0x1c6: {  	s0 =	sadd.s32 $0x200, s0;
	s13 =	sadd.s32 $0x400, s13;
	s15 =	sor.u32 $0x470, s15;
	v8 =	vld [tilespmem:s14+$0x10100]  }
0x1c7: {  	v12 =	vld [tilespmem:s15+$0x100]  }
0x1c8: {  	v13 =	vld [tilespmem:s15+$0x10100];
	_ =	swait.ge [sflag:s28], $0x8000  }
0x1c9: {  	[sflag:s28] =	ssyncset.done $0x0  }
0x1ca: {  	s0 =	simm.s32 $0x0;
	[sflag:s28] =	ssyncadd.s32 $0xFFFF8000  }
0x1cb: {  	[hbm4b:s7+s0] =	stream.linear.scatter [tilespmem:s29], [sflag:$0x2], $0x8000, $0x38;
	[tilespmem:$0x18180] =	vst v63  }
0x1cc: {  	_ = 	snop  }
0x1cd: {  	[tilespmem:s25], [sflag:$0x3] =	stream.linear.gather [hbm4b:s8+s0], $0x8000, $0x38;
	[tilespmem:$0x18180] =	vst v63  }
0x1ce: {  	_ =	swait.ge [sflag:s26], $0x8000  }
0x1cf: {  	v9 =	vadd.f32 v10, v9;
	v10 =	vmul.f32 v11, v11;
	v4 =	vsub.f32 v4, v7;
	s2 =	sand.u32 $0x7800, s0;
	s0 =	sand.u32 $0x200, s0;
	[sflag:s26] =	ssyncset.done $0x0  }
0x1d0: {  	s0 =	sor.u32 s0, s2;
	[sflag:s26] =	ssyncadd.s32 $0xFFFF8000  }
0x1d1: {  	v9 =	vadd.f32 v10, v9;
	v4 =	vmul.f32 v4, v4;
	v3 =	vsub.f32 v3, v6;
	v7 =	vld [tilespmem:s0+$0x8100]  }
0x1d2: {  	v6 =	vld [tilespmem:s0+$0x10100]  }
0x1d3: {  	v4 =	vadd.f32 v4, v9;
	v3 =	vmul.f32 v3, v3;
	v5 =	vsub.f32 v5, v8;
	v10 =	vld [tilespmem:s0+$0x8110]  }
0x1d4: {  	v8 =	vld [tilespmem:s0+$0x10110]  }
0x1d5: {  	v3 =	vadd.f32 v3, v4;
	v4 =	vmul.f32 v5, v5;
	v5 =	vsub.f32 v12, v13;
	v9 =	vld [tilespmem:s0+$0x8120]  }
0x1d6: {  	v11 =	vld [tilespmem:s0+$0x10120]  }
0x1d7: {  	v3 =	vadd.f32 v4, v3;
	v4 =	vmul.f32 v5, v5;
	v48 =	vld [tilespmem:s0+$0x8130];
	v5 =	vsub.f32 v7, v6  }
0x1d8: {  	v6 =	vld [tilespmem:s0+$0x10130]  }
0x1d9: {  	v3 =	vadd.f32 v4, v3;
	v7 =	vld [tilespmem:s0+$0x8140];
	v4 =	vmul.f32 v5, v5;
	v5 =	vsub.f32 v10, v8  }
0x1da: {  	v8 =	vld [tilespmem:s0+$0x10140]  }
0x1db: {  	v10 =	vld [tilespmem:s0+$0x8150];
	v3 =	vadd.f32 v4, v3;
	v4 =	vmul.f32 v5, v5;
	v5 =	vsub.f32 v9, v11  }
0x1dc: {  	p0 =	por $0x0, $0x0;
	s2 =	simm.s32 $0x1;
	v9 =	vld [tilespmem:s0+$0x10150]  }
0x1dd: {  	s2 =	simm.s32 @!p0 $0x0;
	v11 =	vld [tilespmem:s0+$0x8160];
	v3 =	vadd.f32 v4, v3;
	v4 =	vmul.f32 v5, v5;
	v5 =	vsub.f32 v48, v6  }
0x1de: {  	s2 =	sshll.u32 s2, $0x9;
	v6 =	vld [tilespmem:s0+$0x10160]  }
0x1df: {  	s2 =	sadd.s32 $0x0, s2;
	v49 =	vld [tilespmem:s0+$0x8170];
	v3 =	vadd.f32 v4, v3;
	v4 =	vmul.f32 v5, v5;
	v5 =	vsub.f32 v7, v8  }
0x1e0: {  	s13 =	sor.u32 $0x400, s2;
	v7 =	vld [tilespmem:s0+$0x10170]  }
0x1e1: {  	v8 =	vld [tilespmem:s13+$0x8100];
	v3 =	vadd.f32 v4, v3;
	v4 =	vmul.f32 v5, v5;
	v5 =	vsub.f32 v10, v9  }
0x1e2: {  	s16 =	sor.u32 $0x410, s2;
	v9 =	vld [tilespmem:s13+$0x10100]  }
0x1e3: {  	v10 =	vld [tilespmem:s16+$0x8100];
	v3 =	vadd.f32 v4, v3;
	v4 =	vmul.f32 v5, v5;
	v5 =	vsub.f32 v11, v6  }
0x1e4: {  	s17 =	sor.u32 $0x420, s2;
	v6 =	vld [tilespmem:s16+$0x10100]  }
0x1e5: {  	v11 =	vld [tilespmem:s17+$0x8100];
	v3 =	vadd.f32 v4, v3;
	v4 =	vmul.f32 v5, v5;
	v5 =	vsub.f32 v49, v7  }
0x1e6: {  	s14 =	sor.u32 $0x430, s2;
	v7 =	vld [tilespmem:s17+$0x10100]  }
0x1e7: {  	v50 =	vld [tilespmem:s14+$0x8100];
	v3 =	vadd.f32 v4, v3;
	v4 =	vmul.f32 v5, v5;
	v5 =	vsub.f32 v8, v9  }
0x1e8: {  	s15 =	sor.u32 $0x440, s2;
	v8 =	vld [tilespmem:s14+$0x10100]  }
0x1e9: {  	v9 =	vld [tilespmem:s15+$0x8100];
	v3 =	vadd.f32 v4, v3;
	v4 =	vmul.f32 v5, v5;
	v5 =	vsub.f32 v10, v6  }
0x1ea: {  	s16 =	sor.u32 $0x450, s2;
	v6 =	vld [tilespmem:s15+$0x10100]  }
0x1eb: {  	v10 =	vld [tilespmem:s16+$0x8100];
	v3 =	vadd.f32 v4, v3;
	v4 =	vmul.f32 v5, v5;
	v5 =	vsub.f32 v11, v7  }
0x1ec: {  	s17 =	sor.u32 $0x460, s2;
	v7 =	vld [tilespmem:s16+$0x10100]  }
0x1ed: {  	v11 =	vld [tilespmem:s17+$0x8100];
	v3 =	vadd.f32 v4, v3;
	v4 =	vmul.f32 v5, v5;
	v5 =	vsub.f32 v50, v8  }
0x1ee: {  	s14 =	sor.u32 $0x470, s2;
	v8 =	vld [tilespmem:s17+$0x10100]  }
0x1ef: {  	v51 =	vld [tilespmem:s14+$0x8100];
	v3 =	vadd.f32 v4, v3;
	v4 =	vmul.f32 v5, v5;
	v5 =	vsub.f32 v9, v6  }
0x1f0: {  	v6 =	vld [tilespmem:s14+$0x10100]  }
0x1f1: {  	v9 =	vld [tilespmem:s0+$0x8180];
	v3 =	vadd.f32 v4, v3;
	v4 =	vmul.f32 v5, v5;
	v5 =	vsub.f32 v10, v7  }
0x1f2: {  	v7 =	vld [tilespmem:s0+$0x10180]  }
0x1f3: {  	v10 =	vld [tilespmem:s0+$0x8190];
	v3 =	vadd.f32 v4, v3;
	v4 =	vmul.f32 v5, v5;
	v5 =	vsub.f32 v11, v8  }
0x1f4: {  	v8 =	vld [tilespmem:s0+$0x10190]  }
0x1f5: {  	v11 =	vld [tilespmem:s0+$0x81A0];
	v3 =	vadd.f32 v4, v3;
	v4 =	vmul.f32 v5, v5;
	v5 =	vsub.f32 v51, v6  }
0x1f6: {  	v6 =	vld [tilespmem:s0+$0x101A0]  }
0x1f7: {  	v52 =	vld [tilespmem:s0+$0x81B0];
	v3 =	vadd.f32 v4, v3;
	v4 =	vmul.f32 v5, v5;
	v5 =	vsub.f32 v9, v7  }
0x1f8: {  	v7 =	vld [tilespmem:s0+$0x101B0]  }
0x1f9: {  	v9 =	vld [tilespmem:s0+$0x81C0];
	v3 =	vadd.f32 v4, v3;
	v4 =	vmul.f32 v5, v5;
	v5 =	vsub.f32 v10, v8  }
0x1fa: {  	v8 =	vld [tilespmem:s0+$0x101C0]  }
0x1fb: {  	v10 =	vld [tilespmem:s0+$0x81D0];
	v3 =	vadd.f32 v4, v3;
	v4 =	vmul.f32 v5, v5;
	v5 =	vsub.f32 v11, v6  }
0x1fc: {  	v6 =	vld [tilespmem:s0+$0x101D0]  }
0x1fd: {  	v11 =	vld [tilespmem:s0+$0x81E0];
	v3 =	vadd.f32 v4, v3;
	v4 =	vmul.f32 v5, v5;
	v5 =	vsub.f32 v52, v7  }
0x1fe: {  	v7 =	vld [tilespmem:s0+$0x101E0]  }
0x1ff: {  	v53 =	vld [tilespmem:s0+$0x81F0];
	s13 =	sadd.s32 $0x80, s2;
	v3 =	vadd.f32 v4, v3;
	v4 =	vmul.f32 v5, v5;
	v5 =	vsub.f32 v9, v8  }
0x200: {  	s14 =	sor.u32 $0x400, s13;
	v8 =	vld [tilespmem:s0+$0x101F0]  }
0x201: {  	v9 =	vld [tilespmem:s14+$0x8100];
	v3 =	vadd.f32 v4, v3;
	v4 =	vmul.f32 v5, v5;
	v5 =	vsub.f32 v10, v6  }
0x202: {  	s15 =	sor.u32 $0x410, s13;
	v6 =	vld [tilespmem:s14+$0x10100]  }
0x203: {  	v10 =	vld [tilespmem:s15+$0x8100];
	v3 =	vadd.f32 v4, v3;
	v4 =	vmul.f32 v5, v5;
	v5 =	vsub.f32 v11, v7  }
0x204: {  	s16 =	sor.u32 $0x420, s13;
	v7 =	vld [tilespmem:s15+$0x10100]  }
0x205: {  	v11 =	vld [tilespmem:s16+$0x8100];
	v3 =	vadd.f32 v4, v3;
	v4 =	vmul.f32 v5, v5;
	v5 =	vsub.f32 v53, v8  }
0x206: {  	s17 =	sor.u32 $0x430, s13;
	v8 =	vld [tilespmem:s16+$0x10100]  }
0x207: {  	v54 =	vld [tilespmem:s17+$0x8100];
	v3 =	vadd.f32 v4, v3;
	v4 =	vmul.f32 v5, v5;
	v5 =	vsub.f32 v9, v6  }
0x208: {  	s15 =	sor.u32 $0x440, s13;
	v6 =	vld [tilespmem:s17+$0x10100]  }
0x209: {  	v9 =	vld [tilespmem:s15+$0x8100];
	v3 =	vadd.f32 v4, v3;
	v4 =	vmul.f32 v5, v5;
	v5 =	vsub.f32 v10, v7  }
0x20a: {  	s16 =	sor.u32 $0x450, s13;
	v7 =	vld [tilespmem:s15+$0x10100]  }
0x20b: {  	v10 =	vld [tilespmem:s16+$0x8100];
	v3 =	vadd.f32 v4, v3;
	v4 =	vmul.f32 v5, v5;
	v5 =	vsub.f32 v11, v8  }
0x20c: {  	s17 =	sor.u32 $0x460, s13;
	v8 =	vld [tilespmem:s16+$0x10100]  }
0x20d: {  	v11 =	vld [tilespmem:s17+$0x8100];
	v3 =	vadd.f32 v4, v3;
	v4 =	vmul.f32 v5, v5;
	v5 =	vsub.f32 v54, v6  }
0x20e: {  	s13 =	sor.u32 $0x470, s13;
	v6 =	vld [tilespmem:s17+$0x10100]  }
0x20f: {  	v55 =	vld [tilespmem:s13+$0x8100];
	v3 =	vadd.f32 v4, v3;
	v4 =	vmul.f32 v5, v5;
	v5 =	vsub.f32 v9, v7  }
0x210: {  	v7 =	vld [tilespmem:s13+$0x10100]  }
0x211: {  	v9 =	vld [tilespmem:s0+$0x8200];
	v3 =	vadd.f32 v4, v3;
	v4 =	vmul.f32 v5, v5;
	v5 =	vsub.f32 v10, v8  }
0x212: {  	v8 =	vld [tilespmem:s0+$0x10200]  }
0x213: {  	v10 =	vld [tilespmem:s0+$0x8210];
	v3 =	vadd.f32 v4, v3;
	v4 =	vmul.f32 v5, v5;
	v5 =	vsub.f32 v11, v6  }
0x214: {  	v6 =	vld [tilespmem:s0+$0x10210]  }
0x215: {  	v11 =	vld [tilespmem:s0+$0x8220];
	v3 =	vadd.f32 v4, v3;
	v4 =	vmul.f32 v5, v5;
	v5 =	vsub.f32 v55, v7  }
0x216: {  	v7 =	vld [tilespmem:s0+$0x10220]  }
0x217: {  	v56 =	vld [tilespmem:s0+$0x8230];
	v3 =	vadd.f32 v4, v3;
	v4 =	vmul.f32 v5, v5;
	v5 =	vsub.f32 v9, v8  }
0x218: {  	v8 =	vld [tilespmem:s0+$0x10230]  }
0x219: {  	v9 =	vld [tilespmem:s0+$0x8240];
	v3 =	vadd.f32 v4, v3;
	v4 =	vmul.f32 v5, v5;
	v5 =	vsub.f32 v10, v6  }
0x21a: {  	v6 =	vld [tilespmem:s0+$0x10240]  }
0x21b: {  	v10 =	vld [tilespmem:s0+$0x8250];
	v3 =	vadd.f32 v4, v3;
	v4 =	vmul.f32 v5, v5;
	v5 =	vsub.f32 v11, v7  }
0x21c: {  	v7 =	vld [tilespmem:s0+$0x10250]  }
0x21d: {  	v11 =	vld [tilespmem:s0+$0x8260];
	v3 =	vadd.f32 v4, v3;
	v4 =	vmul.f32 v5, v5;
	v5 =	vsub.f32 v56, v8  }
0x21e: {  	v8 =	vld [tilespmem:s0+$0x10260]  }
0x21f: {  	v57 =	vld [tilespmem:s0+$0x8270];
	s13 =	sadd.s32 $0x100, s2;
	v3 =	vadd.f32 v4, v3;
	v4 =	vmul.f32 v5, v5;
	v5 =	vsub.f32 v9, v6  }
0x220: {  	s15 =	sor.u32 $0x400, s13;
	v6 =	vld [tilespmem:s0+$0x10270]  }
0x221: {  	v9 =	vld [tilespmem:s15+$0x8100];
	v3 =	vadd.f32 v4, v3;
	v4 =	vmul.f32 v5, v5;
	v5 =	vsub.f32 v10, v7  }
0x222: {  	s16 =	sor.u32 $0x410, s13;
	v7 =	vld [tilespmem:s15+$0x10100]  }
0x223: {  	v10 =	vld [tilespmem:s16+$0x8100];
	v3 =	vadd.f32 v4, v3;
	v4 =	vmul.f32 v5, v5;
	v5 =	vsub.f32 v11, v8  }
0x224: {  	s17 =	sor.u32 $0x420, s13;
	v8 =	vld [tilespmem:s16+$0x10100]  }
0x225: {  	v11 =	vld [tilespmem:s17+$0x8100];
	v3 =	vadd.f32 v4, v3;
	v4 =	vmul.f32 v5, v5;
	v5 =	vsub.f32 v57, v6  }
0x226: {  	s15 =	sor.u32 $0x430, s13;
	v6 =	vld [tilespmem:s17+$0x10100]  }
0x227: {  	v58 =	vld [tilespmem:s15+$0x8100];
	v3 =	vadd.f32 v4, v3;
	v4 =	vmul.f32 v5, v5;
	v5 =	vsub.f32 v9, v7  }
0x228: {  	s16 =	sor.u32 $0x440, s13;
	v7 =	vld [tilespmem:s15+$0x10100]  }
0x229: {  	v9 =	vld [tilespmem:s16+$0x8100];
	v3 =	vadd.f32 v4, v3;
	v4 =	vmul.f32 v5, v5;
	v5 =	vsub.f32 v10, v8  }
0x22a: {  	s17 =	sor.u32 $0x450, s13;
	v8 =	vld [tilespmem:s16+$0x10100]  }
0x22b: {  	v10 =	vld [tilespmem:s17+$0x8100];
	v3 =	vadd.f32 v4, v3;
	v4 =	vmul.f32 v5, v5;
	v5 =	vsub.f32 v11, v6  }
0x22c: {  	s15 =	sor.u32 $0x460, s13;
	v6 =	vld [tilespmem:s17+$0x10100]  }
0x22d: {  	v11 =	vld [tilespmem:s15+$0x8100];
	v3 =	vadd.f32 v4, v3;
	v4 =	vmul.f32 v5, v5;
	v5 =	vsub.f32 v58, v7  }
0x22e: {  	s13 =	sor.u32 $0x470, s13;
	v7 =	vld [tilespmem:s15+$0x10100]  }
0x22f: {  	v59 =	vld [tilespmem:s13+$0x8100];
	v3 =	vadd.f32 v4, v3;
	v4 =	vmul.f32 v5, v5;
	v5 =	vsub.f32 v9, v8  }
0x230: {  	v8 =	vld [tilespmem:s13+$0x10100]  }
0x231: {  	v9 =	vld [tilespmem:s0+$0x8280];
	v3 =	vadd.f32 v4, v3;
	v4 =	vmul.f32 v5, v5;
	v5 =	vsub.f32 v10, v6  }
0x232: {  	v6 =	vld [tilespmem:s0+$0x10280]  }
0x233: {  	v10 =	vld [tilespmem:s0+$0x8290];
	v3 =	vadd.f32 v4, v3;
	v4 =	vmul.f32 v5, v5;
	v5 =	vsub.f32 v11, v7  }
0x234: {  	v7 =	vld [tilespmem:s0+$0x10290]  }
0x235: {  	v11 =	vld [tilespmem:s0+$0x82A0];
	v3 =	vadd.f32 v4, v3;
	v4 =	vmul.f32 v5, v5;
	v5 =	vsub.f32 v59, v8  }
0x236: {  	v8 =	vld [tilespmem:s0+$0x102A0]  }
0x237: {  	v60 =	vld [tilespmem:s0+$0x82B0];
	v3 =	vadd.f32 v4, v3;
	v4 =	vmul.f32 v5, v5;
	v5 =	vsub.f32 v9, v6  }
0x238: {  	v6 =	vld [tilespmem:s0+$0x102B0]  }
0x239: {  	v9 =	vld [tilespmem:s0+$0x82C0];
	v3 =	vadd.f32 v4, v3;
	v4 =	vmul.f32 v5, v5;
	v5 =	vsub.f32 v10, v7  }
0x23a: {  	v7 =	vld [tilespmem:s0+$0x102C0]  }
0x23b: {  	v10 =	vld [tilespmem:s0+$0x82D0];
	v3 =	vadd.f32 v4, v3;
	v4 =	vmul.f32 v5, v5;
	v5 =	vsub.f32 v11, v8  }
0x23c: {  	v8 =	vld [tilespmem:s0+$0x102D0]  }
0x23d: {  	v11 =	vld [tilespmem:s0+$0x82E0];
	v3 =	vadd.f32 v4, v3;
	v4 =	vmul.f32 v5, v5;
	v5 =	vsub.f32 v60, v6  }
0x23e: {  	v6 =	vld [tilespmem:s0+$0x102E0]  }
0x23f: {  	v61 =	vld [tilespmem:s0+$0x82F0];
	s13 =	sadd.s32 $0x180, s2;
	v3 =	vadd.f32 v4, v3;
	v4 =	vmul.f32 v5, v5;
	v5 =	vsub.f32 v9, v7  }
0x240: {  	s16 =	sor.u32 $0x400, s13;
	v7 =	vld [tilespmem:s0+$0x102F0]  }
0x241: {  	v9 =	vld [tilespmem:s16+$0x8100];
	v3 =	vadd.f32 v4, v3;
	v4 =	vmul.f32 v5, v5;
	v5 =	vsub.f32 v10, v8  }
0x242: {  	s17 =	sor.u32 $0x410, s13;
	v8 =	vld [tilespmem:s16+$0x10100]  }
0x243: {  	v10 =	vld [tilespmem:s17+$0x8100];
	v3 =	vadd.f32 v4, v3;
	v4 =	vmul.f32 v5, v5;
	v5 =	vsub.f32 v11, v6  }
0x244: {  	s2 =	sor.u32 $0x420, s13;
	v6 =	vld [tilespmem:s17+$0x10100]  }
0x245: {  	v62 =	vld [tilespmem:s2+$0x10100];
	v3 =	vadd.f32 v4, v3;
	v4 =	vmul.f32 v5, v5;
	v5 =	vsub.f32 v61, v7  }
0x246: {  	s14 =	sor.u32 $0x430, s13;
	v11 =	vld [tilespmem:s2+$0x8100]  }
0x247: {  	v63 =	vld [tilespmem:s14+$0x8100];
	v7 =	vsub.f32 v9, v8;
	v3 =	vadd.f32 v4, v3;
	v5 =	vmul.f32 v5, v5  }
0x248: {  	s15 =	sor.u32 $0x440, s13;
	v8 =	vld [tilespmem:s14+$0x10100]  }
0x249: {  	v4 =	vld [tilespmem:s15+$0x8100];
	v9 =	vmul.f32 v7, v7;
	v6 =	vsub.f32 v10, v6;
	v5 =	vadd.f32 v5, v3  }
0x24a: {  	s16 =	sor.u32 $0x450, s13;
	v7 =	vld [tilespmem:s15+$0x10100]  }
0x24b: {  	v11 =	vsub.f32 v11, v62;
	v3 =	vld [tilespmem:s16+$0x8100];
	v10 =	vmul.f32 v6, v6;
	v9 =	vadd.f32 v9, v5  }
0x24c: {  	s17 =	sor.u32 $0x460, s13;
	v6 =	vld [tilespmem:s16+$0x10100]  }
0x24d: {  	s0 =	simm.s32 $0x200;
	v5 =	vld [tilespmem:s17+$0x8100];
	v9 =	vadd.f32 v10, v9;
	v10 =	vmul.f32 v11, v11;
	v11 =	vsub.f32 v63, v8  }
0x24e: {  	s2 =	simm.s32 $0x0;
	s15 =	sor.u32 $0x470, s13;
	s13 =	simm.s32 $0x400;
	v8 =	vld [tilespmem:s17+$0x10100]  }
.LBB2_4:
0x24f: {  	s14 =	sand.u32 $0x7800, s13;
	s16 =	sand.u32 $0x200, s0;
	v9 =	vadd.f32 v10, v9;
	v10 =	vmul.f32 v11, v11;
	v4 =	vsub.f32 v4, v7;
	v7 =	vld [tilespmem:s15+$0x8100]  }
0x250: {  	s2 =	sadd.s32 $0x4, s2;
	s14 =	sor.u32 s16, s14;
	v11 =	vld [tilespmem:s15+$0x10100]  }
0x251: {  	p1 =	slt.u32 s2, $0x7C;
	v12 =	vld [tilespmem:s14+$0x8100];
	v9 =	vadd.f32 v10, v9;
	v4 =	vmul.f32 v4, v4;
	v3 =	vsub.f32 v3, v6  }
0x252: {  	v6 =	vld [tilespmem:s14+$0x10100]  }
0x253: {  	v10 =	vld [tilespmem:s14+$0x8110];
	v4 =	vadd.f32 v4, v9;
	v3 =	vmul.f32 v3, v3;
	v5 =	vsub.f32 v5, v8  }
0x254: {  	v8 =	vld [tilespmem:s14+$0x10110]  }
0x255: {  	v9 =	vld [tilespmem:s14+$0x8120];
	v3 =	vadd.f32 v3, v4;
	v4 =	vmul.f32 v5, v5;
	v5 =	vsub.f32 v7, v11  }
0x256: {  	v7 =	vld [tilespmem:s14+$0x10120]  }
0x257: {  	v6 =	vsub.f32 v12, v6;
	v11 =	vld [tilespmem:s14+$0x8130];
	v3 =	vadd.f32 v4, v3;
	v4 =	vmul.f32 v5, v5  }
0x258: {  	v5 =	vld [tilespmem:s14+$0x10130]  }
0x259: {  	v6 =	vmul.f32 v6, v6;
	v8 =	vsub.f32 v10, v8;
	v10 =	vld [tilespmem:s14+$0x8140];
	v3 =	vadd.f32 v4, v3  }
0x25a: {  	v4 =	vld [tilespmem:s14+$0x10140]  }
0x25b: {  	v3 =	vadd.f32 v6, v3;
	v6 =	vmul.f32 v8, v8;
	v7 =	vsub.f32 v9, v7;
	v8 =	vld [tilespmem:s14+$0x8150]  }
0x25c: {  	p0 =	por !p0, !p0;
	s15 =	simm.s32 $0x1;
	v9 =	vld [tilespmem:s14+$0x10150]  }
0x25d: {  	s15 =	simm.s32 @!p0 $0x0;
	v3 =	vadd.f32 v6, v3;
	v6 =	vmul.f32 v7, v7;
	v5 =	vsub.f32 v11, v5;
	v7 =	vld [tilespmem:s14+$0x8160]  }
0x25e: {  	s15 =	sshll.u32 s15, $0x9;
	v11 =	vld [tilespmem:s14+$0x10160]  }
0x25f: {  	s15 =	sadd.s32 s15, s13;
	v3 =	vadd.f32 v6, v3;
	v5 =	vmul.f32 v5, v5;
	v4 =	vsub.f32 v10, v4;
	v6 =	vld [tilespmem:s14+$0x8170]  }
0x260: {  	s16 =	sor.u32 $0x400, s15;
	v10 =	vld [tilespmem:s14+$0x10170]  }
0x261: {  	v3 =	vadd.f32 v5, v3;
	v4 =	vmul.f32 v4, v4;
	v5 =	vsub.f32 v8, v9;
	v8 =	vld [tilespmem:s16+$0x8100]  }
0x262: {  	v9 =	vld [tilespmem:s16+$0x10100];
	s16 =	sor.u32 $0x410, s15  }
0x263: {  	v3 =	vadd.f32 v4, v3;
	v4 =	vmul.f32 v5, v5;
	v5 =	vsub.f32 v7, v11;
	v7 =	vld [tilespmem:s16+$0x8100]  }
0x264: {  	v11 =	vld [tilespmem:s16+$0x10100];
	s16 =	sor.u32 $0x420, s15  }
0x265: {  	v3 =	vadd.f32 v4, v3;
	v4 =	vmul.f32 v5, v5;
	v5 =	vsub.f32 v6, v10;
	v6 =	vld [tilespmem:s16+$0x8100]  }
0x266: {  	v10 =	vld [tilespmem:s16+$0x10100];
	s16 =	sor.u32 $0x430, s15  }
0x267: {  	v3 =	vadd.f32 v4, v3;
	v4 =	vmul.f32 v5, v5;
	v5 =	vsub.f32 v8, v9;
	v8 =	vld [tilespmem:s16+$0x8100]  }
0x268: {  	v9 =	vld [tilespmem:s16+$0x10100];
	s16 =	sor.u32 $0x440, s15  }
0x269: {  	v3 =	vadd.f32 v4, v3;
	v4 =	vmul.f32 v5, v5;
	v5 =	vsub.f32 v7, v11;
	v7 =	vld [tilespmem:s16+$0x8100]  }
0x26a: {  	v11 =	vld [tilespmem:s16+$0x10100];
	s16 =	sor.u32 $0x450, s15  }
0x26b: {  	v3 =	vadd.f32 v4, v3;
	v4 =	vmul.f32 v5, v5;
	v5 =	vsub.f32 v6, v10;
	v6 =	vld [tilespmem:s16+$0x8100]  }
0x26c: {  	v10 =	vld [tilespmem:s16+$0x10100];
	s16 =	sor.u32 $0x460, s15  }
0x26d: {  	v3 =	vadd.f32 v4, v3;
	v4 =	vmul.f32 v5, v5;
	v5 =	vsub.f32 v8, v9;
	v8 =	vld [tilespmem:s16+$0x8100]  }
0x26e: {  	v9 =	vld [tilespmem:s16+$0x10100];
	s16 =	sor.u32 $0x470, s15  }
0x26f: {  	v3 =	vadd.f32 v4, v3;
	v4 =	vmul.f32 v5, v5;
	v5 =	vsub.f32 v7, v11;
	v7 =	vld [tilespmem:s16+$0x8100]  }
0x270: {  	v11 =	vld [tilespmem:s16+$0x10100]  }
0x271: {  	v3 =	vadd.f32 v4, v3;
	v4 =	vmul.f32 v5, v5;
	v5 =	vsub.f32 v6, v10;
	v6 =	vld [tilespmem:s14+$0x8180]  }
0x272: {  	v10 =	vld [tilespmem:s14+$0x10180]  }
0x273: {  	v3 =	vadd.f32 v4, v3;
	v4 =	vmul.f32 v5, v5;
	v5 =	vsub.f32 v8, v9;
	v8 =	vld [tilespmem:s14+$0x8190]  }
0x274: {  	v9 =	vld [tilespmem:s14+$0x10190]  }
0x275: {  	v3 =	vadd.f32 v4, v3;
	v4 =	vmul.f32 v5, v5;
	v5 =	vsub.f32 v7, v11;
	v7 =	vld [tilespmem:s14+$0x81A0]  }
0x276: {  	v11 =	vld [tilespmem:s14+$0x101A0]  }
0x277: {  	v3 =	vadd.f32 v4, v3;
	v4 =	vmul.f32 v5, v5;
	v5 =	vsub.f32 v6, v10;
	v6 =	vld [tilespmem:s14+$0x81B0]  }
0x278: {  	v10 =	vld [tilespmem:s14+$0x101B0]  }
0x279: {  	v3 =	vadd.f32 v4, v3;
	v4 =	vmul.f32 v5, v5;
	v5 =	vsub.f32 v8, v9;
	v8 =	vld [tilespmem:s14+$0x81C0]  }
0x27a: {  	v9 =	vld [tilespmem:s14+$0x101C0]  }
0x27b: {  	v3 =	vadd.f32 v4, v3;
	v4 =	vmul.f32 v5, v5;
	v5 =	vsub.f32 v7, v11;
	v7 =	vld [tilespmem:s14+$0x81D0]  }
0x27c: {  	v11 =	vld [tilespmem:s14+$0x101D0]  }
0x27d: {  	v3 =	vadd.f32 v4, v3;
	v4 =	vmul.f32 v5, v5;
	v5 =	vsub.f32 v6, v10;
	v6 =	vld [tilespmem:s14+$0x81E0]  }
0x27e: {  	v10 =	vld [tilespmem:s14+$0x101E0]  }
0x27f: {  	s16 =	sadd.s32 $0x80, s15;
	v3 =	vadd.f32 v4, v3;
	v4 =	vmul.f32 v5, v5;
	v5 =	vsub.f32 v8, v9;
	v8 =	vld [tilespmem:s14+$0x81F0]  }
0x280: {  	s17 =	sor.u32 $0x400, s16;
	v9 =	vld [tilespmem:s14+$0x101F0]  }
0x281: {  	v3 =	vadd.f32 v4, v3;
	v4 =	vmul.f32 v5, v5;
	v5 =	vsub.f32 v7, v11;
	v7 =	vld [tilespmem:s17+$0x8100]  }
0x282: {  	v11 =	vld [tilespmem:s17+$0x10100];
	s17 =	sor.u32 $0x410, s16  }
0x283: {  	v3 =	vadd.f32 v4, v3;
	v4 =	vmul.f32 v5, v5;
	v5 =	vsub.f32 v6, v10;
	v6 =	vld [tilespmem:s17+$0x8100]  }
0x284: {  	v10 =	vld [tilespmem:s17+$0x10100];
	s17 =	sor.u32 $0x420, s16  }
0x285: {  	v3 =	vadd.f32 v4, v3;
	v4 =	vmul.f32 v5, v5;
	v5 =	vsub.f32 v8, v9;
	v8 =	vld [tilespmem:s17+$0x8100]  }
0x286: {  	v9 =	vld [tilespmem:s17+$0x10100];
	s17 =	sor.u32 $0x430, s16  }
0x287: {  	v3 =	vadd.f32 v4, v3;
	v4 =	vmul.f32 v5, v5;
	v5 =	vsub.f32 v7, v11;
	v7 =	vld [tilespmem:s17+$0x8100]  }
0x288: {  	v11 =	vld [tilespmem:s17+$0x10100];
	s17 =	sor.u32 $0x440, s16  }
0x289: {  	v3 =	vadd.f32 v4, v3;
	v4 =	vmul.f32 v5, v5;
	v5 =	vsub.f32 v6, v10;
	v6 =	vld [tilespmem:s17+$0x8100]  }
0x28a: {  	v10 =	vld [tilespmem:s17+$0x10100];
	s17 =	sor.u32 $0x450, s16  }
0x28b: {  	v3 =	vadd.f32 v4, v3;
	v4 =	vmul.f32 v5, v5;
	v5 =	vsub.f32 v8, v9;
	v8 =	vld [tilespmem:s17+$0x8100]  }
0x28c: {  	v9 =	vld [tilespmem:s17+$0x10100];
	s17 =	sor.u32 $0x460, s16  }
0x28d: {  	v3 =	vadd.f32 v4, v3;
	v4 =	vmul.f32 v5, v5;
	v5 =	vsub.f32 v7, v11;
	v7 =	vld [tilespmem:s17+$0x8100]  }
0x28e: {  	s16 =	sor.u32 $0x470, s16;
	v11 =	vld [tilespmem:s17+$0x10100]  }
0x28f: {  	v3 =	vadd.f32 v4, v3;
	v4 =	vmul.f32 v5, v5;
	v5 =	vsub.f32 v6, v10;
	v6 =	vld [tilespmem:s16+$0x8100]  }
0x290: {  	v10 =	vld [tilespmem:s16+$0x10100]  }
0x291: {  	v3 =	vadd.f32 v4, v3;
	v4 =	vmul.f32 v5, v5;
	v5 =	vsub.f32 v8, v9;
	v8 =	vld [tilespmem:s14+$0x8200]  }
0x292: {  	v9 =	vld [tilespmem:s14+$0x10200]  }
0x293: {  	v3 =	vadd.f32 v4, v3;
	v4 =	vmul.f32 v5, v5;
	v5 =	vsub.f32 v7, v11;
	v7 =	vld [tilespmem:s14+$0x8210]  }
0x294: {  	v11 =	vld [tilespmem:s14+$0x10210]  }
0x295: {  	v3 =	vadd.f32 v4, v3;
	v4 =	vmul.f32 v5, v5;
	v5 =	vsub.f32 v6, v10;
	v6 =	vld [tilespmem:s14+$0x8220]  }
0x296: {  	v10 =	vld [tilespmem:s14+$0x10220]  }
0x297: {  	v3 =	vadd.f32 v4, v3;
	v4 =	vmul.f32 v5, v5;
	v5 =	vsub.f32 v8, v9;
	v8 =	vld [tilespmem:s14+$0x8230]  }
0x298: {  	v9 =	vld [tilespmem:s14+$0x10230]  }
0x299: {  	v3 =	vadd.f32 v4, v3;
	v4 =	vmul.f32 v5, v5;
	v5 =	vsub.f32 v7, v11;
	v7 =	vld [tilespmem:s14+$0x8240]  }
0x29a: {  	v11 =	vld [tilespmem:s14+$0x10240]  }
0x29b: {  	v3 =	vadd.f32 v4, v3;
	v4 =	vmul.f32 v5, v5;
	v5 =	vsub.f32 v6, v10;
	v6 =	vld [tilespmem:s14+$0x8250]  }
0x29c: {  	v10 =	vld [tilespmem:s14+$0x10250]  }
0x29d: {  	v3 =	vadd.f32 v4, v3;
	v4 =	vmul.f32 v5, v5;
	v5 =	vsub.f32 v8, v9;
	v8 =	vld [tilespmem:s14+$0x8260]  }
0x29e: {  	v9 =	vld [tilespmem:s14+$0x10260]  }
0x29f: {  	s16 =	sadd.s32 $0x100, s15;
	v3 =	vadd.f32 v4, v3;
	v4 =	vmul.f32 v5, v5;
	v5 =	vsub.f32 v7, v11;
	v7 =	vld [tilespmem:s14+$0x8270]  }
0x2a0: {  	s17 =	sor.u32 $0x400, s16;
	v11 =	vld [tilespmem:s14+$0x10270]  }
0x2a1: {  	v3 =	vadd.f32 v4, v3;
	v4 =	vmul.f32 v5, v5;
	v5 =	vsub.f32 v6, v10;
	v6 =	vld [tilespmem:s17+$0x8100]  }
0x2a2: {  	v10 =	vld [tilespmem:s17+$0x10100];
	s17 =	sor.u32 $0x410, s16  }
0x2a3: {  	v3 =	vadd.f32 v4, v3;
	v4 =	vmul.f32 v5, v5;
	v5 =	vsub.f32 v8, v9;
	v8 =	vld [tilespmem:s17+$0x8100]  }
0x2a4: {  	v9 =	vld [tilespmem:s17+$0x10100];
	s17 =	sor.u32 $0x420, s16  }
0x2a5: {  	v3 =	vadd.f32 v4, v3;
	v4 =	vmul.f32 v5, v5;
	v5 =	vsub.f32 v7, v11;
	v7 =	vld [tilespmem:s17+$0x8100]  }
0x2a6: {  	v11 =	vld [tilespmem:s17+$0x10100];
	s17 =	sor.u32 $0x430, s16  }
0x2a7: {  	v3 =	vadd.f32 v4, v3;
	v4 =	vmul.f32 v5, v5;
	v5 =	vsub.f32 v6, v10;
	v6 =	vld [tilespmem:s17+$0x8100]  }
0x2a8: {  	v10 =	vld [tilespmem:s17+$0x10100];
	s17 =	sor.u32 $0x440, s16  }
0x2a9: {  	v3 =	vadd.f32 v4, v3;
	v4 =	vmul.f32 v5, v5;
	v5 =	vsub.f32 v8, v9;
	v8 =	vld [tilespmem:s17+$0x8100]  }
0x2aa: {  	v9 =	vld [tilespmem:s17+$0x10100];
	s17 =	sor.u32 $0x450, s16  }
0x2ab: {  	v3 =	vadd.f32 v4, v3;
	v4 =	vmul.f32 v5, v5;
	v5 =	vsub.f32 v7, v11;
	v7 =	vld [tilespmem:s17+$0x8100]  }
0x2ac: {  	v11 =	vld [tilespmem:s17+$0x10100];
	s17 =	sor.u32 $0x460, s16  }
0x2ad: {  	v3 =	vadd.f32 v4, v3;
	v4 =	vmul.f32 v5, v5;
	v5 =	vsub.f32 v6, v10;
	v6 =	vld [tilespmem:s17+$0x8100]  }
0x2ae: {  	s16 =	sor.u32 $0x470, s16;
	v10 =	vld [tilespmem:s17+$0x10100]  }
0x2af: {  	v3 =	vadd.f32 v4, v3;
	v4 =	vmul.f32 v5, v5;
	v5 =	vsub.f32 v8, v9;
	v8 =	vld [tilespmem:s16+$0x8100]  }
0x2b0: {  	v9 =	vld [tilespmem:s16+$0x10100]  }
0x2b1: {  	v3 =	vadd.f32 v4, v3;
	v4 =	vmul.f32 v5, v5;
	v5 =	vsub.f32 v7, v11;
	v7 =	vld [tilespmem:s14+$0x8280]  }
0x2b2: {  	v11 =	vld [tilespmem:s14+$0x10280]  }
0x2b3: {  	v3 =	vadd.f32 v4, v3;
	v4 =	vmul.f32 v5, v5;
	v5 =	vsub.f32 v6, v10;
	v6 =	vld [tilespmem:s14+$0x8290]  }
0x2b4: {  	v10 =	vld [tilespmem:s14+$0x10290]  }
0x2b5: {  	v3 =	vadd.f32 v4, v3;
	v4 =	vmul.f32 v5, v5;
	v5 =	vsub.f32 v8, v9;
	v8 =	vld [tilespmem:s14+$0x82A0]  }
0x2b6: {  	v9 =	vld [tilespmem:s14+$0x102A0]  }
0x2b7: {  	v3 =	vadd.f32 v4, v3;
	v4 =	vmul.f32 v5, v5;
	v5 =	vsub.f32 v7, v11;
	v7 =	vld [tilespmem:s14+$0x82B0]  }
0x2b8: {  	v11 =	vld [tilespmem:s14+$0x102B0]  }
0x2b9: {  	v3 =	vadd.f32 v4, v3;
	v4 =	vmul.f32 v5, v5;
	v5 =	vsub.f32 v6, v10;
	v6 =	vld [tilespmem:s14+$0x82C0]  }
0x2ba: {  	v10 =	vld [tilespmem:s14+$0x102C0]  }
0x2bb: {  	v3 =	vadd.f32 v4, v3;
	v4 =	vmul.f32 v5, v5;
	v5 =	vsub.f32 v8, v9;
	v8 =	vld [tilespmem:s14+$0x82D0]  }
0x2bc: {  	v9 =	vld [tilespmem:s14+$0x102D0]  }
0x2bd: {  	v3 =	vadd.f32 v4, v3;
	v4 =	vmul.f32 v5, v5;
	v5 =	vsub.f32 v7, v11;
	v7 =	vld [tilespmem:s14+$0x82E0]  }
0x2be: {  	v11 =	vld [tilespmem:s14+$0x102E0]  }
0x2bf: {  	s15 =	sadd.s32 $0x180, s15;
	v3 =	vadd.f32 v4, v3;
	v4 =	vmul.f32 v5, v5;
	v5 =	vsub.f32 v6, v10;
	v6 =	vld [tilespmem:s14+$0x82F0]  }
0x2c0: {  	v10 =	vld [tilespmem:s14+$0x102F0];
	s14 =	sor.u32 $0x400, s15  }
0x2c1: {  	v3 =	vadd.f32 v4, v3;
	v4 =	vmul.f32 v5, v5;
	v5 =	vsub.f32 v8, v9;
	v8 =	vld [tilespmem:s14+$0x8100]  }
0x2c2: {  	v9 =	vld [tilespmem:s14+$0x10100];
	s14 =	sor.u32 $0x410, s15  }
0x2c3: {  	v3 =	vadd.f32 v4, v3;
	v4 =	vmul.f32 v5, v5;
	v5 =	vsub.f32 v7, v11;
	v7 =	vld [tilespmem:s14+$0x8100]  }
0x2c4: {  	v11 =	vld [tilespmem:s14+$0x10100];
	s14 =	sor.u32 $0x420, s15  }
0x2c5: {  	v3 =	vadd.f32 v4, v3;
	v4 =	vmul.f32 v5, v5;
	v5 =	vsub.f32 v6, v10;
	v6 =	vld [tilespmem:s14+$0x8100]  }
0x2c6: {  	v10 =	vld [tilespmem:s14+$0x10100];
	s14 =	sor.u32 $0x430, s15  }
0x2c7: {  	v3 =	vadd.f32 v4, v3;
	v4 =	vmul.f32 v5, v5;
	v5 =	vsub.f32 v8, v9;
	v8 =	vld [tilespmem:s14+$0x8100]  }
0x2c8: {  	v12 =	vld [tilespmem:s14+$0x10100];
	s14 =	sor.u32 $0x440, s15  }
0x2c9: {  	v3 =	vadd.f32 v4, v3;
	v5 =	vmul.f32 v5, v5;
	v9 =	vsub.f32 v7, v11;
	v4 =	vld [tilespmem:s14+$0x8100]  }
.Ltmp1:
0x2ca: {  	v7 =	vld [tilespmem:s14+$0x10100];
	s14 =	sor.u32 $0x450, s15;
	(pc) =	sbr.rel @p1 .LBB2_4-.Ltmp1, $4  }
0x2cb: {  	v5 =	vadd.f32 v5, v3;
	v9 =	vmul.f32 v9, v9;
	v10 =	vsub.f32 v6, v10;
	v3 =	vld [tilespmem:s14+$0x8100]  }
0x2cc: {  	v6 =	vld [tilespmem:s14+$0x10100];
	s14 =	sor.u32 $0x460, s15  }
0x2cd: {  	v9 =	vadd.f32 v9, v5;
	v10 =	vmul.f32 v10, v10;
	v11 =	vsub.f32 v8, v12;
	v5 =	vld [tilespmem:s14+$0x8100]  }
0x2ce: {  	s0 =	sadd.s32 $0x200, s0;
	s13 =	sadd.s32 $0x400, s13;
	s15 =	sor.u32 $0x470, s15;
	v8 =	vld [tilespmem:s14+$0x10100]  }
0x2cf: {  	v9 =	vadd.f32 v10, v9;
	v58 =	vmul.f32 v11, v11;
	v4 =	vsub.f32 v4, v7;
	v59 =	vld [tilespmem:s15+$0x8100]  }
0x2d0: {  	v60 =	vld [tilespmem:s15+$0x10100]  }
0x2d1: {  	v9 =	vadd.f32 v58, v9;
	v4 =	vmul.f32 v4, v4;
	v3 =	vsub.f32 v3, v6;
	_ =	sdelay $0x1  }
0x2d2: {  	v4 =	vadd.f32 v4, v9;
	v3 =	vmul.f32 v3, v3;
	v5 =	vsub.f32 v5, v8;
	_ =	sdelay $0x1  }
0x2d3: {  	v62 =	vsub.f32 v59, v60;
	v3 =	vadd.f32 v3, v4;
	v61 =	vmul.f32 v5, v5;
	_ =	sdelay $0x1  }
0x2d4: {  	v63 =	vmul.f32 v62, v62;
	v3 =	vadd.f32 v61, v3;
	_ =	sdelay $0x1  }
0x2d5: {  	v3 =	vadd.f32 v63, v3;
	_ =	sdelay $0x1  }
0x2d6: {  	[tilespmem:$0x18100] =	vst v3  }
0x2d7: {  	_ =	swait.ge [sflag:s24], $0x8000  }
0x2d8: {  	[sflag:s24] =	ssyncset.done $0x0  }
0x2d9: {  	[sflag:s24] =	ssyncadd.s32 $0xFFFF8000  }
0x2da: {  	s31 =	sadd.s32 $0x1, s31;
	_ =	swait.ge [sflag:s28], $0x8000  }
0x2db: {  	p0 =	sne.s32 s31, s10;
	[sflag:s28] =	ssyncset.done $0x0  }
.Ltmp2:
0x2dc: {  	[sflag:s28] =	ssyncadd.s32 $0xFFFF8000;
	(pc) =	sbr.rel @p0 .LBB2_1-.Ltmp2, $4  }
0x2dd: {  	[hbm4b:s9+s3] =	stream.linear.scatter [tilespmem:s30], [sflag:$0x4], $0x80, $0x38;
	[tilespmem:$0x18180] =	vst v63  }
0x2de: {  	_ =	swait.ge [sflag:s11], $0x80  }
0x2df: {  	[sflag:s11] =	ssyncset.done $0x0  }
0x2e0: {  	[sflag:s11] =	ssyncadd.s32 $0xFFFFFF80  }
0x2e1: {  	_ =	sfence.sel $0x180000  }
0x2e2: {  	[bflag:$0x0] =	sbarrier.arrive $0xFFFF  }
0x2e3: {  	_ =	strace $0x90000047  }
0x2e4: {  	s0 =	stileid.u32;
	[bflag:$0x2] =	sbarrier.arrive $0xFFFF  }
0x2e5: {  	p0 =	sne.s32 s0, $0x0;
	s0 =	rddreg [dreg:$0x3]  }
0x2e6: {  	s0 =	sadd.s32 @!p0 $0x100000, s0  }
0x2e7: {  	[sflag:s0] =	ssyncadd.tile.s32 @!p0 $0x1;
	_ =	shalt  }
.Lfunc_end2:
_tile_overlayer_lowered:
.L_overlay_start_2:
0x2e8: {  	(tag) =	ssettag $0x2  }
0x2e9: {  	s0 =	rddreg [dreg:$0x0];
	s2 =	stileid.u32  }
0x2ea: {  	s1 =	rddreg [dreg:$0x1];
	p0 =	sne.s32 s2, $0x0  }
0x2eb: {  	s3 =	rddreg [dreg:$0x2];
	[bflag:$0x3] =	sbarrier.arrive $0xFFFF;
	s2 =	simm.s32 @!p0 $0x1C04  }
0x2ec: {  	[timem:s3], [sflag:s2] =	dma.local @!p0 [hbm:s0], s1  }
0x2ed: {  	s0 =	simm.s32 @!p0 $0x4  }
0x2ee: {  	_ =	swait.ge @!p0 [sflag:s0], s1  }
0x2ef: {  	s1 =	ssub.s32 @!p0 $0x0, s1;
	[sflag:s0] =	ssyncset.done @!p0 $0x0  }
0x2f0: {  	[sflag:s0] =	ssyncadd.s32 @!p0 s1  }
0x2f1: {  	[bflag:$0x3] =	sbarrier.arrive $0xFFFF  }
0x2f2: {  	_ =	shalt  }

</sc_bundles>
